<compile_context>
chip_gen: v7x
topology: tpu7x:2x2x1
jax: 0.10.2.dev20260603
libtpu: 0.0.44.dev20260713+nightly
codegen_flags: <defaults>
</compile_context>

<pallas_src>
import functools

import jax
import jax.numpy as jnp
from jax import lax
from jax.experimental import pallas as pl
from jax.experimental.pallas import tpu as pltpu
from jax.experimental.pallas import tpu_sc as plsc

_B, _L, _D = 1024, 200, 128
_K = 4
_BC = _B // _K
_NC, _NS = 2, 16
_NW = _NC * _NS
_CHUNK = 64
_NBUF = 5
_KD = 2
_ROWS_W = (_BC * _L) // _NW
_NCHUNK = _ROWS_W // _CHUNK


def _sc_gather_body(uh_hbm, nodes_hbm, utab_hbm, itab_hbm, uout_hbm, iout_hbm,
                    idx_v, bufs, isem, ibuf, gsems, wsems):
    wid = lax.axis_index("s") * _NC + lax.axis_index("c")
    base = wid * _ROWS_W

    pltpu.sync_copy(uh_hbm.at[wid], idx_v)

    @pl.when(wid < _BC // _CHUNK)
    def _():
        pltpu.sync_copy(nodes_hbm.at[wid], ibuf[0])
        pltpu.async_copy(itab_hbm.at[ibuf[0].at[0]], ibuf[1], isem).wait()
        pltpu.sync_copy(ibuf[1], iout_hbm.at[pl.ds(wid * _CHUNK, _CHUNK)])

    for b in range(_NBUF):
        pltpu.async_copy(utab_hbm.at[idx_v.at[b]], bufs[b], gsems[b])

    def chunk_iter(j0):
        for b in range(_NBUF):
            j = j0 + b
            pltpu.make_async_copy(utab_hbm.at[idx_v.at[b]], bufs[b],
                                  gsems[b]).wait()
            pltpu.async_copy(
                bufs[b], uout_hbm.at[pl.ds(base + j * _CHUNK, _CHUNK)],
                wsems[b])

            bp = (b - _KD) % _NBUF
            jp = j - _KD

            @pl.when(jnp.logical_and(jp >= 0,
                                     jp + _NBUF <= _NCHUNK - 1))
            def _():
                pltpu.make_async_copy(
                    bufs[bp], uout_hbm.at[pl.ds(base + jp * _CHUNK, _CHUNK)],
                    wsems[bp]).wait()
                pltpu.async_copy(utab_hbm.at[idx_v.at[jp + _NBUF]], bufs[bp],
                                 gsems[bp])

    lax.fori_loop(0, _NCHUNK // _NBUF, lambda i, c: (chunk_iter(i * _NBUF), c)[1],
                  0, unroll=False)

    for b in range(_NBUF):
        j = _NCHUNK - _NBUF + b
        pltpu.make_async_copy(
            bufs[b], uout_hbm.at[pl.ds(base + j * _CHUNK, _CHUNK)],
            wsems[b]).wait()


def _sc_gather(user_hist, nodes, user_table, item_table):
    mesh = plsc.VectorSubcoreMesh(core_axis_name="c", subcore_axis_name="s")
    uh3d = user_hist.reshape(_NW, _NCHUNK, _CHUNK).astype(jnp.int32)
    nodes3d = nodes.reshape(_BC // _CHUNK, 1, _CHUNK).astype(jnp.int32)
    gdt, gw = user_table.dtype, user_table.shape[1]
    scratch = [
        pltpu.VMEM((_NCHUNK, _CHUNK), jnp.int32),
        [pltpu.VMEM((_CHUNK, gw), gdt) for _ in range(_NBUF)],
        pltpu.SemaphoreType.DMA,
        [pltpu.VMEM((1, _CHUNK), jnp.int32),
         pltpu.VMEM((_CHUNK, _D), jnp.float32)],
        [pltpu.SemaphoreType.DMA for _ in range(_NBUF)],
        [pltpu.SemaphoreType.DMA for _ in range(_NBUF)],
    ]
    fn = pl.kernel(
        _sc_gather_body,
        out_type=[jax.ShapeDtypeStruct((_BC * _L, gw), gdt),
                  jax.ShapeDtypeStruct((_BC, _D), jnp.float32)],
        mesh=mesh,
        scratch_types=scratch,
    )
    return fn(uh3d, nodes3d, user_table, item_table)


def _xform_body(utab_ref, ln1_ref, out_ref):
    r = lax.dot_general(utab_ref[...], ln1_ref[...][:, :_D],
                        (((1,), (1,)), ((), ())),
                        preferred_element_type=jnp.float32)
    out_ref[...] = r


def _transform_table(user_table, ln1_w, *, rb=2000, interpret=False):
    n = user_table.shape[0]
    return pl.pallas_call(
        _xform_body,
        grid=(n // rb,),
        in_specs=[pl.BlockSpec((rb, _D), lambda i: (i, 0)),
                  pl.BlockSpec(ln1_w.shape, lambda i: (0, 0))],
        out_specs=pl.BlockSpec((rb, _D), lambda i: (i, 0)),
        out_shape=jax.ShapeDtypeStruct((n, _D), jnp.float32),
        interpret=interpret,
    )(user_table, ln1_w)


def _tc_body(gath_ref, rh_ref, wi_ref, ln1_ref, ln1b_ref, ln2_ref, ln2b_ref,
             ln3_ref, ln3b_ref, att1_ref, att1b_ref, att2_ref, att2b_ref,
             rtab_ref, out_ref, *, nb):
    f32 = jnp.float32
    dot = lambda a, b: lax.dot_general(a, b, (((1,), (1,)), ((), ())),
                                       preferred_element_type=f32)

    g = gath_ref[...]
    rh = rh_ref[...]
    wi = wi_ref[...]

    ln1 = ln1_ref[...]
    rfold = dot(rtab_ref[...], ln1[:, _D:]) + ln1b_ref[...]
    rfold8 = jnp.concatenate([rfold, jnp.zeros((2, _D), f32)], axis=0)
    oht = (rh == lax.broadcasted_iota(jnp.int32, (8, 1), 0)).astype(f32)
    rpart = lax.dot_general(oht, rfold8, (((0,), (0,)), ((), ())),
                            preferred_element_type=f32)

    f = jnp.maximum(dot(g, ln1[:, :_D]) + rpart, 0.0)

    rows = nb * _L
    att1 = att1_ref[...]
    c = dot(wi, att1[:, _D:]) + att1b_ref[...]
    hmat = dot(f, att1[:, :_D]).reshape(nb, _L, _D)
    h = jnp.maximum(hmat + c[:, None, :], 0.0).reshape(rows, _D)
    st = lax.dot_general(att2_ref[...], h, (((1,), (1,)), ((), ())),
                         preferred_element_type=f32)
    ex = jnp.exp(st - jnp.max(st))
    seg = lax.broadcasted_iota(jnp.int32, (1, rows), 1) // _L
    m = jnp.where(seg == lax.broadcasted_iota(jnp.int32, (nb, 1), 0),
                  ex, 0.0)
    denom = jnp.sum(m, axis=1, keepdims=True)
    zsum = lax.dot_general(m, f, (((1,), (0,)), ((), ())),
                           preferred_element_type=f32)
    z = zsum / denom

    z2 = jnp.maximum(dot(z, ln2_ref[...]) + ln2b_ref[...], 0.0)
    ln3 = ln3_ref[...]
    out = jnp.maximum(dot(wi, ln3[:, :_D]) + dot(z2, ln3[:, _D:])
                      + ln3b_ref[...], 0.0)
    out_ref[...] = out


def _tc_compute(gathered, rh2d, w_item, rating_table,
                ln1_w, ln1_b, ln2_w, ln2_b, ln3_w, ln3_b,
                att1_w, att1_b, att2_w, att2_b, *, nb=64, interpret=False):
    bc = w_item.shape[0]
    grid = (bc // nb,)
    row1 = lambda x: x.reshape(1, -1).astype(jnp.float32)
    full = lambda a: pl.BlockSpec(a.shape, lambda i: (0,) * a.ndim)
    in_specs = [
        pl.BlockSpec((nb * _L, gathered.shape[1]), lambda i: (i, 0)),
        pl.BlockSpec((1, nb * _L), lambda i: (0, i)),
        pl.BlockSpec((nb, _D), lambda i: (i, 0)),
        full(ln1_w), full(row1(ln1_b)), full(ln2_w), full(row1(ln2_b)),
        full(ln3_w), full(row1(ln3_b)), full(att1_w), full(row1(att1_b)),
        full(row1(att2_w)), full(row1(att2_b)), full(rating_table),
    ]
    return pl.pallas_call(
        functools.partial(_tc_body, nb=nb),
        grid=grid,
        in_specs=in_specs,
        out_specs=pl.BlockSpec((nb, _D), lambda i: (i, 0)),
        out_shape=jax.ShapeDtypeStruct((bc, _D), jnp.float32),
        interpret=interpret,
    )(gathered, rh2d, w_item, ln1_w, row1(ln1_b), ln2_w, row1(ln2_b),
      ln3_w, row1(ln3_b), att1_w, row1(att1_b), row1(att2_w), row1(att2_b),
      rating_table)


def kernel(user_hist, rating_hist, nodes, user_table, item_table,
           rating_table, ln1_w, ln1_b, ln2_w, ln2_b, ln3_w, ln3_b,
           att1_w, att1_b, att2_w, att2_b):
    rh_t = rating_hist.reshape(1, _B * _L).astype(jnp.int32)
    outs = []
    for k in range(_K):
        sl = slice(k * _BC, (k + 1) * _BC)
        gathered, w_item = _sc_gather(user_hist[sl], nodes[sl], user_table,
                                      item_table)
        outs.append(_tc_compute(
            gathered, rh_t[:, k * _BC * _L:(k + 1) * _BC * _L], w_item,
            rating_table, ln1_w, ln1_b, ln2_w, ln2_b,
            ln3_w, ln3_b, att1_w, att1_b, att2_w, att2_b))
    return jnp.concatenate(outs, axis=0)

# --- scband reference (transcript-rebuilt; emitter-appended) ---
"""Pipeline reference for scband-aggre-user-27814208209715 (READ-ONLY COPY).

The authoritative reference and input builder live on the scoring server;
editing this copy changes nothing except your own understanding.
"""

import jax, jax.numpy as jnp
import numpy as np

B, L, D = 1024, 200, 128
N_USERS, N_ITEMS, N_RATINGS = 100000, 100000, 6


def setup_inputs(seed: int = 0) -> dict:
    key = jax.random.key(seed)
    ks = jax.random.split(key, 16)
    s1 = 1.0 / np.sqrt(2 * D)
    s2 = 1.0 / np.sqrt(D)
    inp = {}
    inp["user_hist"] = jax.random.randint(ks[0], (B, L), 0, N_USERS)
    inp["rating_hist"] = jax.random.randint(ks[1], (B, L), 0, N_RATINGS)
    inp["nodes"] = jax.random.randint(ks[2], (B,), 0, N_ITEMS)
    inp["user_table"] = jax.random.normal(ks[3], (N_USERS, D), dtype=jnp.float32) * 0.02
    inp["item_table"] = jax.random.normal(ks[4], (N_ITEMS, D), dtype=jnp.float32) * 0.02
    inp["rating_table"] = jax.random.normal(ks[5], (N_RATINGS, D), dtype=jnp.float32) * 0.02
    inp["ln1_w"] = jax.random.uniform(ks[6], (D, 2 * D), minval=-s1, maxval=s1, dtype=jnp.float32)
    inp["ln1_b"] = jnp.zeros((D,), jnp.float32)
    inp["ln2_w"] = jax.random.uniform(ks[7], (D, D), minval=-s2, maxval=s2, dtype=jnp.float32)
    inp["ln2_b"] = jnp.zeros((D,), jnp.float32)
    inp["ln3_w"] = jax.random.uniform(ks[8], (D, 2 * D), minval=-s1, maxval=s1, dtype=jnp.float32)
    inp["ln3_b"] = jnp.zeros((D,), jnp.float32)
    inp["att1_w"] = jax.random.uniform(ks[9], (D, 2 * D), minval=-s1, maxval=s1, dtype=jnp.float32)
    inp["att1_b"] = jnp.zeros((D,), jnp.float32)
    inp["att2_w"] = jax.random.uniform(ks[10], (1, D), minval=-s2, maxval=s2, dtype=jnp.float32)
    inp["att2_b"] = jnp.zeros((1,), jnp.float32)
    return inp


def reference(user_hist, rating_hist, nodes, user_table, item_table, rating_table,
              ln1_w, ln1_b, ln2_w, ln2_b, ln3_w, ln3_b,
              att1_w, att1_b, att2_w, att2_b):
    # Dense/batched translation of Aggre_user.user_final with uniform history length L.
    # Per-node ragged loop in the torch code becomes vectorized over axis 1.
    w_user = jnp.take(user_table, user_hist, axis=0)        # [B, L, D]
    w_rating = jnp.take(rating_table, rating_hist, axis=0)  # [B, L, D]
    f_j = jax.nn.relu(jnp.concatenate([w_user, w_rating], axis=-1) @ ln1_w.T + ln1_b)  # [B, L, D]
    w_item = jnp.take(item_table, nodes, axis=0)            # [B, D]
    w_item_rep = jnp.broadcast_to(w_item[:, None, :], f_j.shape)  # repeat(num_user, 1)
    mu_in = jnp.concatenate([f_j, w_item_rep], axis=-1)     # [B, L, 2D]
    a = jax.nn.relu(mu_in @ att1_w.T + att1_b)              # [B, L, D]
    a = a @ att2_w.T + att2_b                               # [B, L, 1]
    mu = jax.nn.softmax(a, axis=1)                          # softmax over history (dim=0 per node)
    z_j = jnp.sum(f_j * mu, axis=1)                         # f_j.T @ mu -> [B, D]
    z_j = jax.nn.relu(z_j @ ln2_w.T + ln2_b)                # [B, D]
    item_factors = jnp.concatenate([w_item, z_j], axis=-1)  # [B, 2D]
    item_factors = jax.nn.relu(item_factors @ ln3_w.T + ln3_b)  # [B, D]
    return item_factors

if __name__ == "__main__":
    import jax
    _d = setup_inputs()
    print(jax.jit(kernel)(*tuple(_d.values())))

</pallas_src>

<mosaic_0001>
#map = affine_map<(d0, d1) -> (0, 0, 0)>
#map1 = affine_map<(d0, d1) -> (0, 0)>
module attributes {stable_mosaic.version = 14 : i64} {
  func.func @_sc_gather_body(%arg0: i32, %arg1: i32, %arg2: memref<32x25x64xi32, #tpu.memory_space<hbm>>, %arg3: memref<4x1x64xi32, #tpu.memory_space<hbm>>, %arg4: memref<100000x128xf32, #tpu.memory_space<hbm>>, %arg5: memref<100000x128xf32, #tpu.memory_space<hbm>>, %arg6: memref<51200x128xf32, #tpu.memory_space<hbm>>, %arg7: memref<256x128xf32, #tpu.memory_space<hbm>>, %arg8: memref<25x64xi32, #tpu.memory_space<vmem>>, %arg9: memref<64x128xf32, #tpu.memory_space<vmem>>, %arg10: memref<64x128xf32, #tpu.memory_space<vmem>>, %arg11: memref<64x128xf32, #tpu.memory_space<vmem>>, %arg12: memref<64x128xf32, #tpu.memory_space<vmem>>, %arg13: memref<64x128xf32, #tpu.memory_space<vmem>>, %arg14: memref<!tpu.dma_semaphore, #tpu.memory_space<semaphore_mem>>, %arg15: memref<1x64xi32, #tpu.memory_space<vmem>>, %arg16: memref<64x128xf32, #tpu.memory_space<vmem>>, %arg17: memref<!tpu.dma_semaphore, #tpu.memory_space<semaphore_mem>>, %arg18: memref<!tpu.dma_semaphore, #tpu.memory_space<semaphore_mem>>, %arg19: memref<!tpu.dma_semaphore, #tpu.memory_space<semaphore_mem>>, %arg20: memref<!tpu.dma_semaphore, #tpu.memory_space<semaphore_mem>>, %arg21: memref<!tpu.dma_semaphore, #tpu.memory_space<semaphore_mem>>, %arg22: memref<!tpu.dma_semaphore, #tpu.memory_space<semaphore_mem>>, %arg23: memref<!tpu.dma_semaphore, #tpu.memory_space<semaphore_mem>>, %arg24: memref<!tpu.dma_semaphore, #tpu.memory_space<semaphore_mem>>, %arg25: memref<!tpu.dma_semaphore, #tpu.memory_space<semaphore_mem>>, %arg26: memref<!tpu.dma_semaphore, #tpu.memory_space<semaphore_mem>>) attributes {dimension_semantics = [#tpu.dimension_semantics<core_parallel>, #tpu.dimension_semantics<subcore_parallel>], iteration_bounds = array<i64: 2, 16>, scalar_prefetch = 0 : i64, scratch_operands = 19 : i64, tpu.core_type = #tpu.core_type<sc_vector_subcore>, window_params = [{transform_indices = #map}, {transform_indices = #map}, {transform_indices = #map1}, {transform_indices = #map1}, {transform_indices = #map1}, {transform_indices = #map1}]} {
    %mul3A = arith.constant 2 : i32
    %mul3A_0 = arith.muli %arg1, %mul3A : i32
    %add3A = arith.addi %mul3A_0, %arg0 : i32
    %mul3A_1 = arith.constant 1600 : i32
    %mul3A_2 = arith.muli %add3A, %mul3A_1 : i32
    "tpu.region"() ({
      %run_scoped3A = tpu.sem_alloc : memref<!tpu.dma_semaphore, #tpu.memory_space<semaphore_mem>>
      %dma_start3A_73 = arith.constant 0 : i32
      %dma_start3A_74 = arith.constant 0 : i32
      %dma_start3A_75 = tpu.memref_slice %arg2[%add3A, %dma_start3A_73, %dma_start3A_74] : memref<32x25x64xi32, #tpu.memory_space<hbm>> -> memref<1x25x64xi32, #tpu.memory_space<hbm>>
      %dma_start3A_76 = tpu.memref_squeeze %dma_start3A_75 : memref<1x25x64xi32, #tpu.memory_space<hbm>> -> memref<25x64xi32, #tpu.memory_space<hbm>>
      %dma_start3A_77 = arith.constant 0 : i32
      %dma_start3A_78 = arith.constant 0 : i32
      %dma_start3A_79 = tpu.memref_slice %arg2[%add3A, %dma_start3A_77, %dma_start3A_78] : memref<32x25x64xi32, #tpu.memory_space<hbm>> -> memref<1x25x64xi32, #tpu.memory_space<hbm>>
      %dma_start3A_80 = tpu.memref_squeeze %dma_start3A_79 : memref<1x25x64xi32, #tpu.memory_space<hbm>> -> memref<25x64xi32, #tpu.memory_space<hbm>>
      tpu.enqueue_dma source(%dma_start3A_80 : memref<25x64xi32, #tpu.memory_space<hbm>>) target(%arg8 : memref<25x64xi32, #tpu.memory_space<vmem>>) target_semaphore(%run_scoped3A : memref<!tpu.dma_semaphore, #tpu.memory_space<semaphore_mem>>)
      %dma_wait3A_81 = arith.constant 0 : i32
      %dma_wait3A_82 = arith.constant 0 : i32
      %dma_wait3A_83 = tpu.memref_slice %arg2[%add3A, %dma_wait3A_81, %dma_wait3A_82] : memref<32x25x64xi32, #tpu.memory_space<hbm>> -> memref<1x25x64xi32, #tpu.memory_space<hbm>>
      %dma_wait3A_84 = tpu.memref_squeeze %dma_wait3A_83 : memref<1x25x64xi32, #tpu.memory_space<hbm>> -> memref<25x64xi32, #tpu.memory_space<hbm>>
      %dma_wait3A_85 = arith.constant 0 : i32
      %dma_wait3A_86 = arith.constant 0 : i32
      %dma_wait3A_87 = tpu.memref_slice %arg2[%add3A, %dma_wait3A_85, %dma_wait3A_86] : memref<32x25x64xi32, #tpu.memory_space<hbm>> -> memref<1x25x64xi32, #tpu.memory_space<hbm>>
      %dma_wait3A_88 = tpu.memref_squeeze %dma_wait3A_87 : memref<1x25x64xi32, #tpu.memory_space<hbm>> -> memref<25x64xi32, #tpu.memory_space<hbm>>
      tpu.wait_dma2 semaphore(%run_scoped3A : memref<!tpu.dma_semaphore, #tpu.memory_space<semaphore_mem>>) src(%dma_wait3A_88 : memref<25x64xi32, #tpu.memory_space<hbm>>) dst(%arg8 : memref<25x64xi32, #tpu.memory_space<vmem>>)
      tpu.yield
    }) : () -> ()
    %lt3A = arith.constant 4 : i32
    %lt3A_3 = arith.cmpi slt, %add3A, %lt3A : i32
    %convert_element_type3A = arith.extui %lt3A_3 : i1 to i32
    %cond3A = arith.constant 0 : i32
    %cond3A_4 = arith.cmpi ne, %convert_element_type3A, %cond3A : i32
    scf.if %cond3A_4 {
      "tpu.region"() ({
        %run_scoped3A = tpu.sem_alloc : memref<!tpu.dma_semaphore, #tpu.memory_space<semaphore_mem>>
        %dma_start3A_89 = arith.constant 0 : i32
        %dma_start3A_90 = arith.constant 0 : i32
        %dma_start3A_91 = tpu.memref_slice %arg3[%add3A, %dma_start3A_89, %dma_start3A_90] : memref<4x1x64xi32, #tpu.memory_space<hbm>> -> memref<1x1x64xi32, #tpu.memory_space<hbm>>
        %dma_start3A_92 = tpu.memref_squeeze %dma_start3A_91 : memref<1x1x64xi32, #tpu.memory_space<hbm>> -> memref<1x64xi32, #tpu.memory_space<hbm>>
        %dma_start3A_93 = arith.constant 0 : i32
        %dma_start3A_94 = arith.constant 0 : i32
        %dma_start3A_95 = tpu.memref_slice %arg3[%add3A, %dma_start3A_93, %dma_start3A_94] : memref<4x1x64xi32, #tpu.memory_space<hbm>> -> memref<1x1x64xi32, #tpu.memory_space<hbm>>
        %dma_start3A_96 = tpu.memref_squeeze %dma_start3A_95 : memref<1x1x64xi32, #tpu.memory_space<hbm>> -> memref<1x64xi32, #tpu.memory_space<hbm>>
        tpu.enqueue_dma source(%dma_start3A_96 : memref<1x64xi32, #tpu.memory_space<hbm>>) target(%arg15 : memref<1x64xi32, #tpu.memory_space<vmem>>) target_semaphore(%run_scoped3A : memref<!tpu.dma_semaphore, #tpu.memory_space<semaphore_mem>>)
        %dma_wait3A_97 = arith.constant 0 : i32
        %dma_wait3A_98 = arith.constant 0 : i32
        %dma_wait3A_99 = tpu.memref_slice %arg3[%add3A, %dma_wait3A_97, %dma_wait3A_98] : memref<4x1x64xi32, #tpu.memory_space<hbm>> -> memref<1x1x64xi32, #tpu.memory_space<hbm>>
        %dma_wait3A_100 = tpu.memref_squeeze %dma_wait3A_99 : memref<1x1x64xi32, #tpu.memory_space<hbm>> -> memref<1x64xi32, #tpu.memory_space<hbm>>
        %dma_wait3A_101 = arith.constant 0 : i32
        %dma_wait3A_102 = arith.constant 0 : i32
        %dma_wait3A_103 = tpu.memref_slice %arg3[%add3A, %dma_wait3A_101, %dma_wait3A_102] : memref<4x1x64xi32, #tpu.memory_space<hbm>> -> memref<1x1x64xi32, #tpu.memory_space<hbm>>
        %dma_wait3A_104 = tpu.memref_squeeze %dma_wait3A_103 : memref<1x1x64xi32, #tpu.memory_space<hbm>> -> memref<1x64xi32, #tpu.memory_space<hbm>>
        tpu.wait_dma2 semaphore(%run_scoped3A : memref<!tpu.dma_semaphore, #tpu.memory_space<semaphore_mem>>) src(%dma_wait3A_104 : memref<1x64xi32, #tpu.memory_space<hbm>>) dst(%arg15 : memref<1x64xi32, #tpu.memory_space<vmem>>)
        tpu.yield
      }) : () -> ()
      %dma_start3A_73 = arith.constant 0 : i32
      %dma_start3A_74 = arith.constant 0 : i32
      %dma_start3A_75 = tpu.memref_slice %arg15[%dma_start3A_73, %dma_start3A_74] : memref<1x64xi32, #tpu.memory_space<vmem>> -> memref<1x64xi32, #tpu.memory_space<vmem>>
      %dma_start3A_76 = tpu.memref_squeeze %dma_start3A_75 : memref<1x64xi32, #tpu.memory_space<vmem>> -> memref<64xi32, #tpu.memory_space<vmem>>
      %dma_start3A_77 = arith.constant 0 : i32
      %dma_start3A_78 = arith.constant 0 : i32
      %dma_start3A_79 = tpu.memref_slice %arg5[%dma_start3A_77, %dma_start3A_78] : memref<100000x128xf32, #tpu.memory_space<hbm>> -> memref<100000x128xf32, #tpu.memory_space<hbm>>
      tpu.enqueue_indirect_dma source(%dma_start3A_79 : memref<100000x128xf32, #tpu.memory_space<hbm>>) target(%arg16 : memref<64x128xf32, #tpu.memory_space<vmem>>) offsets(%dma_start3A_76 : memref<64xi32, #tpu.memory_space<vmem>>) semaphore(%arg14 : memref<!tpu.dma_semaphore, #tpu.memory_space<semaphore_mem>>)
      %dma_wait3A_80 = arith.constant 0 : i32
      %dma_wait3A_81 = arith.constant 0 : i32
      %dma_wait3A_82 = tpu.memref_slice %arg15[%dma_wait3A_80, %dma_wait3A_81] : memref<1x64xi32, #tpu.memory_space<vmem>> -> memref<1x64xi32, #tpu.memory_space<vmem>>
      %dma_wait3A_83 = tpu.memref_squeeze %dma_wait3A_82 : memref<1x64xi32, #tpu.memory_space<vmem>> -> memref<64xi32, #tpu.memory_space<vmem>>
      %dma_wait3A_84 = arith.constant 0 : i32
      %dma_wait3A_85 = arith.constant 0 : i32
      %dma_wait3A_86 = tpu.memref_slice %arg5[%dma_wait3A_84, %dma_wait3A_85] : memref<100000x128xf32, #tpu.memory_space<hbm>> -> memref<100000x128xf32, #tpu.memory_space<hbm>>
      tpu.wait_indirect_dma semaphore(%arg14 : memref<!tpu.dma_semaphore, #tpu.memory_space<semaphore_mem>>) src(%dma_wait3A_86 : memref<100000x128xf32, #tpu.memory_space<hbm>>) dst(%arg16 : memref<64x128xf32, #tpu.memory_space<vmem>>)
      %mul3A_87 = arith.constant 64 : i32
      %mul3A_88 = arith.muli %add3A, %mul3A_87 : i32
      "tpu.region"() ({
        %run_scoped3A = tpu.sem_alloc : memref<!tpu.dma_semaphore, #tpu.memory_space<semaphore_mem>>
        %dma_start3A_89 = arith.constant 0 : i32
        %dma_start3A_90 = tpu.memref_slice %arg7[%mul3A_88, %dma_start3A_89] : memref<256x128xf32, #tpu.memory_space<hbm>> -> memref<64x128xf32, #tpu.memory_space<hbm>>
        %dma_start3A_91 = arith.constant 0 : i32
        %dma_start3A_92 = tpu.memref_slice %arg7[%mul3A_88, %dma_start3A_91] : memref<256x128xf32, #tpu.memory_space<hbm>> -> memref<64x128xf32, #tpu.memory_space<hbm>>
        tpu.enqueue_dma source(%arg16 : memref<64x128xf32, #tpu.memory_space<vmem>>) target(%dma_start3A_92 : memref<64x128xf32, #tpu.memory_space<hbm>>) target_semaphore(%run_scoped3A : memref<!tpu.dma_semaphore, #tpu.memory_space<semaphore_mem>>)
        %dma_wait3A_93 = arith.constant 0 : i32
        %dma_wait3A_94 = tpu.memref_slice %arg7[%mul3A_88, %dma_wait3A_93] : memref<256x128xf32, #tpu.memory_space<hbm>> -> memref<64x128xf32, #tpu.memory_space<hbm>>
        %dma_wait3A_95 = arith.constant 0 : i32
        %dma_wait3A_96 = tpu.memref_slice %arg7[%mul3A_88, %dma_wait3A_95] : memref<256x128xf32, #tpu.memory_space<hbm>> -> memref<64x128xf32, #tpu.memory_space<hbm>>
        tpu.wait_dma2 semaphore(%run_scoped3A : memref<!tpu.dma_semaphore, #tpu.memory_space<semaphore_mem>>) src(%arg16 : memref<64x128xf32, #tpu.memory_space<vmem>>) dst(%dma_wait3A_96 : memref<64x128xf32, #tpu.memory_space<hbm>>)
        tpu.yield
      }) : () -> ()
    } else {
    }
    %dma_start3A = arith.constant 0 : i32
    %dma_start3A_5 = arith.constant 0 : i32
    %dma_start3A_6 = tpu.memref_slice %arg8[%dma_start3A, %dma_start3A_5] : memref<25x64xi32, #tpu.memory_space<vmem>> -> memref<1x64xi32, #tpu.memory_space<vmem>>
    %dma_start3A_7 = tpu.memref_squeeze %dma_start3A_6 : memref<1x64xi32, #tpu.memory_space<vmem>> -> memref<64xi32, #tpu.memory_space<vmem>>
    %dma_start3A_8 = arith.constant 0 : i32
    %dma_start3A_9 = arith.constant 0 : i32
    %dma_start3A_10 = tpu.memref_slice %arg4[%dma_start3A_8, %dma_start3A_9] : memref<100000x128xf32, #tpu.memory_space<hbm>> -> memref<100000x128xf32, #tpu.memory_space<hbm>>
    tpu.enqueue_indirect_dma source(%dma_start3A_10 : memref<100000x128xf32, #tpu.memory_space<hbm>>) target(%arg9 : memref<64x128xf32, #tpu.memory_space<vmem>>) offsets(%dma_start3A_7 : memref<64xi32, #tpu.memory_space<vmem>>) semaphore(%arg17 : memref<!tpu.dma_semaphore, #tpu.memory_space<semaphore_mem>>)
    %dma_start3A_11 = arith.constant 1 : i32
    %dma_start3A_12 = arith.constant 0 : i32
    %dma_start3A_13 = tpu.memref_slice %arg8[%dma_start3A_11, %dma_start3A_12] : memref<25x64xi32, #tpu.memory_space<vmem>> -> memref<1x64xi32, #tpu.memory_space<vmem>>
    %dma_start3A_14 = tpu.memref_squeeze %dma_start3A_13 : memref<1x64xi32, #tpu.memory_space<vmem>> -> memref<64xi32, #tpu.memory_space<vmem>>
    %dma_start3A_15 = arith.constant 0 : i32
    %dma_start3A_16 = arith.constant 0 : i32
    %dma_start3A_17 = tpu.memref_slice %arg4[%dma_start3A_15, %dma_start3A_16] : memref<100000x128xf32, #tpu.memory_space<hbm>> -> memref<100000x128xf32, #tpu.memory_space<hbm>>
    tpu.enqueue_indirect_dma source(%dma_start3A_17 : memref<100000x128xf32, #tpu.memory_space<hbm>>) target(%arg10 : memref<64x128xf32, #tpu.memory_space<vmem>>) offsets(%dma_start3A_14 : memref<64xi32, #tpu.memory_space<vmem>>) semaphore(%arg18 : memref<!tpu.dma_semaphore, #tpu.memory_space<semaphore_mem>>)
    %dma_start3A_18 = arith.constant 2 : i32
    %dma_start3A_19 = arith.constant 0 : i32
    %dma_start3A_20 = tpu.memref_slice %arg8[%dma_start3A_18, %dma_start3A_19] : memref<25x64xi32, #tpu.memory_space<vmem>> -> memref<1x64xi32, #tpu.memory_space<vmem>>
    %dma_start3A_21 = tpu.memref_squeeze %dma_start3A_20 : memref<1x64xi32, #tpu.memory_space<vmem>> -> memref<64xi32, #tpu.memory_space<vmem>>
    %dma_start3A_22 = arith.constant 0 : i32
    %dma_start3A_23 = arith.constant 0 : i32
    %dma_start3A_24 = tpu.memref_slice %arg4[%dma_start3A_22, %dma_start3A_23] : memref<100000x128xf32, #tpu.memory_space<hbm>> -> memref<100000x128xf32, #tpu.memory_space<hbm>>
    tpu.enqueue_indirect_dma source(%dma_start3A_24 : memref<100000x128xf32, #tpu.memory_space<hbm>>) target(%arg11 : memref<64x128xf32, #tpu.memory_space<vmem>>) offsets(%dma_start3A_21 : memref<64xi32, #tpu.memory_space<vmem>>) semaphore(%arg19 : memref<!tpu.dma_semaphore, #tpu.memory_space<semaphore_mem>>)
    %dma_start3A_25 = arith.constant 3 : i32
    %dma_start3A_26 = arith.constant 0 : i32
    %dma_start3A_27 = tpu.memref_slice %arg8[%dma_start3A_25, %dma_start3A_26] : memref<25x64xi32, #tpu.memory_space<vmem>> -> memref<1x64xi32, #tpu.memory_space<vmem>>
    %dma_start3A_28 = tpu.memref_squeeze %dma_start3A_27 : memref<1x64xi32, #tpu.memory_space<vmem>> -> memref<64xi32, #tpu.memory_space<vmem>>
    %dma_start3A_29 = arith.constant 0 : i32
    %dma_start3A_30 = arith.constant 0 : i32
    %dma_start3A_31 = tpu.memref_slice %arg4[%dma_start3A_29, %dma_start3A_30] : memref<100000x128xf32, #tpu.memory_space<hbm>> -> memref<100000x128xf32, #tpu.memory_space<hbm>>
    tpu.enqueue_indirect_dma source(%dma_start3A_31 : memref<100000x128xf32, #tpu.memory_space<hbm>>) target(%arg12 : memref<64x128xf32, #tpu.memory_space<vmem>>) offsets(%dma_start3A_28 : memref<64xi32, #tpu.memory_space<vmem>>) semaphore(%arg20 : memref<!tpu.dma_semaphore, #tpu.memory_space<semaphore_mem>>)
    %dma_start3A_32 = arith.constant 4 : i32
    %dma_start3A_33 = arith.constant 0 : i32
    %dma_start3A_34 = tpu.memref_slice %arg8[%dma_start3A_32, %dma_start3A_33] : memref<25x64xi32, #tpu.memory_space<vmem>> -> memref<1x64xi32, #tpu.memory_space<vmem>>
    %dma_start3A_35 = tpu.memref_squeeze %dma_start3A_34 : memref<1x64xi32, #tpu.memory_space<vmem>> -> memref<64xi32, #tpu.memory_space<vmem>>
    %dma_start3A_36 = arith.constant 0 : i32
    %dma_start3A_37 = arith.constant 0 : i32
    %dma_start3A_38 = tpu.memref_slice %arg4[%dma_start3A_36, %dma_start3A_37] : memref<100000x128xf32, #tpu.memory_space<hbm>> -> memref<100000x128xf32, #tpu.memory_space<hbm>>
    tpu.enqueue_indirect_dma source(%dma_start3A_38 : memref<100000x128xf32, #tpu.memory_space<hbm>>) target(%arg13 : memref<64x128xf32, #tpu.memory_space<vmem>>) offsets(%dma_start3A_35 : memref<64xi32, #tpu.memory_space<vmem>>) semaphore(%arg21 : memref<!tpu.dma_semaphore, #tpu.memory_space<semaphore_mem>>)
    %scan3A = arith.constant 0 : i32
    %scan3A_39 = arith.constant 0 : i32
    %scan3A_40 = arith.constant 5 : i32
    %scan3A_41 = arith.addi %scan3A_39, %scan3A_40 : i32
    %scan3A_42 = arith.constant 1 : i32
    scf.for %scan3A_73 = %scan3A_39 to %scan3A_41 step %scan3A_42  : i32 {
      %mul3A_74 = arith.constant 5 : i32
      %mul3A_75 = arith.muli %scan3A_73, %mul3A_74 : i32
      %add3A_76 = arith.constant 0 : i32
      %add3A_77 = arith.addi %mul3A_75, %add3A_76 : i32
      %dma_wait3A_78 = arith.constant 0 : i32
      %dma_wait3A_79 = arith.constant 0 : i32
      %dma_wait3A_80 = tpu.memref_slice %arg8[%dma_wait3A_78, %dma_wait3A_79] : memref<25x64xi32, #tpu.memory_space<vmem>> -> memref<1x64xi32, #tpu.memory_space<vmem>>
      %dma_wait3A_81 = tpu.memref_squeeze %dma_wait3A_80 : memref<1x64xi32, #tpu.memory_space<vmem>> -> memref<64xi32, #tpu.memory_space<vmem>>
      %dma_wait3A_82 = arith.constant 0 : i32
      %dma_wait3A_83 = arith.constant 0 : i32
      %dma_wait3A_84 = tpu.memref_slice %arg4[%dma_wait3A_82, %dma_wait3A_83] : memref<100000x128xf32, #tpu.memory_space<hbm>> -> memref<100000x128xf32, #tpu.memory_space<hbm>>
      tpu.wait_indirect_dma semaphore(%arg17 : memref<!tpu.dma_semaphore, #tpu.memory_space<semaphore_mem>>) src(%dma_wait3A_84 : memref<100000x128xf32, #tpu.memory_space<hbm>>) dst(%arg9 : memref<64x128xf32, #tpu.memory_space<vmem>>)
      %mul3A_85 = arith.constant 64 : i32
      %mul3A_86 = arith.muli %add3A_77, %mul3A_85 : i32
      %add3A_87 = arith.addi %mul3A_2, %mul3A_86 : i32
      %dma_start3A_88 = arith.constant 0 : i32
      %dma_start3A_89 = tpu.memref_slice %arg6[%add3A_87, %dma_start3A_88] : memref<51200x128xf32, #tpu.memory_space<hbm>> -> memref<64x128xf32, #tpu.memory_space<hbm>>
      %dma_start3A_90 = arith.constant 0 : i32
      %dma_start3A_91 = tpu.memref_slice %arg6[%add3A_87, %dma_start3A_90] : memref<51200x128xf32, #tpu.memory_space<hbm>> -> memref<64x128xf32, #tpu.memory_space<hbm>>
      tpu.enqueue_dma source(%arg9 : memref<64x128xf32, #tpu.memory_space<vmem>>) target(%dma_start3A_91 : memref<64x128xf32, #tpu.memory_space<hbm>>) target_semaphore(%arg22 : memref<!tpu.dma_semaphore, #tpu.memory_space<semaphore_mem>>)
      %sub3A = arith.constant 2 : i32
      %sub3A_92 = arith.subi %add3A_77, %sub3A : i32
      %ge3A = arith.constant 0 : i32
      %ge3A_93 = arith.cmpi sge, %sub3A_92, %ge3A : i32
      %add3A_94 = arith.constant 5 : i32
      %add3A_95 = arith.addi %sub3A_92, %add3A_94 : i32
      %le3A = arith.constant 24 : i32
      %le3A_96 = arith.cmpi sle, %add3A_95, %le3A : i32
      %and3A = arith.andi %ge3A_93, %le3A_96 : i1
      %convert_element_type3A_97 = arith.extui %and3A : i1 to i32
      %cond3A_98 = arith.constant 0 : i32
      %cond3A_99 = arith.cmpi ne, %convert_element_type3A_97, %cond3A_98 : i32
      scf.if %cond3A_99 {
        %mul3A_212 = arith.constant 64 : i32
        %mul3A_213 = arith.muli %sub3A_92, %mul3A_212 : i32
        %add3A_214 = arith.addi %mul3A_2, %mul3A_213 : i32
        %dma_wait3A_215 = arith.constant 0 : i32
        %dma_wait3A_216 = tpu.memref_slice %arg6[%add3A_214, %dma_wait3A_215] : memref<51200x128xf32, #tpu.memory_space<hbm>> -> memref<64x128xf32, #tpu.memory_space<hbm>>
        %dma_wait3A_217 = arith.constant 0 : i32
        %dma_wait3A_218 = tpu.memref_slice %arg6[%add3A_214, %dma_wait3A_217] : memref<51200x128xf32, #tpu.memory_space<hbm>> -> memref<64x128xf32, #tpu.memory_space<hbm>>
        tpu.wait_dma2 semaphore(%arg25 : memref<!tpu.dma_semaphore, #tpu.memory_space<semaphore_mem>>) src(%arg12 : memref<64x128xf32, #tpu.memory_space<vmem>>) dst(%dma_wait3A_218 : memref<64x128xf32, #tpu.memory_space<hbm>>)
        %add3A_219 = arith.constant 5 : i32
        %add3A_220 = arith.addi %sub3A_92, %add3A_219 : i32
        %dma_start3A_221 = arith.constant 0 : i32
        %dma_start3A_222 = tpu.memref_slice %arg8[%add3A_220, %dma_start3A_221] : memref<25x64xi32, #tpu.memory_space<vmem>> -> memref<1x64xi32, #tpu.memory_space<vmem>>
        %dma_start3A_223 = tpu.memref_squeeze %dma_start3A_222 : memref<1x64xi32, #tpu.memory_space<vmem>> -> memref<64xi32, #tpu.memory_space<vmem>>
        %dma_start3A_224 = arith.constant 0 : i32
        %dma_start3A_225 = arith.constant 0 : i32
        %dma_start3A_226 = tpu.memref_slice %arg4[%dma_start3A_224, %dma_start3A_225] : memref<100000x128xf32, #tpu.memory_space<hbm>> -> memref<100000x128xf32, #tpu.memory_space<hbm>>
        tpu.enqueue_indirect_dma source(%dma_start3A_226 : memref<100000x128xf32, #tpu.memory_space<hbm>>) target(%arg12 : memref<64x128xf32, #tpu.memory_space<vmem>>) offsets(%dma_start3A_223 : memref<64xi32, #tpu.memory_space<vmem>>) semaphore(%arg20 : memref<!tpu.dma_semaphore, #tpu.memory_space<semaphore_mem>>)
      } else {
      }
      %add3A_100 = arith.constant 1 : i32
      %add3A_101 = arith.addi %mul3A_75, %add3A_100 : i32
      %dma_wait3A_102 = arith.constant 1 : i32
      %dma_wait3A_103 = arith.constant 0 : i32
      %dma_wait3A_104 = tpu.memref_slice %arg8[%dma_wait3A_102, %dma_wait3A_103] : memref<25x64xi32, #tpu.memory_space<vmem>> -> memref<1x64xi32, #tpu.memory_space<vmem>>
      %dma_wait3A_105 = tpu.memref_squeeze %dma_wait3A_104 : memref<1x64xi32, #tpu.memory_space<vmem>> -> memref<64xi32, #tpu.memory_space<vmem>>
      %dma_wait3A_106 = arith.constant 0 : i32
      %dma_wait3A_107 = arith.constant 0 : i32
      %dma_wait3A_108 = tpu.memref_slice %arg4[%dma_wait3A_106, %dma_wait3A_107] : memref<100000x128xf32, #tpu.memory_space<hbm>> -> memref<100000x128xf32, #tpu.memory_space<hbm>>
      tpu.wait_indirect_dma semaphore(%arg18 : memref<!tpu.dma_semaphore, #tpu.memory_space<semaphore_mem>>) src(%dma_wait3A_108 : memref<100000x128xf32, #tpu.memory_space<hbm>>) dst(%arg10 : memref<64x128xf32, #tpu.memory_space<vmem>>)
      %mul3A_109 = arith.constant 64 : i32
      %mul3A_110 = arith.muli %add3A_101, %mul3A_109 : i32
      %add3A_111 = arith.addi %mul3A_2, %mul3A_110 : i32
      %dma_start3A_112 = arith.constant 0 : i32
      %dma_start3A_113 = tpu.memref_slice %arg6[%add3A_111, %dma_start3A_112] : memref<51200x128xf32, #tpu.memory_space<hbm>> -> memref<64x128xf32, #tpu.memory_space<hbm>>
      %dma_start3A_114 = arith.constant 0 : i32
      %dma_start3A_115 = tpu.memref_slice %arg6[%add3A_111, %dma_start3A_114] : memref<51200x128xf32, #tpu.memory_space<hbm>> -> memref<64x128xf32, #tpu.memory_space<hbm>>
      tpu.enqueue_dma source(%arg10 : memref<64x128xf32, #tpu.memory_space<vmem>>) target(%dma_start3A_115 : memref<64x128xf32, #tpu.memory_space<hbm>>) target_semaphore(%arg23 : memref<!tpu.dma_semaphore, #tpu.memory_space<semaphore_mem>>)
      %sub3A_116 = arith.constant 2 : i32
      %sub3A_117 = arith.subi %add3A_101, %sub3A_116 : i32
      %ge3A_118 = arith.constant 0 : i32
      %ge3A_119 = arith.cmpi sge, %sub3A_117, %ge3A_118 : i32
      %add3A_120 = arith.constant 5 : i32
      %add3A_121 = arith.addi %sub3A_117, %add3A_120 : i32
      %le3A_122 = arith.constant 24 : i32
      %le3A_123 = arith.cmpi sle, %add3A_121, %le3A_122 : i32
      %and3A_124 = arith.andi %ge3A_119, %le3A_123 : i1
      %convert_element_type3A_125 = arith.extui %and3A_124 : i1 to i32
      %cond3A_126 = arith.constant 0 : i32
      %cond3A_127 = arith.cmpi ne, %convert_element_type3A_125, %cond3A_126 : i32
      scf.if %cond3A_127 {
        %mul3A_212 = arith.constant 64 : i32
        %mul3A_213 = arith.muli %sub3A_117, %mul3A_212 : i32
        %add3A_214 = arith.addi %mul3A_2, %mul3A_213 : i32
        %dma_wait3A_215 = arith.constant 0 : i32
        %dma_wait3A_216 = tpu.memref_slice %arg6[%add3A_214, %dma_wait3A_215] : memref<51200x128xf32, #tpu.memory_space<hbm>> -> memref<64x128xf32, #tpu.memory_space<hbm>>
        %dma_wait3A_217 = arith.constant 0 : i32
        %dma_wait3A_218 = tpu.memref_slice %arg6[%add3A_214, %dma_wait3A_217] : memref<51200x128xf32, #tpu.memory_space<hbm>> -> memref<64x128xf32, #tpu.memory_space<hbm>>
        tpu.wait_dma2 semaphore(%arg26 : memref<!tpu.dma_semaphore, #tpu.memory_space<semaphore_mem>>) src(%arg13 : memref<64x128xf32, #tpu.memory_space<vmem>>) dst(%dma_wait3A_218 : memref<64x128xf32, #tpu.memory_space<hbm>>)
        %add3A_219 = arith.constant 5 : i32
        %add3A_220 = arith.addi %sub3A_117, %add3A_219 : i32
        %dma_start3A_221 = arith.constant 0 : i32
        %dma_start3A_222 = tpu.memref_slice %arg8[%add3A_220, %dma_start3A_221] : memref<25x64xi32, #tpu.memory_space<vmem>> -> memref<1x64xi32, #tpu.memory_space<vmem>>
        %dma_start3A_223 = tpu.memref_squeeze %dma_start3A_222 : memref<1x64xi32, #tpu.memory_space<vmem>> -> memref<64xi32, #tpu.memory_space<vmem>>
        %dma_start3A_224 = arith.constant 0 : i32
        %dma_start3A_225 = arith.constant 0 : i32
        %dma_start3A_226 = tpu.memref_slice %arg4[%dma_start3A_224, %dma_start3A_225] : memref<100000x128xf32, #tpu.memory_space<hbm>> -> memref<100000x128xf32, #tpu.memory_space<hbm>>
        tpu.enqueue_indirect_dma source(%dma_start3A_226 : memref<100000x128xf32, #tpu.memory_space<hbm>>) target(%arg13 : memref<64x128xf32, #tpu.memory_space<vmem>>) offsets(%dma_start3A_223 : memref<64xi32, #tpu.memory_space<vmem>>) semaphore(%arg21 : memref<!tpu.dma_semaphore, #tpu.memory_space<semaphore_mem>>)
      } else {
      }
      %add3A_128 = arith.constant 2 : i32
      %add3A_129 = arith.addi %mul3A_75, %add3A_128 : i32
      %dma_wait3A_130 = arith.constant 2 : i32
      %dma_wait3A_131 = arith.constant 0 : i32
      %dma_wait3A_132 = tpu.memref_slice %arg8[%dma_wait3A_130, %dma_wait3A_131] : memref<25x64xi32, #tpu.memory_space<vmem>> -> memref<1x64xi32, #tpu.memory_space<vmem>>
      %dma_wait3A_133 = tpu.memref_squeeze %dma_wait3A_132 : memref<1x64xi32, #tpu.memory_space<vmem>> -> memref<64xi32, #tpu.memory_space<vmem>>
      %dma_wait3A_134 = arith.constant 0 : i32
      %dma_wait3A_135 = arith.constant 0 : i32
      %dma_wait3A_136 = tpu.memref_slice %arg4[%dma_wait3A_134, %dma_wait3A_135] : memref<100000x128xf32, #tpu.memory_space<hbm>> -> memref<100000x128xf32, #tpu.memory_space<hbm>>
      tpu.wait_indirect_dma semaphore(%arg19 : memref<!tpu.dma_semaphore, #tpu.memory_space<semaphore_mem>>) src(%dma_wait3A_136 : memref<100000x128xf32, #tpu.memory_space<hbm>>) dst(%arg11 : memref<64x128xf32, #tpu.memory_space<vmem>>)
      %mul3A_137 = arith.constant 64 : i32
      %mul3A_138 = arith.muli %add3A_129, %mul3A_137 : i32
      %add3A_139 = arith.addi %mul3A_2, %mul3A_138 : i32
      %dma_start3A_140 = arith.constant 0 : i32
      %dma_start3A_141 = tpu.memref_slice %arg6[%add3A_139, %dma_start3A_140] : memref<51200x128xf32, #tpu.memory_space<hbm>> -> memref<64x128xf32, #tpu.memory_space<hbm>>
      %dma_start3A_142 = arith.constant 0 : i32
      %dma_start3A_143 = tpu.memref_slice %arg6[%add3A_139, %dma_start3A_142] : memref<51200x128xf32, #tpu.memory_space<hbm>> -> memref<64x128xf32, #tpu.memory_space<hbm>>
      tpu.enqueue_dma source(%arg11 : memref<64x128xf32, #tpu.memory_space<vmem>>) target(%dma_start3A_143 : memref<64x128xf32, #tpu.memory_space<hbm>>) target_semaphore(%arg24 : memref<!tpu.dma_semaphore, #tpu.memory_space<semaphore_mem>>)
      %sub3A_144 = arith.constant 2 : i32
      %sub3A_145 = arith.subi %add3A_129, %sub3A_144 : i32
      %ge3A_146 = arith.constant 0 : i32
      %ge3A_147 = arith.cmpi sge, %sub3A_145, %ge3A_146 : i32
      %add3A_148 = arith.constant 5 : i32
      %add3A_149 = arith.addi %sub3A_145, %add3A_148 : i32
      %le3A_150 = arith.constant 24 : i32
      %le3A_151 = arith.cmpi sle, %add3A_149, %le3A_150 : i32
      %and3A_152 = arith.andi %ge3A_147, %le3A_151 : i1
      %convert_element_type3A_153 = arith.extui %and3A_152 : i1 to i32
      %cond3A_154 = arith.constant 0 : i32
      %cond3A_155 = arith.cmpi ne, %convert_element_type3A_153, %cond3A_154 : i32
      scf.if %cond3A_155 {
        %mul3A_212 = arith.constant 64 : i32
        %mul3A_213 = arith.muli %sub3A_145, %mul3A_212 : i32
        %add3A_214 = arith.addi %mul3A_2, %mul3A_213 : i32
        %dma_wait3A_215 = arith.constant 0 : i32
        %dma_wait3A_216 = tpu.memref_slice %arg6[%add3A_214, %dma_wait3A_215] : memref<51200x128xf32, #tpu.memory_space<hbm>> -> memref<64x128xf32, #tpu.memory_space<hbm>>
        %dma_wait3A_217 = arith.constant 0 : i32
        %dma_wait3A_218 = tpu.memref_slice %arg6[%add3A_214, %dma_wait3A_217] : memref<51200x128xf32, #tpu.memory_space<hbm>> -> memref<64x128xf32, #tpu.memory_space<hbm>>
        tpu.wait_dma2 semaphore(%arg22 : memref<!tpu.dma_semaphore, #tpu.memory_space<semaphore_mem>>) src(%arg9 : memref<64x128xf32, #tpu.memory_space<vmem>>) dst(%dma_wait3A_218 : memref<64x128xf32, #tpu.memory_space<hbm>>)
        %add3A_219 = arith.constant 5 : i32
        %add3A_220 = arith.addi %sub3A_145, %add3A_219 : i32
        %dma_start3A_221 = arith.constant 0 : i32
        %dma_start3A_222 = tpu.memref_slice %arg8[%add3A_220, %dma_start3A_221] : memref<25x64xi32, #tpu.memory_space<vmem>> -> memref<1x64xi32, #tpu.memory_space<vmem>>
        %dma_start3A_223 = tpu.memref_squeeze %dma_start3A_222 : memref<1x64xi32, #tpu.memory_space<vmem>> -> memref<64xi32, #tpu.memory_space<vmem>>
        %dma_start3A_224 = arith.constant 0 : i32
        %dma_start3A_225 = arith.constant 0 : i32
        %dma_start3A_226 = tpu.memref_slice %arg4[%dma_start3A_224, %dma_start3A_225] : memref<100000x128xf32, #tpu.memory_space<hbm>> -> memref<100000x128xf32, #tpu.memory_space<hbm>>
        tpu.enqueue_indirect_dma source(%dma_start3A_226 : memref<100000x128xf32, #tpu.memory_space<hbm>>) target(%arg9 : memref<64x128xf32, #tpu.memory_space<vmem>>) offsets(%dma_start3A_223 : memref<64xi32, #tpu.memory_space<vmem>>) semaphore(%arg17 : memref<!tpu.dma_semaphore, #tpu.memory_space<semaphore_mem>>)
      } else {
      }
      %add3A_156 = arith.constant 3 : i32
      %add3A_157 = arith.addi %mul3A_75, %add3A_156 : i32
      %dma_wait3A_158 = arith.constant 3 : i32
      %dma_wait3A_159 = arith.constant 0 : i32
      %dma_wait3A_160 = tpu.memref_slice %arg8[%dma_wait3A_158, %dma_wait3A_159] : memref<25x64xi32, #tpu.memory_space<vmem>> -> memref<1x64xi32, #tpu.memory_space<vmem>>
      %dma_wait3A_161 = tpu.memref_squeeze %dma_wait3A_160 : memref<1x64xi32, #tpu.memory_space<vmem>> -> memref<64xi32, #tpu.memory_space<vmem>>
      %dma_wait3A_162 = arith.constant 0 : i32
      %dma_wait3A_163 = arith.constant 0 : i32
      %dma_wait3A_164 = tpu.memref_slice %arg4[%dma_wait3A_162, %dma_wait3A_163] : memref<100000x128xf32, #tpu.memory_space<hbm>> -> memref<100000x128xf32, #tpu.memory_space<hbm>>
      tpu.wait_indirect_dma semaphore(%arg20 : memref<!tpu.dma_semaphore, #tpu.memory_space<semaphore_mem>>) src(%dma_wait3A_164 : memref<100000x128xf32, #tpu.memory_space<hbm>>) dst(%arg12 : memref<64x128xf32, #tpu.memory_space<vmem>>)
      %mul3A_165 = arith.constant 64 : i32
      %mul3A_166 = arith.muli %add3A_157, %mul3A_165 : i32
      %add3A_167 = arith.addi %mul3A_2, %mul3A_166 : i32
      %dma_start3A_168 = arith.constant 0 : i32
      %dma_start3A_169 = tpu.memref_slice %arg6[%add3A_167, %dma_start3A_168] : memref<51200x128xf32, #tpu.memory_space<hbm>> -> memref<64x128xf32, #tpu.memory_space<hbm>>
      %dma_start3A_170 = arith.constant 0 : i32
      %dma_start3A_171 = tpu.memref_slice %arg6[%add3A_167, %dma_start3A_170] : memref<51200x128xf32, #tpu.memory_space<hbm>> -> memref<64x128xf32, #tpu.memory_space<hbm>>
      tpu.enqueue_dma source(%arg12 : memref<64x128xf32, #tpu.memory_space<vmem>>) target(%dma_start3A_171 : memref<64x128xf32, #tpu.memory_space<hbm>>) target_semaphore(%arg25 : memref<!tpu.dma_semaphore, #tpu.memory_space<semaphore_mem>>)
      %sub3A_172 = arith.constant 2 : i32
      %sub3A_173 = arith.subi %add3A_157, %sub3A_172 : i32
      %ge3A_174 = arith.constant 0 : i32
      %ge3A_175 = arith.cmpi sge, %sub3A_173, %ge3A_174 : i32
      %add3A_176 = arith.constant 5 : i32
      %add3A_177 = arith.addi %sub3A_173, %add3A_176 : i32
      %le3A_178 = arith.constant 24 : i32
      %le3A_179 = arith.cmpi sle, %add3A_177, %le3A_178 : i32
      %and3A_180 = arith.andi %ge3A_175, %le3A_179 : i1
      %convert_element_type3A_181 = arith.extui %and3A_180 : i1 to i32
      %cond3A_182 = arith.constant 0 : i32
      %cond3A_183 = arith.cmpi ne, %convert_element_type3A_181, %cond3A_182 : i32
      scf.if %cond3A_183 {
        %mul3A_212 = arith.constant 64 : i32
        %mul3A_213 = arith.muli %sub3A_173, %mul3A_212 : i32
        %add3A_214 = arith.addi %mul3A_2, %mul3A_213 : i32
        %dma_wait3A_215 = arith.constant 0 : i32
        %dma_wait3A_216 = tpu.memref_slice %arg6[%add3A_214, %dma_wait3A_215] : memref<51200x128xf32, #tpu.memory_space<hbm>> -> memref<64x128xf32, #tpu.memory_space<hbm>>
        %dma_wait3A_217 = arith.constant 0 : i32
        %dma_wait3A_218 = tpu.memref_slice %arg6[%add3A_214, %dma_wait3A_217] : memref<51200x128xf32, #tpu.memory_space<hbm>> -> memref<64x128xf32, #tpu.memory_space<hbm>>
        tpu.wait_dma2 semaphore(%arg23 : memref<!tpu.dma_semaphore, #tpu.memory_space<semaphore_mem>>) src(%arg10 : memref<64x128xf32, #tpu.memory_space<vmem>>) dst(%dma_wait3A_218 : memref<64x128xf32, #tpu.memory_space<hbm>>)
        %add3A_219 = arith.constant 5 : i32
        %add3A_220 = arith.addi %sub3A_173, %add3A_219 : i32
        %dma_start3A_221 = arith.constant 0 : i32
        %dma_start3A_222 = tpu.memref_slice %arg8[%add3A_220, %dma_start3A_221] : memref<25x64xi32, #tpu.memory_space<vmem>> -> memref<1x64xi32, #tpu.memory_space<vmem>>
        %dma_start3A_223 = tpu.memref_squeeze %dma_start3A_222 : memref<1x64xi32, #tpu.memory_space<vmem>> -> memref<64xi32, #tpu.memory_space<vmem>>
        %dma_start3A_224 = arith.constant 0 : i32
        %dma_start3A_225 = arith.constant 0 : i32
        %dma_start3A_226 = tpu.memref_slice %arg4[%dma_start3A_224, %dma_start3A_225] : memref<100000x128xf32, #tpu.memory_space<hbm>> -> memref<100000x128xf32, #tpu.memory_space<hbm>>
        tpu.enqueue_indirect_dma source(%dma_start3A_226 : memref<100000x128xf32, #tpu.memory_space<hbm>>) target(%arg10 : memref<64x128xf32, #tpu.memory_space<vmem>>) offsets(%dma_start3A_223 : memref<64xi32, #tpu.memory_space<vmem>>) semaphore(%arg18 : memref<!tpu.dma_semaphore, #tpu.memory_space<semaphore_mem>>)
      } else {
      }
      %add3A_184 = arith.constant 4 : i32
      %add3A_185 = arith.addi %mul3A_75, %add3A_184 : i32
      %dma_wait3A_186 = arith.constant 4 : i32
      %dma_wait3A_187 = arith.constant 0 : i32
      %dma_wait3A_188 = tpu.memref_slice %arg8[%dma_wait3A_186, %dma_wait3A_187] : memref<25x64xi32, #tpu.memory_space<vmem>> -> memref<1x64xi32, #tpu.memory_space<vmem>>
      %dma_wait3A_189 = tpu.memref_squeeze %dma_wait3A_188 : memref<1x64xi32, #tpu.memory_space<vmem>> -> memref<64xi32, #tpu.memory_space<vmem>>
      %dma_wait3A_190 = arith.constant 0 : i32
      %dma_wait3A_191 = arith.constant 0 : i32
      %dma_wait3A_192 = tpu.memref_slice %arg4[%dma_wait3A_190, %dma_wait3A_191] : memref<100000x128xf32, #tpu.memory_space<hbm>> -> memref<100000x128xf32, #tpu.memory_space<hbm>>
      tpu.wait_indirect_dma semaphore(%arg21 : memref<!tpu.dma_semaphore, #tpu.memory_space<semaphore_mem>>) src(%dma_wait3A_192 : memref<100000x128xf32, #tpu.memory_space<hbm>>) dst(%arg13 : memref<64x128xf32, #tpu.memory_space<vmem>>)
      %mul3A_193 = arith.constant 64 : i32
      %mul3A_194 = arith.muli %add3A_185, %mul3A_193 : i32
      %add3A_195 = arith.addi %mul3A_2, %mul3A_194 : i32
      %dma_start3A_196 = arith.constant 0 : i32
      %dma_start3A_197 = tpu.memref_slice %arg6[%add3A_195, %dma_start3A_196] : memref<51200x128xf32, #tpu.memory_space<hbm>> -> memref<64x128xf32, #tpu.memory_space<hbm>>
      %dma_start3A_198 = arith.constant 0 : i32
      %dma_start3A_199 = tpu.memref_slice %arg6[%add3A_195, %dma_start3A_198] : memref<51200x128xf32, #tpu.memory_space<hbm>> -> memref<64x128xf32, #tpu.memory_space<hbm>>
      tpu.enqueue_dma source(%arg13 : memref<64x128xf32, #tpu.memory_space<vmem>>) target(%dma_start3A_199 : memref<64x128xf32, #tpu.memory_space<hbm>>) target_semaphore(%arg26 : memref<!tpu.dma_semaphore, #tpu.memory_space<semaphore_mem>>)
      %sub3A_200 = arith.constant 2 : i32
      %sub3A_201 = arith.subi %add3A_185, %sub3A_200 : i32
      %ge3A_202 = arith.constant 0 : i32
      %ge3A_203 = arith.cmpi sge, %sub3A_201, %ge3A_202 : i32
      %add3A_204 = arith.constant 5 : i32
      %add3A_205 = arith.addi %sub3A_201, %add3A_204 : i32
      %le3A_206 = arith.constant 24 : i32
      %le3A_207 = arith.cmpi sle, %add3A_205, %le3A_206 : i32
      %and3A_208 = arith.andi %ge3A_203, %le3A_207 : i1
      %convert_element_type3A_209 = arith.extui %and3A_208 : i1 to i32
      %cond3A_210 = arith.constant 0 : i32
      %cond3A_211 = arith.cmpi ne, %convert_element_type3A_209, %cond3A_210 : i32
      scf.if %cond3A_211 {
        %mul3A_212 = arith.constant 64 : i32
        %mul3A_213 = arith.muli %sub3A_201, %mul3A_212 : i32
        %add3A_214 = arith.addi %mul3A_2, %mul3A_213 : i32
        %dma_wait3A_215 = arith.constant 0 : i32
        %dma_wait3A_216 = tpu.memref_slice %arg6[%add3A_214, %dma_wait3A_215] : memref<51200x128xf32, #tpu.memory_space<hbm>> -> memref<64x128xf32, #tpu.memory_space<hbm>>
        %dma_wait3A_217 = arith.constant 0 : i32
        %dma_wait3A_218 = tpu.memref_slice %arg6[%add3A_214, %dma_wait3A_217] : memref<51200x128xf32, #tpu.memory_space<hbm>> -> memref<64x128xf32, #tpu.memory_space<hbm>>
        tpu.wait_dma2 semaphore(%arg24 : memref<!tpu.dma_semaphore, #tpu.memory_space<semaphore_mem>>) src(%arg11 : memref<64x128xf32, #tpu.memory_space<vmem>>) dst(%dma_wait3A_218 : memref<64x128xf32, #tpu.memory_space<hbm>>)
        %add3A_219 = arith.constant 5 : i32
        %add3A_220 = arith.addi %sub3A_201, %add3A_219 : i32
        %dma_start3A_221 = arith.constant 0 : i32
        %dma_start3A_222 = tpu.memref_slice %arg8[%add3A_220, %dma_start3A_221] : memref<25x64xi32, #tpu.memory_space<vmem>> -> memref<1x64xi32, #tpu.memory_space<vmem>>
        %dma_start3A_223 = tpu.memref_squeeze %dma_start3A_222 : memref<1x64xi32, #tpu.memory_space<vmem>> -> memref<64xi32, #tpu.memory_space<vmem>>
        %dma_start3A_224 = arith.constant 0 : i32
        %dma_start3A_225 = arith.constant 0 : i32
        %dma_start3A_226 = tpu.memref_slice %arg4[%dma_start3A_224, %dma_start3A_225] : memref<100000x128xf32, #tpu.memory_space<hbm>> -> memref<100000x128xf32, #tpu.memory_space<hbm>>
        tpu.enqueue_indirect_dma source(%dma_start3A_226 : memref<100000x128xf32, #tpu.memory_space<hbm>>) target(%arg11 : memref<64x128xf32, #tpu.memory_space<vmem>>) offsets(%dma_start3A_223 : memref<64xi32, #tpu.memory_space<vmem>>) semaphore(%arg19 : memref<!tpu.dma_semaphore, #tpu.memory_space<semaphore_mem>>)
      } else {
      }
    }
    %scan3A_43 = arith.constant 5 : i32
    %add3A_44 = arith.constant 1280 : i32
    %add3A_45 = arith.addi %mul3A_2, %add3A_44 : i32
    %dma_wait3A = arith.constant 0 : i32
    %dma_wait3A_46 = tpu.memref_slice %arg6[%add3A_45, %dma_wait3A] : memref<51200x128xf32, #tpu.memory_space<hbm>> -> memref<64x128xf32, #tpu.memory_space<hbm>>
    %dma_wait3A_47 = arith.constant 0 : i32
    %dma_wait3A_48 = tpu.memref_slice %arg6[%add3A_45, %dma_wait3A_47] : memref<51200x128xf32, #tpu.memory_space<hbm>> -> memref<64x128xf32, #tpu.memory_space<hbm>>
    tpu.wait_dma2 semaphore(%arg22 : memref<!tpu.dma_semaphore, #tpu.memory_space<semaphore_mem>>) src(%arg9 : memref<64x128xf32, #tpu.memory_space<vmem>>) dst(%dma_wait3A_48 : memref<64x128xf32, #tpu.memory_space<hbm>>)
    %add3A_49 = arith.constant 1344 : i32
    %add3A_50 = arith.addi %mul3A_2, %add3A_49 : i32
    %dma_wait3A_51 = arith.constant 0 : i32
    %dma_wait3A_52 = tpu.memref_slice %arg6[%add3A_50, %dma_wait3A_51] : memref<51200x128xf32, #tpu.memory_space<hbm>> -> memref<64x128xf32, #tpu.memory_space<hbm>>
    %dma_wait3A_53 = arith.constant 0 : i32
    %dma_wait3A_54 = tpu.memref_slice %arg6[%add3A_50, %dma_wait3A_53] : memref<51200x128xf32, #tpu.memory_space<hbm>> -> memref<64x128xf32, #tpu.memory_space<hbm>>
    tpu.wait_dma2 semaphore(%arg23 : memref<!tpu.dma_semaphore, #tpu.memory_space<semaphore_mem>>) src(%arg10 : memref<64x128xf32, #tpu.memory_space<vmem>>) dst(%dma_wait3A_54 : memref<64x128xf32, #tpu.memory_space<hbm>>)
    %add3A_55 = arith.constant 1408 : i32
    %add3A_56 = arith.addi %mul3A_2, %add3A_55 : i32
    %dma_wait3A_57 = arith.constant 0 : i32
    %dma_wait3A_58 = tpu.memref_slice %arg6[%add3A_56, %dma_wait3A_57] : memref<51200x128xf32, #tpu.memory_space<hbm>> -> memref<64x128xf32, #tpu.memory_space<hbm>>
    %dma_wait3A_59 = arith.constant 0 : i32
    %dma_wait3A_60 = tpu.memref_slice %arg6[%add3A_56, %dma_wait3A_59] : memref<51200x128xf32, #tpu.memory_space<hbm>> -> memref<64x128xf32, #tpu.memory_space<hbm>>
    tpu.wait_dma2 semaphore(%arg24 : memref<!tpu.dma_semaphore, #tpu.memory_space<semaphore_mem>>) src(%arg11 : memref<64x128xf32, #tpu.memory_space<vmem>>) dst(%dma_wait3A_60 : memref<64x128xf32, #tpu.memory_space<hbm>>)
    %add3A_61 = arith.constant 1472 : i32
    %add3A_62 = arith.addi %mul3A_2, %add3A_61 : i32
    %dma_wait3A_63 = arith.constant 0 : i32
    %dma_wait3A_64 = tpu.memref_slice %arg6[%add3A_62, %dma_wait3A_63] : memref<51200x128xf32, #tpu.memory_space<hbm>> -> memref<64x128xf32, #tpu.memory_space<hbm>>
    %dma_wait3A_65 = arith.constant 0 : i32
    %dma_wait3A_66 = tpu.memref_slice %arg6[%add3A_62, %dma_wait3A_65] : memref<51200x128xf32, #tpu.memory_space<hbm>> -> memref<64x128xf32, #tpu.memory_space<hbm>>
    tpu.wait_dma2 semaphore(%arg25 : memref<!tpu.dma_semaphore, #tpu.memory_space<semaphore_mem>>) src(%arg12 : memref<64x128xf32, #tpu.memory_space<vmem>>) dst(%dma_wait3A_66 : memref<64x128xf32, #tpu.memory_space<hbm>>)
    %add3A_67 = arith.constant 1536 : i32
    %add3A_68 = arith.addi %mul3A_2, %add3A_67 : i32
    %dma_wait3A_69 = arith.constant 0 : i32
    %dma_wait3A_70 = tpu.memref_slice %arg6[%add3A_68, %dma_wait3A_69] : memref<51200x128xf32, #tpu.memory_space<hbm>> -> memref<64x128xf32, #tpu.memory_space<hbm>>
    %dma_wait3A_71 = arith.constant 0 : i32
    %dma_wait3A_72 = tpu.memref_slice %arg6[%add3A_68, %dma_wait3A_71] : memref<51200x128xf32, #tpu.memory_space<hbm>> -> memref<64x128xf32, #tpu.memory_space<hbm>>
    tpu.wait_dma2 semaphore(%arg26 : memref<!tpu.dma_semaphore, #tpu.memory_space<semaphore_mem>>) src(%arg13 : memref<64x128xf32, #tpu.memory_space<vmem>>) dst(%dma_wait3A_72 : memref<64x128xf32, #tpu.memory_space<hbm>>)
    return
  }
}

#map = affine_map<(d0, d1) -> (0, 0, 0)>
#map1 = affine_map<(d0, d1) -> (0, 0)>
module attributes {stable_mosaic.version = 14 : i64} {
  func.func @_sc_gather_body(%arg0: i32, %arg1: i32, %arg2: memref<32x25x64xi32, #tpu.memory_space<hbm>>, %arg3: memref<4x1x64xi32, #tpu.memory_space<hbm>>, %arg4: memref<100000x128xf32, #tpu.memory_space<hbm>>, %arg5: memref<100000x128xf32, #tpu.memory_space<hbm>>, %arg6: memref<51200x128xf32, #tpu.memory_space<hbm>>, %arg7: memref<256x128xf32, #tpu.memory_space<hbm>>, %arg8: memref<25x64xi32, #tpu.memory_space<vmem>>, %arg9: memref<64x128xf32, #tpu.memory_space<vmem>>, %arg10: memref<64x128xf32, #tpu.memory_space<vmem>>, %arg11: memref<64x128xf32, #tpu.memory_space<vmem>>, %arg12: memref<64x128xf32, #tpu.memory_space<vmem>>, %arg13: memref<64x128xf32, #tpu.memory_space<vmem>>, %arg14: memref<!tpu.dma_semaphore, #tpu.memory_space<semaphore_mem>>, %arg15: memref<1x64xi32, #tpu.memory_space<vmem>>, %arg16: memref<64x128xf32, #tpu.memory_space<vmem>>, %arg17: memref<!tpu.dma_semaphore, #tpu.memory_space<semaphore_mem>>, %arg18: memref<!tpu.dma_semaphore, #tpu.memory_space<semaphore_mem>>, %arg19: memref<!tpu.dma_semaphore, #tpu.memory_space<semaphore_mem>>, %arg20: memref<!tpu.dma_semaphore, #tpu.memory_space<semaphore_mem>>, %arg21: memref<!tpu.dma_semaphore, #tpu.memory_space<semaphore_mem>>, %arg22: memref<!tpu.dma_semaphore, #tpu.memory_space<semaphore_mem>>, %arg23: memref<!tpu.dma_semaphore, #tpu.memory_space<semaphore_mem>>, %arg24: memref<!tpu.dma_semaphore, #tpu.memory_space<semaphore_mem>>, %arg25: memref<!tpu.dma_semaphore, #tpu.memory_space<semaphore_mem>>, %arg26: memref<!tpu.dma_semaphore, #tpu.memory_space<semaphore_mem>>) attributes {dimension_semantics = [#tpu.dimension_semantics<core_parallel>, #tpu.dimension_semantics<subcore_parallel>], iteration_bounds = array<i64: 2, 16>, scalar_prefetch = 0 : i64, scratch_operands = 19 : i64, tpu.core_type = #tpu.core_type<sc_vector_subcore>, window_params = [{transform_indices = #map}, {transform_indices = #map}, {transform_indices = #map1}, {transform_indices = #map1}, {transform_indices = #map1}, {transform_indices = #map1}]} {
    %mul3A = arith.constant 2 : i32
    %mul3A_0 = arith.muli %arg1, %mul3A : i32
    %add3A = arith.addi %mul3A_0, %arg0 : i32
    %mul3A_1 = arith.constant 1600 : i32
    %mul3A_2 = arith.muli %add3A, %mul3A_1 : i32
    "tpu.region"() ({
      %run_scoped3A = tpu.sem_alloc : memref<!tpu.dma_semaphore, #tpu.memory_space<semaphore_mem>>
      %dma_start3A_73 = arith.constant 0 : i32
      %dma_start3A_74 = arith.constant 0 : i32
      %dma_start3A_75 = tpu.memref_slice %arg2[%add3A, %dma_start3A_73, %dma_start3A_74] : memref<32x25x64xi32, #tpu.memory_space<hbm>> -> memref<1x25x64xi32, #tpu.memory_space<hbm>>
      %dma_start3A_76 = tpu.memref_squeeze %dma_start3A_75 : memref<1x25x64xi32, #tpu.memory_space<hbm>> -> memref<25x64xi32, #tpu.memory_space<hbm>>
      %dma_start3A_77 = arith.constant 0 : i32
      %dma_start3A_78 = arith.constant 0 : i32
      %dma_start3A_79 = tpu.memref_slice %arg2[%add3A, %dma_start3A_77, %dma_start3A_78] : memref<32x25x64xi32, #tpu.memory_space<hbm>> -> memref<1x25x64xi32, #tpu.memory_space<hbm>>
      %dma_start3A_80 = tpu.memref_squeeze %dma_start3A_79 : memref<1x25x64xi32, #tpu.memory_space<hbm>> -> memref<25x64xi32, #tpu.memory_space<hbm>>
      tpu.enqueue_dma source(%dma_start3A_80 : memref<25x64xi32, #tpu.memory_space<hbm>>) target(%arg8 : memref<25x64xi32, #tpu.memory_space<vmem>>) target_semaphore(%run_scoped3A : memref<!tpu.dma_semaphore, #tpu.memory_space<semaphore_mem>>)
      %dma_wait3A_81 = arith.constant 0 : i32
      %dma_wait3A_82 = arith.constant 0 : i32
      %dma_wait3A_83 = tpu.memref_slice %arg2[%add3A, %dma_wait3A_81, %dma_wait3A_82] : memref<32x25x64xi32, #tpu.memory_space<hbm>> -> memref<1x25x64xi32, #tpu.memory_space<hbm>>
      %dma_wait3A_84 = tpu.memref_squeeze %dma_wait3A_83 : memref<1x25x64xi32, #tpu.memory_space<hbm>> -> memref<25x64xi32, #tpu.memory_space<hbm>>
      %dma_wait3A_85 = arith.constant 0 : i32
      %dma_wait3A_86 = arith.constant 0 : i32
      %dma_wait3A_87 = tpu.memref_slice %arg2[%add3A, %dma_wait3A_85, %dma_wait3A_86] : memref<32x25x64xi32, #tpu.memory_space<hbm>> -> memref<1x25x64xi32, #tpu.memory_space<hbm>>
      %dma_wait3A_88 = tpu.memref_squeeze %dma_wait3A_87 : memref<1x25x64xi32, #tpu.memory_space<hbm>> -> memref<25x64xi32, #tpu.memory_space<hbm>>
      tpu.wait_dma2 semaphore(%run_scoped3A : memref<!tpu.dma_semaphore, #tpu.memory_space<semaphore_mem>>) src(%dma_wait3A_88 : memref<25x64xi32, #tpu.memory_space<hbm>>) dst(%arg8 : memref<25x64xi32, #tpu.memory_space<vmem>>)
      tpu.yield
    }) : () -> ()
    %lt3A = arith.constant 4 : i32
    %lt3A_3 = arith.cmpi slt, %add3A, %lt3A : i32
    %convert_element_type3A = arith.extui %lt3A_3 : i1 to i32
    %cond3A = arith.constant 0 : i32
    %cond3A_4 = arith.cmpi ne, %convert_element_type3A, %cond3A : i32
    scf.if %cond3A_4 {
      "tpu.region"() ({
        %run_scoped3A = tpu.sem_alloc : memref<!tpu.dma_semaphore, #tpu.memory_space<semaphore_mem>>
        %dma_start3A_89 = arith.constant 0 : i32
        %dma_start3A_90 = arith.constant 0 : i32
        %dma_start3A_91 = tpu.memref_slice %arg3[%add3A, %dma_start3A_89, %dma_start3A_90] : memref<4x1x64xi32, #tpu.memory_space<hbm>> -> memref<1x1x64xi32, #tpu.memory_space<hbm>>
        %dma_start3A_92 = tpu.memref_squeeze %dma_start3A_91 : memref<1x1x64xi32, #tpu.memory_space<hbm>> -> memref<1x64xi32, #tpu.memory_space<hbm>>
        %dma_start3A_93 = arith.constant 0 : i32
        %dma_start3A_94 = arith.constant 0 : i32
        %dma_start3A_95 = tpu.memref_slice %arg3[%add3A, %dma_start3A_93, %dma_start3A_94] : memref<4x1x64xi32, #tpu.memory_space<hbm>> -> memref<1x1x64xi32, #tpu.memory_space<hbm>>
        %dma_start3A_96 = tpu.memref_squeeze %dma_start3A_95 : memref<1x1x64xi32, #tpu.memory_space<hbm>> -> memref<1x64xi32, #tpu.memory_space<hbm>>
        tpu.enqueue_dma source(%dma_start3A_96 : memref<1x64xi32, #tpu.memory_space<hbm>>) target(%arg15 : memref<1x64xi32, #tpu.memory_space<vmem>>) target_semaphore(%run_scoped3A : memref<!tpu.dma_semaphore, #tpu.memory_space<semaphore_mem>>)
        %dma_wait3A_97 = arith.constant 0 : i32
        %dma_wait3A_98 = arith.constant 0 : i32
        %dma_wait3A_99 = tpu.memref_slice %arg3[%add3A, %dma_wait3A_97, %dma_wait3A_98] : memref<4x1x64xi32, #tpu.memory_space<hbm>> -> memref<1x1x64xi32, #tpu.memory_space<hbm>>
        %dma_wait3A_100 = tpu.memref_squeeze %dma_wait3A_99 : memref<1x1x64xi32, #tpu.memory_space<hbm>> -> memref<1x64xi32, #tpu.memory_space<hbm>>
        %dma_wait3A_101 = arith.constant 0 : i32
        %dma_wait3A_102 = arith.constant 0 : i32
        %dma_wait3A_103 = tpu.memref_slice %arg3[%add3A, %dma_wait3A_101, %dma_wait3A_102] : memref<4x1x64xi32, #tpu.memory_space<hbm>> -> memref<1x1x64xi32, #tpu.memory_space<hbm>>
        %dma_wait3A_104 = tpu.memref_squeeze %dma_wait3A_103 : memref<1x1x64xi32, #tpu.memory_space<hbm>> -> memref<1x64xi32, #tpu.memory_space<hbm>>
        tpu.wait_dma2 semaphore(%run_scoped3A : memref<!tpu.dma_semaphore, #tpu.memory_space<semaphore_mem>>) src(%dma_wait3A_104 : memref<1x64xi32, #tpu.memory_space<hbm>>) dst(%arg15 : memref<1x64xi32, #tpu.memory_space<vmem>>)
        tpu.yield
      }) : () -> ()
      %dma_start3A_73 = arith.constant 0 : i32
      %dma_start3A_74 = arith.constant 0 : i32
      %dma_start3A_75 = tpu.memref_slice %arg15[%dma_start3A_73, %dma_start3A_74] : memref<1x64xi32, #tpu.memory_space<vmem>> -> memref<1x64xi32, #tpu.memory_space<vmem>>
      %dma_start3A_76 = tpu.memref_squeeze %dma_start3A_75 : memref<1x64xi32, #tpu.memory_space<vmem>> -> memref<64xi32, #tpu.memory_space<vmem>>
      %dma_start3A_77 = arith.constant 0 : i32
      %dma_start3A_78 = arith.constant 0 : i32
      %dma_start3A_79 = tpu.memref_slice %arg5[%dma_start3A_77, %dma_start3A_78] : memref<100000x128xf32, #tpu.memory_space<hbm>> -> memref<100000x128xf32, #tpu.memory_space<hbm>>
      tpu.enqueue_indirect_dma source(%dma_start3A_79 : memref<100000x128xf32, #tpu.memory_space<hbm>>) target(%arg16 : memref<64x128xf32, #tpu.memory_space<vmem>>) offsets(%dma_start3A_76 : memref<64xi32, #tpu.memory_space<vmem>>) semaphore(%arg14 : memref<!tpu.dma_semaphore, #tpu.memory_space<semaphore_mem>>)
      %dma_wait3A_80 = arith.constant 0 : i32
      %dma_wait3A_81 = arith.constant 0 : i32
      %dma_wait3A_82 = tpu.memref_slice %arg15[%dma_wait3A_80, %dma_wait3A_81] : memref<1x64xi32, #tpu.memory_space<vmem>> -> memref<1x64xi32, #tpu.memory_space<vmem>>
      %dma_wait3A_83 = tpu.memref_squeeze %dma_wait3A_82 : memref<1x64xi32, #tpu.memory_space<vmem>> -> memref<64xi32, #tpu.memory_space<vmem>>
      %dma_wait3A_84 = arith.constant 0 : i32
      %dma_wait3A_85 = arith.constant 0 : i32
      %dma_wait3A_86 = tpu.memref_slice %arg5[%dma_wait3A_84, %dma_wait3A_85] : memref<100000x128xf32, #tpu.memory_space<hbm>> -> memref<100000x128xf32, #tpu.memory_space<hbm>>
      tpu.wait_indirect_dma semaphore(%arg14 : memref<!tpu.dma_semaphore, #tpu.memory_space<semaphore_mem>>) src(%dma_wait3A_86 : memref<100000x128xf32, #tpu.memory_space<hbm>>) dst(%arg16 : memref<64x128xf32, #tpu.memory_space<vmem>>)
      %mul3A_87 = arith.constant 64 : i32
      %mul3A_88 = arith.muli %add3A, %mul3A_87 : i32
      "tpu.region"() ({
        %run_scoped3A = tpu.sem_alloc : memref<!tpu.dma_semaphore, #tpu.memory_space<semaphore_mem>>
        %dma_start3A_89 = arith.constant 0 : i32
        %dma_start3A_90 = tpu.memref_slice %arg7[%mul3A_88, %dma_start3A_89] : memref<256x128xf32, #tpu.memory_space<hbm>> -> memref<64x128xf32, #tpu.memory_space<hbm>>
        %dma_start3A_91 = arith.constant 0 : i32
        %dma_start3A_92 = tpu.memref_slice %arg7[%mul3A_88, %dma_start3A_91] : memref<256x128xf32, #tpu.memory_space<hbm>> -> memref<64x128xf32, #tpu.memory_space<hbm>>
        tpu.enqueue_dma source(%arg16 : memref<64x128xf32, #tpu.memory_space<vmem>>) target(%dma_start3A_92 : memref<64x128xf32, #tpu.memory_space<hbm>>) target_semaphore(%run_scoped3A : memref<!tpu.dma_semaphore, #tpu.memory_space<semaphore_mem>>)
        %dma_wait3A_93 = arith.constant 0 : i32
        %dma_wait3A_94 = tpu.memref_slice %arg7[%mul3A_88, %dma_wait3A_93] : memref<256x128xf32, #tpu.memory_space<hbm>> -> memref<64x128xf32, #tpu.memory_space<hbm>>
        %dma_wait3A_95 = arith.constant 0 : i32
        %dma_wait3A_96 = tpu.memref_slice %arg7[%mul3A_88, %dma_wait3A_95] : memref<256x128xf32, #tpu.memory_space<hbm>> -> memref<64x128xf32, #tpu.memory_space<hbm>>
        tpu.wait_dma2 semaphore(%run_scoped3A : memref<!tpu.dma_semaphore, #tpu.memory_space<semaphore_mem>>) src(%arg16 : memref<64x128xf32, #tpu.memory_space<vmem>>) dst(%dma_wait3A_96 : memref<64x128xf32, #tpu.memory_space<hbm>>)
        tpu.yield
      }) : () -> ()
    } else {
    }
    %dma_start3A = arith.constant 0 : i32
    %dma_start3A_5 = arith.constant 0 : i32
    %dma_start3A_6 = tpu.memref_slice %arg8[%dma_start3A, %dma_start3A_5] : memref<25x64xi32, #tpu.memory_space<vmem>> -> memref<1x64xi32, #tpu.memory_space<vmem>>
    %dma_start3A_7 = tpu.memref_squeeze %dma_start3A_6 : memref<1x64xi32, #tpu.memory_space<vmem>> -> memref<64xi32, #tpu.memory_space<vmem>>
    %dma_start3A_8 = arith.constant 0 : i32
    %dma_start3A_9 = arith.constant 0 : i32
    %dma_start3A_10 = tpu.memref_slice %arg4[%dma_start3A_8, %dma_start3A_9] : memref<100000x128xf32, #tpu.memory_space<hbm>> -> memref<100000x128xf32, #tpu.memory_space<hbm>>
    tpu.enqueue_indirect_dma source(%dma_start3A_10 : memref<100000x128xf32, #tpu.memory_space<hbm>>) target(%arg9 : memref<64x128xf32, #tpu.memory_space<vmem>>) offsets(%dma_start3A_7 : memref<64xi32, #tpu.memory_space<vmem>>) semaphore(%arg17 : memref<!tpu.dma_semaphore, #tpu.memory_space<semaphore_mem>>)
    %dma_start3A_11 = arith.constant 1 : i32
    %dma_start3A_12 = arith.constant 0 : i32
    %dma_start3A_13 = tpu.memref_slice %arg8[%dma_start3A_11, %dma_start3A_12] : memref<25x64xi32, #tpu.memory_space<vmem>> -> memref<1x64xi32, #tpu.memory_space<vmem>>
    %dma_start3A_14 = tpu.memref_squeeze %dma_start3A_13 : memref<1x64xi32, #tpu.memory_space<vmem>> -> memref<64xi32, #tpu.memory_space<vmem>>
    %dma_start3A_15 = arith.constant 0 : i32
    %dma_start3A_16 = arith.constant 0 : i32
    %dma_start3A_17 = tpu.memref_slice %arg4[%dma_start3A_15, %dma_start3A_16] : memref<100000x128xf32, #tpu.memory_space<hbm>> -> memref<100000x128xf32, #tpu.memory_space<hbm>>
    tpu.enqueue_indirect_dma source(%dma_start3A_17 : memref<100000x128xf32, #tpu.memory_space<hbm>>) target(%arg10 : memref<64x128xf32, #tpu.memory_space<vmem>>) offsets(%dma_start3A_14 : memref<64xi32, #tpu.memory_space<vmem>>) semaphore(%arg18 : memref<!tpu.dma_semaphore, #tpu.memory_space<semaphore_mem>>)
    %dma_start3A_18 = arith.constant 2 : i32
    %dma_start3A_19 = arith.constant 0 : i32
    %dma_start3A_20 = tpu.memref_slice %arg8[%dma_start3A_18, %dma_start3A_19] : memref<25x64xi32, #tpu.memory_space<vmem>> -> memref<1x64xi32, #tpu.memory_space<vmem>>
    %dma_start3A_21 = tpu.memref_squeeze %dma_start3A_20 : memref<1x64xi32, #tpu.memory_space<vmem>> -> memref<64xi32, #tpu.memory_space<vmem>>
    %dma_start3A_22 = arith.constant 0 : i32
    %dma_start3A_23 = arith.constant 0 : i32
    %dma_start3A_24 = tpu.memref_slice %arg4[%dma_start3A_22, %dma_start3A_23] : memref<100000x128xf32, #tpu.memory_space<hbm>> -> memref<100000x128xf32, #tpu.memory_space<hbm>>
    tpu.enqueue_indirect_dma source(%dma_start3A_24 : memref<100000x128xf32, #tpu.memory_space<hbm>>) target(%arg11 : memref<64x128xf32, #tpu.memory_space<vmem>>) offsets(%dma_start3A_21 : memref<64xi32, #tpu.memory_space<vmem>>) semaphore(%arg19 : memref<!tpu.dma_semaphore, #tpu.memory_space<semaphore_mem>>)
    %dma_start3A_25 = arith.constant 3 : i32
    %dma_start3A_26 = arith.constant 0 : i32
    %dma_start3A_27 = tpu.memref_slice %arg8[%dma_start3A_25, %dma_start3A_26] : memref<25x64xi32, #tpu.memory_space<vmem>> -> memref<1x64xi32, #tpu.memory_space<vmem>>
    %dma_start3A_28 = tpu.memref_squeeze %dma_start3A_27 : memref<1x64xi32, #tpu.memory_space<vmem>> -> memref<64xi32, #tpu.memory_space<vmem>>
    %dma_start3A_29 = arith.constant 0 : i32
    %dma_start3A_30 = arith.constant 0 : i32
    %dma_start3A_31 = tpu.memref_slice %arg4[%dma_start3A_29, %dma_start3A_30] : memref<100000x128xf32, #tpu.memory_space<hbm>> -> memref<100000x128xf32, #tpu.memory_space<hbm>>
    tpu.enqueue_indirect_dma source(%dma_start3A_31 : memref<100000x128xf32, #tpu.memory_space<hbm>>) target(%arg12 : memref<64x128xf32, #tpu.memory_space<vmem>>) offsets(%dma_start3A_28 : memref<64xi32, #tpu.memory_space<vmem>>) semaphore(%arg20 : memref<!tpu.dma_semaphore, #tpu.memory_space<semaphore_mem>>)
    %dma_start3A_32 = arith.constant 4 : i32
    %dma_start3A_33 = arith.constant 0 : i32
    %dma_start3A_34 = tpu.memref_slice %arg8[%dma_start3A_32, %dma_start3A_33] : memref<25x64xi32, #tpu.memory_space<vmem>> -> memref<1x64xi32, #tpu.memory_space<vmem>>
    %dma_start3A_35 = tpu.memref_squeeze %dma_start3A_34 : memref<1x64xi32, #tpu.memory_space<vmem>> -> memref<64xi32, #tpu.memory_space<vmem>>
    %dma_start3A_36 = arith.constant 0 : i32
    %dma_start3A_37 = arith.constant 0 : i32
    %dma_start3A_38 = tpu.memref_slice %arg4[%dma_start3A_36, %dma_start3A_37] : memref<100000x128xf32, #tpu.memory_space<hbm>> -> memref<100000x128xf32, #tpu.memory_space<hbm>>
    tpu.enqueue_indirect_dma source(%dma_start3A_38 : memref<100000x128xf32, #tpu.memory_space<hbm>>) target(%arg13 : memref<64x128xf32, #tpu.memory_space<vmem>>) offsets(%dma_start3A_35 : memref<64xi32, #tpu.memory_space<vmem>>) semaphore(%arg21 : memref<!tpu.dma_semaphore, #tpu.memory_space<semaphore_mem>>)
    %scan3A = arith.constant 0 : i32
    %scan3A_39 = arith.constant 0 : i32
    %scan3A_40 = arith.constant 5 : i32
    %scan3A_41 = arith.addi %scan3A_39, %scan3A_40 : i32
    %scan3A_42 = arith.constant 1 : i32
    scf.for %scan3A_73 = %scan3A_39 to %scan3A_41 step %scan3A_42  : i32 {
      %mul3A_74 = arith.constant 5 : i32
      %mul3A_75 = arith.muli %scan3A_73, %mul3A_74 : i32
      %add3A_76 = arith.constant 0 : i32
      %add3A_77 = arith.addi %mul3A_75, %add3A_76 : i32
      %dma_wait3A_78 = arith.constant 0 : i32
      %dma_wait3A_79 = arith.constant 0 : i32
      %dma_wait3A_80 = tpu.memref_slice %arg8[%dma_wait3A_78, %dma_wait3A_79] : memref<25x64xi32, #tpu.memory_space<vmem>> -> memref<1x64xi32, #tpu.memory_space<vmem>>
      %dma_wait3A_81 = tpu.memref_squeeze %dma_wait3A_80 : memref<1x64xi32, #tpu.memory_space<vmem>> -> memref<64xi32, #tpu.memory_space<vmem>>
      %dma_wait3A_82 = arith.constant 0 : i32
      %dma_wait3A_83 = arith.constant 0 : i32
      %dma_wait3A_84 = tpu.memref_slice %arg4[%dma_wait3A_82, %dma_wait3A_83] : memref<100000x128xf32, #tpu.memory_space<hbm>> -> memref<100000x128xf32, #tpu.memory_space<hbm>>
      tpu.wait_indirect_dma semaphore(%arg17 : memref<!tpu.dma_semaphore, #tpu.memory_space<semaphore_mem>>) src(%dma_wait3A_84 : memref<100000x128xf32, #tpu.memory_space<hbm>>) dst(%arg9 : memref<64x128xf32, #tpu.memory_space<vmem>>)
      %mul3A_85 = arith.constant 64 : i32
      %mul3A_86 = arith.muli %add3A_77, %mul3A_85 : i32
      %add3A_87 = arith.addi %mul3A_2, %mul3A_86 : i32
      %dma_start3A_88 = arith.constant 0 : i32
      %dma_start3A_89 = tpu.memref_slice %arg6[%add3A_87, %dma_start3A_88] : memref<51200x128xf32, #tpu.memory_space<hbm>> -> memref<64x128xf32, #tpu.memory_space<hbm>>
      %dma_start3A_90 = arith.constant 0 : i32
      %dma_start3A_91 = tpu.memref_slice %arg6[%add3A_87, %dma_start3A_90] : memref<51200x128xf32, #tpu.memory_space<hbm>> -> memref<64x128xf32, #tpu.memory_space<hbm>>
      tpu.enqueue_dma source(%arg9 : memref<64x128xf32, #tpu.memory_space<vmem>>) target(%dma_start3A_91 : memref<64x128xf32, #tpu.memory_space<hbm>>) target_semaphore(%arg22 : memref<!tpu.dma_semaphore, #tpu.memory_space<semaphore_mem>>)
      %sub3A = arith.constant 2 : i32
      %sub3A_92 = arith.subi %add3A_77, %sub3A : i32
      %ge3A = arith.constant 0 : i32
      %ge3A_93 = arith.cmpi sge, %sub3A_92, %ge3A : i32
      %add3A_94 = arith.constant 5 : i32
      %add3A_95 = arith.addi %sub3A_92, %add3A_94 : i32
      %le3A = arith.constant 24 : i32
      %le3A_96 = arith.cmpi sle, %add3A_95, %le3A : i32
      %and3A = arith.andi %ge3A_93, %le3A_96 : i1
      %convert_element_type3A_97 = arith.extui %and3A : i1 to i32
      %cond3A_98 = arith.constant 0 : i32
      %cond3A_99 = arith.cmpi ne, %convert_element_type3A_97, %cond3A_98 : i32
      scf.if %cond3A_99 {
        %mul3A_212 = arith.constant 64 : i32
        %mul3A_213 = arith.muli %sub3A_92, %mul3A_212 : i32
        %add3A_214 = arith.addi %mul3A_2, %mul3A_213 : i32
        %dma_wait3A_215 = arith.constant 0 : i32
        %dma_wait3A_216 = tpu.memref_slice %arg6[%add3A_214, %dma_wait3A_215] : memref<51200x128xf32, #tpu.memory_space<hbm>> -> memref<64x128xf32, #tpu.memory_space<hbm>>
        %dma_wait3A_217 = arith.constant 0 : i32
        %dma_wait3A_218 = tpu.memref_slice %arg6[%add3A_214, %dma_wait3A_217] : memref<51200x128xf32, #tpu.memory_space<hbm>> -> memref<64x128xf32, #tpu.memory_space<hbm>>
        tpu.wait_dma2 semaphore(%arg25 : memref<!tpu.dma_semaphore, #tpu.memory_space<semaphore_mem>>) src(%arg12 : memref<64x128xf32, #tpu.memory_space<vmem>>) dst(%dma_wait3A_218 : memref<64x128xf32, #tpu.memory_space<hbm>>)
        %add3A_219 = arith.constant 5 : i32
        %add3A_220 = arith.addi %sub3A_92, %add3A_219 : i32
        %dma_start3A_221 = arith.constant 0 : i32
        %dma_start3A_222 = tpu.memref_slice %arg8[%add3A_220, %dma_start3A_221] : memref<25x64xi32, #tpu.memory_space<vmem>> -> memref<1x64xi32, #tpu.memory_space<vmem>>
        %dma_start3A_223 = tpu.memref_squeeze %dma_start3A_222 : memref<1x64xi32, #tpu.memory_space<vmem>> -> memref<64xi32, #tpu.memory_space<vmem>>
        %dma_start3A_224 = arith.constant 0 : i32
        %dma_start3A_225 = arith.constant 0 : i32
        %dma_start3A_226 = tpu.memref_slice %arg4[%dma_start3A_224, %dma_start3A_225] : memref<100000x128xf32, #tpu.memory_space<hbm>> -> memref<100000x128xf32, #tpu.memory_space<hbm>>
        tpu.enqueue_indirect_dma source(%dma_start3A_226 : memref<100000x128xf32, #tpu.memory_space<hbm>>) target(%arg12 : memref<64x128xf32, #tpu.memory_space<vmem>>) offsets(%dma_start3A_223 : memref<64xi32, #tpu.memory_space<vmem>>) semaphore(%arg20 : memref<!tpu.dma_semaphore, #tpu.memory_space<semaphore_mem>>)
      } else {
      }
      %add3A_100 = arith.constant 1 : i32
      %add3A_101 = arith.addi %mul3A_75, %add3A_100 : i32
      %dma_wait3A_102 = arith.constant 1 : i32
      %dma_wait3A_103 = arith.constant 0 : i32
      %dma_wait3A_104 = tpu.memref_slice %arg8[%dma_wait3A_102, %dma_wait3A_103] : memref<25x64xi32, #tpu.memory_space<vmem>> -> memref<1x64xi32, #tpu.memory_space<vmem>>
      %dma_wait3A_105 = tpu.memref_squeeze %dma_wait3A_104 : memref<1x64xi32, #tpu.memory_space<vmem>> -> memref<64xi32, #tpu.memory_space<vmem>>
      %dma_wait3A_106 = arith.constant 0 : i32
      %dma_wait3A_107 = arith.constant 0 : i32
      %dma_wait3A_108 = tpu.memref_slice %arg4[%dma_wait3A_106, %dma_wait3A_107] : memref<100000x128xf32, #tpu.memory_space<hbm>> -> memref<100000x128xf32, #tpu.memory_space<hbm>>
      tpu.wait_indirect_dma semaphore(%arg18 : memref<!tpu.dma_semaphore, #tpu.memory_space<semaphore_mem>>) src(%dma_wait3A_108 : memref<100000x128xf32, #tpu.memory_space<hbm>>) dst(%arg10 : memref<64x128xf32, #tpu.memory_space<vmem>>)
      %mul3A_109 = arith.constant 64 : i32
      %mul3A_110 = arith.muli %add3A_101, %mul3A_109 : i32
      %add3A_111 = arith.addi %mul3A_2, %mul3A_110 : i32
      %dma_start3A_112 = arith.constant 0 : i32
      %dma_start3A_113 = tpu.memref_slice %arg6[%add3A_111, %dma_start3A_112] : memref<51200x128xf32, #tpu.memory_space<hbm>> -> memref<64x128xf32, #tpu.memory_space<hbm>>
      %dma_start3A_114 = arith.constant 0 : i32
      %dma_start3A_115 = tpu.memref_slice %arg6[%add3A_111, %dma_start3A_114] : memref<51200x128xf32, #tpu.memory_space<hbm>> -> memref<64x128xf32, #tpu.memory_space<hbm>>
      tpu.enqueue_dma source(%arg10 : memref<64x128xf32, #tpu.memory_space<vmem>>) target(%dma_start3A_115 : memref<64x128xf32, #tpu.memory_space<hbm>>) target_semaphore(%arg23 : memref<!tpu.dma_semaphore, #tpu.memory_space<semaphore_mem>>)
      %sub3A_116 = arith.constant 2 : i32
      %sub3A_117 = arith.subi %add3A_101, %sub3A_116 : i32
      %ge3A_118 = arith.constant 0 : i32
      %ge3A_119 = arith.cmpi sge, %sub3A_117, %ge3A_118 : i32
      %add3A_120 = arith.constant 5 : i32
      %add3A_121 = arith.addi %sub3A_117, %add3A_120 : i32
      %le3A_122 = arith.constant 24 : i32
      %le3A_123 = arith.cmpi sle, %add3A_121, %le3A_122 : i32
      %and3A_124 = arith.andi %ge3A_119, %le3A_123 : i1
      %convert_element_type3A_125 = arith.extui %and3A_124 : i1 to i32
      %cond3A_126 = arith.constant 0 : i32
      %cond3A_127 = arith.cmpi ne, %convert_element_type3A_125, %cond3A_126 : i32
      scf.if %cond3A_127 {
        %mul3A_212 = arith.constant 64 : i32
        %mul3A_213 = arith.muli %sub3A_117, %mul3A_212 : i32
        %add3A_214 = arith.addi %mul3A_2, %mul3A_213 : i32
        %dma_wait3A_215 = arith.constant 0 : i32
        %dma_wait3A_216 = tpu.memref_slice %arg6[%add3A_214, %dma_wait3A_215] : memref<51200x128xf32, #tpu.memory_space<hbm>> -> memref<64x128xf32, #tpu.memory_space<hbm>>
        %dma_wait3A_217 = arith.constant 0 : i32
        %dma_wait3A_218 = tpu.memref_slice %arg6[%add3A_214, %dma_wait3A_217] : memref<51200x128xf32, #tpu.memory_space<hbm>> -> memref<64x128xf32, #tpu.memory_space<hbm>>
        tpu.wait_dma2 semaphore(%arg26 : memref<!tpu.dma_semaphore, #tpu.memory_space<semaphore_mem>>) src(%arg13 : memref<64x128xf32, #tpu.memory_space<vmem>>) dst(%dma_wait3A_218 : memref<64x128xf32, #tpu.memory_space<hbm>>)
        %add3A_219 = arith.constant 5 : i32
        %add3A_220 = arith.addi %sub3A_117, %add3A_219 : i32
        %dma_start3A_221 = arith.constant 0 : i32
        %dma_start3A_222 = tpu.memref_slice %arg8[%add3A_220, %dma_start3A_221] : memref<25x64xi32, #tpu.memory_space<vmem>> -> memref<1x64xi32, #tpu.memory_space<vmem>>
        %dma_start3A_223 = tpu.memref_squeeze %dma_start3A_222 : memref<1x64xi32, #tpu.memory_space<vmem>> -> memref<64xi32, #tpu.memory_space<vmem>>
        %dma_start3A_224 = arith.constant 0 : i32
        %dma_start3A_225 = arith.constant 0 : i32
        %dma_start3A_226 = tpu.memref_slice %arg4[%dma_start3A_224, %dma_start3A_225] : memref<100000x128xf32, #tpu.memory_space<hbm>> -> memref<100000x128xf32, #tpu.memory_space<hbm>>
        tpu.enqueue_indirect_dma source(%dma_start3A_226 : memref<100000x128xf32, #tpu.memory_space<hbm>>) target(%arg13 : memref<64x128xf32, #tpu.memory_space<vmem>>) offsets(%dma_start3A_223 : memref<64xi32, #tpu.memory_space<vmem>>) semaphore(%arg21 : memref<!tpu.dma_semaphore, #tpu.memory_space<semaphore_mem>>)
      } else {
      }
      %add3A_128 = arith.constant 2 : i32
      %add3A_129 = arith.addi %mul3A_75, %add3A_128 : i32
      %dma_wait3A_130 = arith.constant 2 : i32
      %dma_wait3A_131 = arith.constant 0 : i32
      %dma_wait3A_132 = tpu.memref_slice %arg8[%dma_wait3A_130, %dma_wait3A_131] : memref<25x64xi32, #tpu.memory_space<vmem>> -> memref<1x64xi32, #tpu.memory_space<vmem>>
      %dma_wait3A_133 = tpu.memref_squeeze %dma_wait3A_132 : memref<1x64xi32, #tpu.memory_space<vmem>> -> memref<64xi32, #tpu.memory_space<vmem>>
      %dma_wait3A_134 = arith.constant 0 : i32
      %dma_wait3A_135 = arith.constant 0 : i32
      %dma_wait3A_136 = tpu.memref_slice %arg4[%dma_wait3A_134, %dma_wait3A_135] : memref<100000x128xf32, #tpu.memory_space<hbm>> -> memref<100000x128xf32, #tpu.memory_space<hbm>>
      tpu.wait_indirect_dma semaphore(%arg19 : memref<!tpu.dma_semaphore, #tpu.memory_space<semaphore_mem>>) src(%dma_wait3A_136 : memref<100000x128xf32, #tpu.memory_space<hbm>>) dst(%arg11 : memref<64x128xf32, #tpu.memory_space<vmem>>)
      %mul3A_137 = arith.constant 64 : i32
      %mul3A_138 = arith.muli %add3A_129, %mul3A_137 : i32
      %add3A_139 = arith.addi %mul3A_2, %mul3A_138 : i32
      %dma_start3A_140 = arith.constant 0 : i32
      %dma_start3A_141 = tpu.memref_slice %arg6[%add3A_139, %dma_start3A_140] : memref<51200x128xf32, #tpu.memory_space<hbm>> -> memref<64x128xf32, #tpu.memory_space<hbm>>
      %dma_start3A_142 = arith.constant 0 : i32
      %dma_start3A_143 = tpu.memref_slice %arg6[%add3A_139, %dma_start3A_142] : memref<51200x128xf32, #tpu.memory_space<hbm>> -> memref<64x128xf32, #tpu.memory_space<hbm>>
      tpu.enqueue_dma source(%arg11 : memref<64x128xf32, #tpu.memory_space<vmem>>) target(%dma_start3A_143 : memref<64x128xf32, #tpu.memory_space<hbm>>) target_semaphore(%arg24 : memref<!tpu.dma_semaphore, #tpu.memory_space<semaphore_mem>>)
      %sub3A_144 = arith.constant 2 : i32
      %sub3A_145 = arith.subi %add3A_129, %sub3A_144 : i32
      %ge3A_146 = arith.constant 0 : i32
      %ge3A_147 = arith.cmpi sge, %sub3A_145, %ge3A_146 : i32
      %add3A_148 = arith.constant 5 : i32
      %add3A_149 = arith.addi %sub3A_145, %add3A_148 : i32
      %le3A_150 = arith.constant 24 : i32
      %le3A_151 = arith.cmpi sle, %add3A_149, %le3A_150 : i32
      %and3A_152 = arith.andi %ge3A_147, %le3A_151 : i1
      %convert_element_type3A_153 = arith.extui %and3A_152 : i1 to i32
      %cond3A_154 = arith.constant 0 : i32
      %cond3A_155 = arith.cmpi ne, %convert_element_type3A_153, %cond3A_154 : i32
      scf.if %cond3A_155 {
        %mul3A_212 = arith.constant 64 : i32
        %mul3A_213 = arith.muli %sub3A_145, %mul3A_212 : i32
        %add3A_214 = arith.addi %mul3A_2, %mul3A_213 : i32
        %dma_wait3A_215 = arith.constant 0 : i32
        %dma_wait3A_216 = tpu.memref_slice %arg6[%add3A_214, %dma_wait3A_215] : memref<51200x128xf32, #tpu.memory_space<hbm>> -> memref<64x128xf32, #tpu.memory_space<hbm>>
        %dma_wait3A_217 = arith.constant 0 : i32
        %dma_wait3A_218 = tpu.memref_slice %arg6[%add3A_214, %dma_wait3A_217] : memref<51200x128xf32, #tpu.memory_space<hbm>> -> memref<64x128xf32, #tpu.memory_space<hbm>>
        tpu.wait_dma2 semaphore(%arg22 : memref<!tpu.dma_semaphore, #tpu.memory_space<semaphore_mem>>) src(%arg9 : memref<64x128xf32, #tpu.memory_space<vmem>>) dst(%dma_wait3A_218 : memref<64x128xf32, #tpu.memory_space<hbm>>)
        %add3A_219 = arith.constant 5 : i32
        %add3A_220 = arith.addi %sub3A_145, %add3A_219 : i32
        %dma_start3A_221 = arith.constant 0 : i32
        %dma_start3A_222 = tpu.memref_slice %arg8[%add3A_220, %dma_start3A_221] : memref<25x64xi32, #tpu.memory_space<vmem>> -> memref<1x64xi32, #tpu.memory_space<vmem>>
        %dma_start3A_223 = tpu.memref_squeeze %dma_start3A_222 : memref<1x64xi32, #tpu.memory_space<vmem>> -> memref<64xi32, #tpu.memory_space<vmem>>
        %dma_start3A_224 = arith.constant 0 : i32
        %dma_start3A_225 = arith.constant 0 : i32
        %dma_start3A_226 = tpu.memref_slice %arg4[%dma_start3A_224, %dma_start3A_225] : memref<100000x128xf32, #tpu.memory_space<hbm>> -> memref<100000x128xf32, #tpu.memory_space<hbm>>
        tpu.enqueue_indirect_dma source(%dma_start3A_226 : memref<100000x128xf32, #tpu.memory_space<hbm>>) target(%arg9 : memref<64x128xf32, #tpu.memory_space<vmem>>) offsets(%dma_start3A_223 : memref<64xi32, #tpu.memory_space<vmem>>) semaphore(%arg17 : memref<!tpu.dma_semaphore, #tpu.memory_space<semaphore_mem>>)
      } else {
      }
      %add3A_156 = arith.constant 3 : i32
      %add3A_157 = arith.addi %mul3A_75, %add3A_156 : i32
      %dma_wait3A_158 = arith.constant 3 : i32
      %dma_wait3A_159 = arith.constant 0 : i32
      %dma_wait3A_160 = tpu.memref_slice %arg8[%dma_wait3A_158, %dma_wait3A_159] : memref<25x64xi32, #tpu.memory_space<vmem>> -> memref<1x64xi32, #tpu.memory_space<vmem>>
      %dma_wait3A_161 = tpu.memref_squeeze %dma_wait3A_160 : memref<1x64xi32, #tpu.memory_space<vmem>> -> memref<64xi32, #tpu.memory_space<vmem>>
      %dma_wait3A_162 = arith.constant 0 : i32
      %dma_wait3A_163 = arith.constant 0 : i32
      %dma_wait3A_164 = tpu.memref_slice %arg4[%dma_wait3A_162, %dma_wait3A_163] : memref<100000x128xf32, #tpu.memory_space<hbm>> -> memref<100000x128xf32, #tpu.memory_space<hbm>>
      tpu.wait_indirect_dma semaphore(%arg20 : memref<!tpu.dma_semaphore, #tpu.memory_space<semaphore_mem>>) src(%dma_wait3A_164 : memref<100000x128xf32, #tpu.memory_space<hbm>>) dst(%arg12 : memref<64x128xf32, #tpu.memory_space<vmem>>)
      %mul3A_165 = arith.constant 64 : i32
      %mul3A_166 = arith.muli %add3A_157, %mul3A_165 : i32
      %add3A_167 = arith.addi %mul3A_2, %mul3A_166 : i32
      %dma_start3A_168 = arith.constant 0 : i32
      %dma_start3A_169 = tpu.memref_slice %arg6[%add3A_167, %dma_start3A_168] : memref<51200x128xf32, #tpu.memory_space<hbm>> -> memref<64x128xf32, #tpu.memory_space<hbm>>
      %dma_start3A_170 = arith.constant 0 : i32
      %dma_start3A_171 = tpu.memref_slice %arg6[%add3A_167, %dma_start3A_170] : memref<51200x128xf32, #tpu.memory_space<hbm>> -> memref<64x128xf32, #tpu.memory_space<hbm>>
      tpu.enqueue_dma source(%arg12 : memref<64x128xf32, #tpu.memory_space<vmem>>) target(%dma_start3A_171 : memref<64x128xf32, #tpu.memory_space<hbm>>) target_semaphore(%arg25 : memref<!tpu.dma_semaphore, #tpu.memory_space<semaphore_mem>>)
      %sub3A_172 = arith.constant 2 : i32
      %sub3A_173 = arith.subi %add3A_157, %sub3A_172 : i32
      %ge3A_174 = arith.constant 0 : i32
      %ge3A_175 = arith.cmpi sge, %sub3A_173, %ge3A_174 : i32
      %add3A_176 = arith.constant 5 : i32
      %add3A_177 = arith.addi %sub3A_173, %add3A_176 : i32
      %le3A_178 = arith.constant 24 : i32
      %le3A_179 = arith.cmpi sle, %add3A_177, %le3A_178 : i32
      %and3A_180 = arith.andi %ge3A_175, %le3A_179 : i1
      %convert_element_type3A_181 = arith.extui %and3A_180 : i1 to i32
      %cond3A_182 = arith.constant 0 : i32
      %cond3A_183 = arith.cmpi ne, %convert_element_type3A_181, %cond3A_182 : i32
      scf.if %cond3A_183 {
        %mul3A_212 = arith.constant 64 : i32
        %mul3A_213 = arith.muli %sub3A_173, %mul3A_212 : i32
        %add3A_214 = arith.addi %mul3A_2, %mul3A_213 : i32
        %dma_wait3A_215 = arith.constant 0 : i32
        %dma_wait3A_216 = tpu.memref_slice %arg6[%add3A_214, %dma_wait3A_215] : memref<51200x128xf32, #tpu.memory_space<hbm>> -> memref<64x128xf32, #tpu.memory_space<hbm>>
        %dma_wait3A_217 = arith.constant 0 : i32
        %dma_wait3A_218 = tpu.memref_slice %arg6[%add3A_214, %dma_wait3A_217] : memref<51200x128xf32, #tpu.memory_space<hbm>> -> memref<64x128xf32, #tpu.memory_space<hbm>>
        tpu.wait_dma2 semaphore(%arg23 : memref<!tpu.dma_semaphore, #tpu.memory_space<semaphore_mem>>) src(%arg10 : memref<64x128xf32, #tpu.memory_space<vmem>>) dst(%dma_wait3A_218 : memref<64x128xf32, #tpu.memory_space<hbm>>)
        %add3A_219 = arith.constant 5 : i32
        %add3A_220 = arith.addi %sub3A_173, %add3A_219 : i32
        %dma_start3A_221 = arith.constant 0 : i32
        %dma_start3A_222 = tpu.memref_slice %arg8[%add3A_220, %dma_start3A_221] : memref<25x64xi32, #tpu.memory_space<vmem>> -> memref<1x64xi32, #tpu.memory_space<vmem>>
        %dma_start3A_223 = tpu.memref_squeeze %dma_start3A_222 : memref<1x64xi32, #tpu.memory_space<vmem>> -> memref<64xi32, #tpu.memory_space<vmem>>
        %dma_start3A_224 = arith.constant 0 : i32
        %dma_start3A_225 = arith.constant 0 : i32
        %dma_start3A_226 = tpu.memref_slice %arg4[%dma_start3A_224, %dma_start3A_225] : memref<100000x128xf32, #tpu.memory_space<hbm>> -> memref<100000x128xf32, #tpu.memory_space<hbm>>
        tpu.enqueue_indirect_dma source(%dma_start3A_226 : memref<100000x128xf32, #tpu.memory_space<hbm>>) target(%arg10 : memref<64x128xf32, #tpu.memory_space<vmem>>) offsets(%dma_start3A_223 : memref<64xi32, #tpu.memory_space<vmem>>) semaphore(%arg18 : memref<!tpu.dma_semaphore, #tpu.memory_space<semaphore_mem>>)
      } else {
      }
      %add3A_184 = arith.constant 4 : i32
      %add3A_185 = arith.addi %mul3A_75, %add3A_184 : i32
      %dma_wait3A_186 = arith.constant 4 : i32
      %dma_wait3A_187 = arith.constant 0 : i32
      %dma_wait3A_188 = tpu.memref_slice %arg8[%dma_wait3A_186, %dma_wait3A_187] : memref<25x64xi32, #tpu.memory_space<vmem>> -> memref<1x64xi32, #tpu.memory_space<vmem>>
      %dma_wait3A_189 = tpu.memref_squeeze %dma_wait3A_188 : memref<1x64xi32, #tpu.memory_space<vmem>> -> memref<64xi32, #tpu.memory_space<vmem>>
      %dma_wait3A_190 = arith.constant 0 : i32
      %dma_wait3A_191 = arith.constant 0 : i32
      %dma_wait3A_192 = tpu.memref_slice %arg4[%dma_wait3A_190, %dma_wait3A_191] : memref<100000x128xf32, #tpu.memory_space<hbm>> -> memref<100000x128xf32, #tpu.memory_space<hbm>>
      tpu.wait_indirect_dma semaphore(%arg21 : memref<!tpu.dma_semaphore, #tpu.memory_space<semaphore_mem>>) src(%dma_wait3A_192 : memref<100000x128xf32, #tpu.memory_space<hbm>>) dst(%arg13 : memref<64x128xf32, #tpu.memory_space<vmem>>)
      %mul3A_193 = arith.constant 64 : i32
      %mul3A_194 = arith.muli %add3A_185, %mul3A_193 : i32
      %add3A_195 = arith.addi %mul3A_2, %mul3A_194 : i32
      %dma_start3A_196 = arith.constant 0 : i32
      %dma_start3A_197 = tpu.memref_slice %arg6[%add3A_195, %dma_start3A_196] : memref<51200x128xf32, #tpu.memory_space<hbm>> -> memref<64x128xf32, #tpu.memory_space<hbm>>
      %dma_start3A_198 = arith.constant 0 : i32
      %dma_start3A_199 = tpu.memref_slice %arg6[%add3A_195, %dma_start3A_198] : memref<51200x128xf32, #tpu.memory_space<hbm>> -> memref<64x128xf32, #tpu.memory_space<hbm>>
      tpu.enqueue_dma source(%arg13 : memref<64x128xf32, #tpu.memory_space<vmem>>) target(%dma_start3A_199 : memref<64x128xf32, #tpu.memory_space<hbm>>) target_semaphore(%arg26 : memref<!tpu.dma_semaphore, #tpu.memory_space<semaphore_mem>>)
      %sub3A_200 = arith.constant 2 : i32
      %sub3A_201 = arith.subi %add3A_185, %sub3A_200 : i32
      %ge3A_202 = arith.constant 0 : i32
      %ge3A_203 = arith.cmpi sge, %sub3A_201, %ge3A_202 : i32
      %add3A_204 = arith.constant 5 : i32
      %add3A_205 = arith.addi %sub3A_201, %add3A_204 : i32
      %le3A_206 = arith.constant 24 : i32
      %le3A_207 = arith.cmpi sle, %add3A_205, %le3A_206 : i32
      %and3A_208 = arith.andi %ge3A_203, %le3A_207 : i1
      %convert_element_type3A_209 = arith.extui %and3A_208 : i1 to i32
      %cond3A_210 = arith.constant 0 : i32
      %cond3A_211 = arith.cmpi ne, %convert_element_type3A_209, %cond3A_210 : i32
      scf.if %cond3A_211 {
        %mul3A_212 = arith.constant 64 : i32
        %mul3A_213 = arith.muli %sub3A_201, %mul3A_212 : i32
        %add3A_214 = arith.addi %mul3A_2, %mul3A_213 : i32
        %dma_wait3A_215 = arith.constant 0 : i32
        %dma_wait3A_216 = tpu.memref_slice %arg6[%add3A_214, %dma_wait3A_215] : memref<51200x128xf32, #tpu.memory_space<hbm>> -> memref<64x128xf32, #tpu.memory_space<hbm>>
        %dma_wait3A_217 = arith.constant 0 : i32
        %dma_wait3A_218 = tpu.memref_slice %arg6[%add3A_214, %dma_wait3A_217] : memref<51200x128xf32, #tpu.memory_space<hbm>> -> memref<64x128xf32, #tpu.memory_space<hbm>>
        tpu.wait_dma2 semaphore(%arg24 : memref<!tpu.dma_semaphore, #tpu.memory_space<semaphore_mem>>) src(%arg11 : memref<64x128xf32, #tpu.memory_space<vmem>>) dst(%dma_wait3A_218 : memref<64x128xf32, #tpu.memory_space<hbm>>)
        %add3A_219 = arith.constant 5 : i32
        %add3A_220 = arith.addi %sub3A_201, %add3A_219 : i32
        %dma_start3A_221 = arith.constant 0 : i32
        %dma_start3A_222 = tpu.memref_slice %arg8[%add3A_220, %dma_start3A_221] : memref<25x64xi32, #tpu.memory_space<vmem>> -> memref<1x64xi32, #tpu.memory_space<vmem>>
        %dma_start3A_223 = tpu.memref_squeeze %dma_start3A_222 : memref<1x64xi32, #tpu.memory_space<vmem>> -> memref<64xi32, #tpu.memory_space<vmem>>
        %dma_start3A_224 = arith.constant 0 : i32
        %dma_start3A_225 = arith.constant 0 : i32
        %dma_start3A_226 = tpu.memref_slice %arg4[%dma_start3A_224, %dma_start3A_225] : memref<100000x128xf32, #tpu.memory_space<hbm>> -> memref<100000x128xf32, #tpu.memory_space<hbm>>
        tpu.enqueue_indirect_dma source(%dma_start3A_226 : memref<100000x128xf32, #tpu.memory_space<hbm>>) target(%arg11 : memref<64x128xf32, #tpu.memory_space<vmem>>) offsets(%dma_start3A_223 : memref<64xi32, #tpu.memory_space<vmem>>) semaphore(%arg19 : memref<!tpu.dma_semaphore, #tpu.memory_space<semaphore_mem>>)
      } else {
      }
    }
    %scan3A_43 = arith.constant 5 : i32
    %add3A_44 = arith.constant 1280 : i32
    %add3A_45 = arith.addi %mul3A_2, %add3A_44 : i32
    %dma_wait3A = arith.constant 0 : i32
    %dma_wait3A_46 = tpu.memref_slice %arg6[%add3A_45, %dma_wait3A] : memref<51200x128xf32, #tpu.memory_space<hbm>> -> memref<64x128xf32, #tpu.memory_space<hbm>>
    %dma_wait3A_47 = arith.constant 0 : i32
    %dma_wait3A_48 = tpu.memref_slice %arg6[%add3A_45, %dma_wait3A_47] : memref<51200x128xf32, #tpu.memory_space<hbm>> -> memref<64x128xf32, #tpu.memory_space<hbm>>
    tpu.wait_dma2 semaphore(%arg22 : memref<!tpu.dma_semaphore, #tpu.memory_space<semaphore_mem>>) src(%arg9 : memref<64x128xf32, #tpu.memory_space<vmem>>) dst(%dma_wait3A_48 : memref<64x128xf32, #tpu.memory_space<hbm>>)
    %add3A_49 = arith.constant 1344 : i32
    %add3A_50 = arith.addi %mul3A_2, %add3A_49 : i32
    %dma_wait3A_51 = arith.constant 0 : i32
    %dma_wait3A_52 = tpu.memref_slice %arg6[%add3A_50, %dma_wait3A_51] : memref<51200x128xf32, #tpu.memory_space<hbm>> -> memref<64x128xf32, #tpu.memory_space<hbm>>
    %dma_wait3A_53 = arith.constant 0 : i32
    %dma_wait3A_54 = tpu.memref_slice %arg6[%add3A_50, %dma_wait3A_53] : memref<51200x128xf32, #tpu.memory_space<hbm>> -> memref<64x128xf32, #tpu.memory_space<hbm>>
    tpu.wait_dma2 semaphore(%arg23 : memref<!tpu.dma_semaphore, #tpu.memory_space<semaphore_mem>>) src(%arg10 : memref<64x128xf32, #tpu.memory_space<vmem>>) dst(%dma_wait3A_54 : memref<64x128xf32, #tpu.memory_space<hbm>>)
    %add3A_55 = arith.constant 1408 : i32
    %add3A_56 = arith.addi %mul3A_2, %add3A_55 : i32
    %dma_wait3A_57 = arith.constant 0 : i32
    %dma_wait3A_58 = tpu.memref_slice %arg6[%add3A_56, %dma_wait3A_57] : memref<51200x128xf32, #tpu.memory_space<hbm>> -> memref<64x128xf32, #tpu.memory_space<hbm>>
    %dma_wait3A_59 = arith.constant 0 : i32
    %dma_wait3A_60 = tpu.memref_slice %arg6[%add3A_56, %dma_wait3A_59] : memref<51200x128xf32, #tpu.memory_space<hbm>> -> memref<64x128xf32, #tpu.memory_space<hbm>>
    tpu.wait_dma2 semaphore(%arg24 : memref<!tpu.dma_semaphore, #tpu.memory_space<semaphore_mem>>) src(%arg11 : memref<64x128xf32, #tpu.memory_space<vmem>>) dst(%dma_wait3A_60 : memref<64x128xf32, #tpu.memory_space<hbm>>)
    %add3A_61 = arith.constant 1472 : i32
    %add3A_62 = arith.addi %mul3A_2, %add3A_61 : i32
    %dma_wait3A_63 = arith.constant 0 : i32
    %dma_wait3A_64 = tpu.memref_slice %arg6[%add3A_62, %dma_wait3A_63] : memref<51200x128xf32, #tpu.memory_space<hbm>> -> memref<64x128xf32, #tpu.memory_space<hbm>>
    %dma_wait3A_65 = arith.constant 0 : i32
    %dma_wait3A_66 = tpu.memref_slice %arg6[%add3A_62, %dma_wait3A_65] : memref<51200x128xf32, #tpu.memory_space<hbm>> -> memref<64x128xf32, #tpu.memory_space<hbm>>
    tpu.wait_dma2 semaphore(%arg25 : memref<!tpu.dma_semaphore, #tpu.memory_space<semaphore_mem>>) src(%arg12 : memref<64x128xf32, #tpu.memory_space<vmem>>) dst(%dma_wait3A_66 : memref<64x128xf32, #tpu.memory_space<hbm>>)
    %add3A_67 = arith.constant 1536 : i32
    %add3A_68 = arith.addi %mul3A_2, %add3A_67 : i32
    %dma_wait3A_69 = arith.constant 0 : i32
    %dma_wait3A_70 = tpu.memref_slice %arg6[%add3A_68, %dma_wait3A_69] : memref<51200x128xf32, #tpu.memory_space<hbm>> -> memref<64x128xf32, #tpu.memory_space<hbm>>
    %dma_wait3A_71 = arith.constant 0 : i32
    %dma_wait3A_72 = tpu.memref_slice %arg6[%add3A_68, %dma_wait3A_71] : memref<51200x128xf32, #tpu.memory_space<hbm>> -> memref<64x128xf32, #tpu.memory_space<hbm>>
    tpu.wait_dma2 semaphore(%arg26 : memref<!tpu.dma_semaphore, #tpu.memory_space<semaphore_mem>>) src(%arg13 : memref<64x128xf32, #tpu.memory_space<vmem>>) dst(%dma_wait3A_72 : memref<64x128xf32, #tpu.memory_space<hbm>>)
    return
  }
}

#map = affine_map<(d0, d1) -> (0, 0, 0)>
#map1 = affine_map<(d0, d1) -> (0, 0)>
module attributes {stable_mosaic.version = 14 : i64} {
  func.func @_sc_gather_body(%arg0: i32, %arg1: i32, %arg2: memref<32x25x64xi32, #tpu.memory_space<hbm>>, %arg3: memref<4x1x64xi32, #tpu.memory_space<hbm>>, %arg4: memref<100000x128xf32, #tpu.memory_space<hbm>>, %arg5: memref<100000x128xf32, #tpu.memory_space<hbm>>, %arg6: memref<51200x128xf32, #tpu.memory_space<hbm>>, %arg7: memref<256x128xf32, #tpu.memory_space<hbm>>, %arg8: memref<25x64xi32, #tpu.memory_space<vmem>>, %arg9: memref<64x128xf32, #tpu.memory_space<vmem>>, %arg10: memref<64x128xf32, #tpu.memory_space<vmem>>, %arg11: memref<64x128xf32, #tpu.memory_space<vmem>>, %arg12: memref<64x128xf32, #tpu.memory_space<vmem>>, %arg13: memref<64x128xf32, #tpu.memory_space<vmem>>, %arg14: memref<!tpu.dma_semaphore, #tpu.memory_space<semaphore_mem>>, %arg15: memref<1x64xi32, #tpu.memory_space<vmem>>, %arg16: memref<64x128xf32, #tpu.memory_space<vmem>>, %arg17: memref<!tpu.dma_semaphore, #tpu.memory_space<semaphore_mem>>, %arg18: memref<!tpu.dma_semaphore, #tpu.memory_space<semaphore_mem>>, %arg19: memref<!tpu.dma_semaphore, #tpu.memory_space<semaphore_mem>>, %arg20: memref<!tpu.dma_semaphore, #tpu.memory_space<semaphore_mem>>, %arg21: memref<!tpu.dma_semaphore, #tpu.memory_space<semaphore_mem>>, %arg22: memref<!tpu.dma_semaphore, #tpu.memory_space<semaphore_mem>>, %arg23: memref<!tpu.dma_semaphore, #tpu.memory_space<semaphore_mem>>, %arg24: memref<!tpu.dma_semaphore, #tpu.memory_space<semaphore_mem>>, %arg25: memref<!tpu.dma_semaphore, #tpu.memory_space<semaphore_mem>>, %arg26: memref<!tpu.dma_semaphore, #tpu.memory_space<semaphore_mem>>) attributes {dimension_semantics = [#tpu.dimension_semantics<core_parallel>, #tpu.dimension_semantics<subcore_parallel>], iteration_bounds = array<i64: 2, 16>, scalar_prefetch = 0 : i64, scratch_operands = 19 : i64, tpu.core_type = #tpu.core_type<sc_vector_subcore>, window_params = [{transform_indices = #map}, {transform_indices = #map}, {transform_indices = #map1}, {transform_indices = #map1}, {transform_indices = #map1}, {transform_indices = #map1}]} {
    %mul3A = arith.constant 2 : i32
    %mul3A_0 = arith.muli %arg1, %mul3A : i32
    %add3A = arith.addi %mul3A_0, %arg0 : i32
    %mul3A_1 = arith.constant 1600 : i32
    %mul3A_2 = arith.muli %add3A, %mul3A_1 : i32
    "tpu.region"() ({
      %run_scoped3A = tpu.sem_alloc : memref<!tpu.dma_semaphore, #tpu.memory_space<semaphore_mem>>
      %dma_start3A_73 = arith.constant 0 : i32
      %dma_start3A_74 = arith.constant 0 : i32
      %dma_start3A_75 = tpu.memref_slice %arg2[%add3A, %dma_start3A_73, %dma_start3A_74] : memref<32x25x64xi32, #tpu.memory_space<hbm>> -> memref<1x25x64xi32, #tpu.memory_space<hbm>>
      %dma_start3A_76 = tpu.memref_squeeze %dma_start3A_75 : memref<1x25x64xi32, #tpu.memory_space<hbm>> -> memref<25x64xi32, #tpu.memory_space<hbm>>
      %dma_start3A_77 = arith.constant 0 : i32
      %dma_start3A_78 = arith.constant 0 : i32
      %dma_start3A_79 = tpu.memref_slice %arg2[%add3A, %dma_start3A_77, %dma_start3A_78] : memref<32x25x64xi32, #tpu.memory_space<hbm>> -> memref<1x25x64xi32, #tpu.memory_space<hbm>>
      %dma_start3A_80 = tpu.memref_squeeze %dma_start3A_79 : memref<1x25x64xi32, #tpu.memory_space<hbm>> -> memref<25x64xi32, #tpu.memory_space<hbm>>
      tpu.enqueue_dma source(%dma_start3A_80 : memref<25x64xi32, #tpu.memory_space<hbm>>) target(%arg8 : memref<25x64xi32, #tpu.memory_space<vmem>>) target_semaphore(%run_scoped3A : memref<!tpu.dma_semaphore, #tpu.memory_space<semaphore_mem>>)
      %dma_wait3A_81 = arith.constant 0 : i32
      %dma_wait3A_82 = arith.constant 0 : i32
      %dma_wait3A_83 = tpu.memref_slice %arg2[%add3A, %dma_wait3A_81, %dma_wait3A_82] : memref<32x25x64xi32, #tpu.memory_space<hbm>> -> memref<1x25x64xi32, #tpu.memory_space<hbm>>
      %dma_wait3A_84 = tpu.memref_squeeze %dma_wait3A_83 : memref<1x25x64xi32, #tpu.memory_space<hbm>> -> memref<25x64xi32, #tpu.memory_space<hbm>>
      %dma_wait3A_85 = arith.constant 0 : i32
      %dma_wait3A_86 = arith.constant 0 : i32
      %dma_wait3A_87 = tpu.memref_slice %arg2[%add3A, %dma_wait3A_85, %dma_wait3A_86] : memref<32x25x64xi32, #tpu.memory_space<hbm>> -> memref<1x25x64xi32, #tpu.memory_space<hbm>>
      %dma_wait3A_88 = tpu.memref_squeeze %dma_wait3A_87 : memref<1x25x64xi32, #tpu.memory_space<hbm>> -> memref<25x64xi32, #tpu.memory_space<hbm>>
      tpu.wait_dma2 semaphore(%run_scoped3A : memref<!tpu.dma_semaphore, #tpu.memory_space<semaphore_mem>>) src(%dma_wait3A_88 : memref<25x64xi32, #tpu.memory_space<hbm>>) dst(%arg8 : memref<25x64xi32, #tpu.memory_space<vmem>>)
      tpu.yield
    }) : () -> ()
    %lt3A = arith.constant 4 : i32
    %lt3A_3 = arith.cmpi slt, %add3A, %lt3A : i32
    %convert_element_type3A = arith.extui %lt3A_3 : i1 to i32
    %cond3A = arith.constant 0 : i32
    %cond3A_4 = arith.cmpi ne, %convert_element_type3A, %cond3A : i32
    scf.if %cond3A_4 {
      "tpu.region"() ({
        %run_scoped3A = tpu.sem_alloc : memref<!tpu.dma_semaphore, #tpu.memory_space<semaphore_mem>>
        %dma_start3A_89 = arith.constant 0 : i32
        %dma_start3A_90 = arith.constant 0 : i32
        %dma_start3A_91 = tpu.memref_slice %arg3[%add3A, %dma_start3A_89, %dma_start3A_90] : memref<4x1x64xi32, #tpu.memory_space<hbm>> -> memref<1x1x64xi32, #tpu.memory_space<hbm>>
        %dma_start3A_92 = tpu.memref_squeeze %dma_start3A_91 : memref<1x1x64xi32, #tpu.memory_space<hbm>> -> memref<1x64xi32, #tpu.memory_space<hbm>>
        %dma_start3A_93 = arith.constant 0 : i32
        %dma_start3A_94 = arith.constant 0 : i32
        %dma_start3A_95 = tpu.memref_slice %arg3[%add3A, %dma_start3A_93, %dma_start3A_94] : memref<4x1x64xi32, #tpu.memory_space<hbm>> -> memref<1x1x64xi32, #tpu.memory_space<hbm>>
        %dma_start3A_96 = tpu.memref_squeeze %dma_start3A_95 : memref<1x1x64xi32, #tpu.memory_space<hbm>> -> memref<1x64xi32, #tpu.memory_space<hbm>>
        tpu.enqueue_dma source(%dma_start3A_96 : memref<1x64xi32, #tpu.memory_space<hbm>>) target(%arg15 : memref<1x64xi32, #tpu.memory_space<vmem>>) target_semaphore(%run_scoped3A : memref<!tpu.dma_semaphore, #tpu.memory_space<semaphore_mem>>)
        %dma_wait3A_97 = arith.constant 0 : i32
        %dma_wait3A_98 = arith.constant 0 : i32
        %dma_wait3A_99 = tpu.memref_slice %arg3[%add3A, %dma_wait3A_97, %dma_wait3A_98] : memref<4x1x64xi32, #tpu.memory_space<hbm>> -> memref<1x1x64xi32, #tpu.memory_space<hbm>>
        %dma_wait3A_100 = tpu.memref_squeeze %dma_wait3A_99 : memref<1x1x64xi32, #tpu.memory_space<hbm>> -> memref<1x64xi32, #tpu.memory_space<hbm>>
        %dma_wait3A_101 = arith.constant 0 : i32
        %dma_wait3A_102 = arith.constant 0 : i32
        %dma_wait3A_103 = tpu.memref_slice %arg3[%add3A, %dma_wait3A_101, %dma_wait3A_102] : memref<4x1x64xi32, #tpu.memory_space<hbm>> -> memref<1x1x64xi32, #tpu.memory_space<hbm>>
        %dma_wait3A_104 = tpu.memref_squeeze %dma_wait3A_103 : memref<1x1x64xi32, #tpu.memory_space<hbm>> -> memref<1x64xi32, #tpu.memory_space<hbm>>
        tpu.wait_dma2 semaphore(%run_scoped3A : memref<!tpu.dma_semaphore, #tpu.memory_space<semaphore_mem>>) src(%dma_wait3A_104 : memref<1x64xi32, #tpu.memory_space<hbm>>) dst(%arg15 : memref<1x64xi32, #tpu.memory_space<vmem>>)
        tpu.yield
      }) : () -> ()
      %dma_start3A_73 = arith.constant 0 : i32
      %dma_start3A_74 = arith.constant 0 : i32
      %dma_start3A_75 = tpu.memref_slice %arg15[%dma_start3A_73, %dma_start3A_74] : memref<1x64xi32, #tpu.memory_space<vmem>> -> memref<1x64xi32, #tpu.memory_space<vmem>>
      %dma_start3A_76 = tpu.memref_squeeze %dma_start3A_75 : memref<1x64xi32, #tpu.memory_space<vmem>> -> memref<64xi32, #tpu.memory_space<vmem>>
      %dma_start3A_77 = arith.constant 0 : i32
      %dma_start3A_78 = arith.constant 0 : i32
      %dma_start3A_79 = tpu.memref_slice %arg5[%dma_start3A_77, %dma_start3A_78] : memref<100000x128xf32, #tpu.memory_space<hbm>> -> memref<100000x128xf32, #tpu.memory_space<hbm>>
      tpu.enqueue_indirect_dma source(%dma_start3A_79 : memref<100000x128xf32, #tpu.memory_space<hbm>>) target(%arg16 : memref<64x128xf32, #tpu.memory_space<vmem>>) offsets(%dma_start3A_76 : memref<64xi32, #tpu.memory_space<vmem>>) semaphore(%arg14 : memref<!tpu.dma_semaphore, #tpu.memory_space<semaphore_mem>>)
      %dma_wait3A_80 = arith.constant 0 : i32
      %dma_wait3A_81 = arith.constant 0 : i32
      %dma_wait3A_82 = tpu.memref_slice %arg15[%dma_wait3A_80, %dma_wait3A_81] : memref<1x64xi32, #tpu.memory_space<vmem>> -> memref<1x64xi32, #tpu.memory_space<vmem>>
      %dma_wait3A_83 = tpu.memref_squeeze %dma_wait3A_82 : memref<1x64xi32, #tpu.memory_space<vmem>> -> memref<64xi32, #tpu.memory_space<vmem>>
      %dma_wait3A_84 = arith.constant 0 : i32
      %dma_wait3A_85 = arith.constant 0 : i32
      %dma_wait3A_86 = tpu.memref_slice %arg5[%dma_wait3A_84, %dma_wait3A_85] : memref<100000x128xf32, #tpu.memory_space<hbm>> -> memref<100000x128xf32, #tpu.memory_space<hbm>>
      tpu.wait_indirect_dma semaphore(%arg14 : memref<!tpu.dma_semaphore, #tpu.memory_space<semaphore_mem>>) src(%dma_wait3A_86 : memref<100000x128xf32, #tpu.memory_space<hbm>>) dst(%arg16 : memref<64x128xf32, #tpu.memory_space<vmem>>)
      %mul3A_87 = arith.constant 64 : i32
      %mul3A_88 = arith.muli %add3A, %mul3A_87 : i32
      "tpu.region"() ({
        %run_scoped3A = tpu.sem_alloc : memref<!tpu.dma_semaphore, #tpu.memory_space<semaphore_mem>>
        %dma_start3A_89 = arith.constant 0 : i32
        %dma_start3A_90 = tpu.memref_slice %arg7[%mul3A_88, %dma_start3A_89] : memref<256x128xf32, #tpu.memory_space<hbm>> -> memref<64x128xf32, #tpu.memory_space<hbm>>
        %dma_start3A_91 = arith.constant 0 : i32
        %dma_start3A_92 = tpu.memref_slice %arg7[%mul3A_88, %dma_start3A_91] : memref<256x128xf32, #tpu.memory_space<hbm>> -> memref<64x128xf32, #tpu.memory_space<hbm>>
        tpu.enqueue_dma source(%arg16 : memref<64x128xf32, #tpu.memory_space<vmem>>) target(%dma_start3A_92 : memref<64x128xf32, #tpu.memory_space<hbm>>) target_semaphore(%run_scoped3A : memref<!tpu.dma_semaphore, #tpu.memory_space<semaphore_mem>>)
        %dma_wait3A_93 = arith.constant 0 : i32
        %dma_wait3A_94 = tpu.memref_slice %arg7[%mul3A_88, %dma_wait3A_93] : memref<256x128xf32, #tpu.memory_space<hbm>> -> memref<64x128xf32, #tpu.memory_space<hbm>>
        %dma_wait3A_95 = arith.constant 0 : i32
        %dma_wait3A_96 = tpu.memref_slice %arg7[%mul3A_88, %dma_wait3A_95] : memref<256x128xf32, #tpu.memory_space<hbm>> -> memref<64x128xf32, #tpu.memory_space<hbm>>
        tpu.wait_dma2 semaphore(%run_scoped3A : memref<!tpu.dma_semaphore, #tpu.memory_space<semaphore_mem>>) src(%arg16 : memref<64x128xf32, #tpu.memory_space<vmem>>) dst(%dma_wait3A_96 : memref<64x128xf32, #tpu.memory_space<hbm>>)
        tpu.yield
      }) : () -> ()
    } else {
    }
    %dma_start3A = arith.constant 0 : i32
    %dma_start3A_5 = arith.constant 0 : i32
    %dma_start3A_6 = tpu.memref_slice %arg8[%dma_start3A, %dma_start3A_5] : memref<25x64xi32, #tpu.memory_space<vmem>> -> memref<1x64xi32, #tpu.memory_space<vmem>>
    %dma_start3A_7 = tpu.memref_squeeze %dma_start3A_6 : memref<1x64xi32, #tpu.memory_space<vmem>> -> memref<64xi32, #tpu.memory_space<vmem>>
    %dma_start3A_8 = arith.constant 0 : i32
    %dma_start3A_9 = arith.constant 0 : i32
    %dma_start3A_10 = tpu.memref_slice %arg4[%dma_start3A_8, %dma_start3A_9] : memref<100000x128xf32, #tpu.memory_space<hbm>> -> memref<100000x128xf32, #tpu.memory_space<hbm>>
    tpu.enqueue_indirect_dma source(%dma_start3A_10 : memref<100000x128xf32, #tpu.memory_space<hbm>>) target(%arg9 : memref<64x128xf32, #tpu.memory_space<vmem>>) offsets(%dma_start3A_7 : memref<64xi32, #tpu.memory_space<vmem>>) semaphore(%arg17 : memref<!tpu.dma_semaphore, #tpu.memory_space<semaphore_mem>>)
    %dma_start3A_11 = arith.constant 1 : i32
    %dma_start3A_12 = arith.constant 0 : i32
    %dma_start3A_13 = tpu.memref_slice %arg8[%dma_start3A_11, %dma_start3A_12] : memref<25x64xi32, #tpu.memory_space<vmem>> -> memref<1x64xi32, #tpu.memory_space<vmem>>
    %dma_start3A_14 = tpu.memref_squeeze %dma_start3A_13 : memref<1x64xi32, #tpu.memory_space<vmem>> -> memref<64xi32, #tpu.memory_space<vmem>>
    %dma_start3A_15 = arith.constant 0 : i32
    %dma_start3A_16 = arith.constant 0 : i32
    %dma_start3A_17 = tpu.memref_slice %arg4[%dma_start3A_15, %dma_start3A_16] : memref<100000x128xf32, #tpu.memory_space<hbm>> -> memref<100000x128xf32, #tpu.memory_space<hbm>>
    tpu.enqueue_indirect_dma source(%dma_start3A_17 : memref<100000x128xf32, #tpu.memory_space<hbm>>) target(%arg10 : memref<64x128xf32, #tpu.memory_space<vmem>>) offsets(%dma_start3A_14 : memref<64xi32, #tpu.memory_space<vmem>>) semaphore(%arg18 : memref<!tpu.dma_semaphore, #tpu.memory_space<semaphore_mem>>)
    %dma_start3A_18 = arith.constant 2 : i32
    %dma_start3A_19 = arith.constant 0 : i32
    %dma_start3A_20 = tpu.memref_slice %arg8[%dma_start3A_18, %dma_start3A_19] : memref<25x64xi32, #tpu.memory_space<vmem>> -> memref<1x64xi32, #tpu.memory_space<vmem>>
    %dma_start3A_21 = tpu.memref_squeeze %dma_start3A_20 : memref<1x64xi32, #tpu.memory_space<vmem>> -> memref<64xi32, #tpu.memory_space<vmem>>
    %dma_start3A_22 = arith.constant 0 : i32
    %dma_start3A_23 = arith.constant 0 : i32
    %dma_start3A_24 = tpu.memref_slice %arg4[%dma_start3A_22, %dma_start3A_23] : memref<100000x128xf32, #tpu.memory_space<hbm>> -> memref<100000x128xf32, #tpu.memory_space<hbm>>
    tpu.enqueue_indirect_dma source(%dma_start3A_24 : memref<100000x128xf32, #tpu.memory_space<hbm>>) target(%arg11 : memref<64x128xf32, #tpu.memory_space<vmem>>) offsets(%dma_start3A_21 : memref<64xi32, #tpu.memory_space<vmem>>) semaphore(%arg19 : memref<!tpu.dma_semaphore, #tpu.memory_space<semaphore_mem>>)
    %dma_start3A_25 = arith.constant 3 : i32
    %dma_start3A_26 = arith.constant 0 : i32
    %dma_start3A_27 = tpu.memref_slice %arg8[%dma_start3A_25, %dma_start3A_26] : memref<25x64xi32, #tpu.memory_space<vmem>> -> memref<1x64xi32, #tpu.memory_space<vmem>>
    %dma_start3A_28 = tpu.memref_squeeze %dma_start3A_27 : memref<1x64xi32, #tpu.memory_space<vmem>> -> memref<64xi32, #tpu.memory_space<vmem>>
    %dma_start3A_29 = arith.constant 0 : i32
    %dma_start3A_30 = arith.constant 0 : i32
    %dma_start3A_31 = tpu.memref_slice %arg4[%dma_start3A_29, %dma_start3A_30] : memref<100000x128xf32, #tpu.memory_space<hbm>> -> memref<100000x128xf32, #tpu.memory_space<hbm>>
    tpu.enqueue_indirect_dma source(%dma_start3A_31 : memref<100000x128xf32, #tpu.memory_space<hbm>>) target(%arg12 : memref<64x128xf32, #tpu.memory_space<vmem>>) offsets(%dma_start3A_28 : memref<64xi32, #tpu.memory_space<vmem>>) semaphore(%arg20 : memref<!tpu.dma_semaphore, #tpu.memory_space<semaphore_mem>>)
    %dma_start3A_32 = arith.constant 4 : i32
    %dma_start3A_33 = arith.constant 0 : i32
    %dma_start3A_34 = tpu.memref_slice %arg8[%dma_start3A_32, %dma_start3A_33] : memref<25x64xi32, #tpu.memory_space<vmem>> -> memref<1x64xi32, #tpu.memory_space<vmem>>
    %dma_start3A_35 = tpu.memref_squeeze %dma_start3A_34 : memref<1x64xi32, #tpu.memory_space<vmem>> -> memref<64xi32, #tpu.memory_space<vmem>>
    %dma_start3A_36 = arith.constant 0 : i32
    %dma_start3A_37 = arith.constant 0 : i32
    %dma_start3A_38 = tpu.memref_slice %arg4[%dma_start3A_36, %dma_start3A_37] : memref<100000x128xf32, #tpu.memory_space<hbm>> -> memref<100000x128xf32, #tpu.memory_space<hbm>>
    tpu.enqueue_indirect_dma source(%dma_start3A_38 : memref<100000x128xf32, #tpu.memory_space<hbm>>) target(%arg13 : memref<64x128xf32, #tpu.memory_space<vmem>>) offsets(%dma_start3A_35 : memref<64xi32, #tpu.memory_space<vmem>>) semaphore(%arg21 : memref<!tpu.dma_semaphore, #tpu.memory_space<semaphore_mem>>)
    %scan3A = arith.constant 0 : i32
    %scan3A_39 = arith.constant 0 : i32
    %scan3A_40 = arith.constant 5 : i32
    %scan3A_41 = arith.addi %scan3A_39, %scan3A_40 : i32
    %scan3A_42 = arith.constant 1 : i32
    scf.for %scan3A_73 = %scan3A_39 to %scan3A_41 step %scan3A_42  : i32 {
      %mul3A_74 = arith.constant 5 : i32
      %mul3A_75 = arith.muli %scan3A_73, %mul3A_74 : i32
      %add3A_76 = arith.constant 0 : i32
      %add3A_77 = arith.addi %mul3A_75, %add3A_76 : i32
      %dma_wait3A_78 = arith.constant 0 : i32
      %dma_wait3A_79 = arith.constant 0 : i32
      %dma_wait3A_80 = tpu.memref_slice %arg8[%dma_wait3A_78, %dma_wait3A_79] : memref<25x64xi32, #tpu.memory_space<vmem>> -> memref<1x64xi32, #tpu.memory_space<vmem>>
      %dma_wait3A_81 = tpu.memref_squeeze %dma_wait3A_80 : memref<1x64xi32, #tpu.memory_space<vmem>> -> memref<64xi32, #tpu.memory_space<vmem>>
      %dma_wait3A_82 = arith.constant 0 : i32
      %dma_wait3A_83 = arith.constant 0 : i32
      %dma_wait3A_84 = tpu.memref_slice %arg4[%dma_wait3A_82, %dma_wait3A_83] : memref<100000x128xf32, #tpu.memory_space<hbm>> -> memref<100000x128xf32, #tpu.memory_space<hbm>>
      tpu.wait_indirect_dma semaphore(%arg17 : memref<!tpu.dma_semaphore, #tpu.memory_space<semaphore_mem>>) src(%dma_wait3A_84 : memref<100000x128xf32, #tpu.memory_space<hbm>>) dst(%arg9 : memref<64x128xf32, #tpu.memory_space<vmem>>)
      %mul3A_85 = arith.constant 64 : i32
      %mul3A_86 = arith.muli %add3A_77, %mul3A_85 : i32
      %add3A_87 = arith.addi %mul3A_2, %mul3A_86 : i32
      %dma_start3A_88 = arith.constant 0 : i32
      %dma_start3A_89 = tpu.memref_slice %arg6[%add3A_87, %dma_start3A_88] : memref<51200x128xf32, #tpu.memory_space<hbm>> -> memref<64x128xf32, #tpu.memory_space<hbm>>
      %dma_start3A_90 = arith.constant 0 : i32
      %dma_start3A_91 = tpu.memref_slice %arg6[%add3A_87, %dma_start3A_90] : memref<51200x128xf32, #tpu.memory_space<hbm>> -> memref<64x128xf32, #tpu.memory_space<hbm>>
      tpu.enqueue_dma source(%arg9 : memref<64x128xf32, #tpu.memory_space<vmem>>) target(%dma_start3A_91 : memref<64x128xf32, #tpu.memory_space<hbm>>) target_semaphore(%arg22 : memref<!tpu.dma_semaphore, #tpu.memory_space<semaphore_mem>>)
      %sub3A = arith.constant 2 : i32
      %sub3A_92 = arith.subi %add3A_77, %sub3A : i32
      %ge3A = arith.constant 0 : i32
      %ge3A_93 = arith.cmpi sge, %sub3A_92, %ge3A : i32
      %add3A_94 = arith.constant 5 : i32
      %add3A_95 = arith.addi %sub3A_92, %add3A_94 : i32
      %le3A = arith.constant 24 : i32
      %le3A_96 = arith.cmpi sle, %add3A_95, %le3A : i32
      %and3A = arith.andi %ge3A_93, %le3A_96 : i1
      %convert_element_type3A_97 = arith.extui %and3A : i1 to i32
      %cond3A_98 = arith.constant 0 : i32
      %cond3A_99 = arith.cmpi ne, %convert_element_type3A_97, %cond3A_98 : i32
      scf.if %cond3A_99 {
        %mul3A_212 = arith.constant 64 : i32
        %mul3A_213 = arith.muli %sub3A_92, %mul3A_212 : i32
        %add3A_214 = arith.addi %mul3A_2, %mul3A_213 : i32
        %dma_wait3A_215 = arith.constant 0 : i32
        %dma_wait3A_216 = tpu.memref_slice %arg6[%add3A_214, %dma_wait3A_215] : memref<51200x128xf32, #tpu.memory_space<hbm>> -> memref<64x128xf32, #tpu.memory_space<hbm>>
        %dma_wait3A_217 = arith.constant 0 : i32
        %dma_wait3A_218 = tpu.memref_slice %arg6[%add3A_214, %dma_wait3A_217] : memref<51200x128xf32, #tpu.memory_space<hbm>> -> memref<64x128xf32, #tpu.memory_space<hbm>>
        tpu.wait_dma2 semaphore(%arg25 : memref<!tpu.dma_semaphore, #tpu.memory_space<semaphore_mem>>) src(%arg12 : memref<64x128xf32, #tpu.memory_space<vmem>>) dst(%dma_wait3A_218 : memref<64x128xf32, #tpu.memory_space<hbm>>)
        %add3A_219 = arith.constant 5 : i32
        %add3A_220 = arith.addi %sub3A_92, %add3A_219 : i32
        %dma_start3A_221 = arith.constant 0 : i32
        %dma_start3A_222 = tpu.memref_slice %arg8[%add3A_220, %dma_start3A_221] : memref<25x64xi32, #tpu.memory_space<vmem>> -> memref<1x64xi32, #tpu.memory_space<vmem>>
        %dma_start3A_223 = tpu.memref_squeeze %dma_start3A_222 : memref<1x64xi32, #tpu.memory_space<vmem>> -> memref<64xi32, #tpu.memory_space<vmem>>
        %dma_start3A_224 = arith.constant 0 : i32
        %dma_start3A_225 = arith.constant 0 : i32
        %dma_start3A_226 = tpu.memref_slice %arg4[%dma_start3A_224, %dma_start3A_225] : memref<100000x128xf32, #tpu.memory_space<hbm>> -> memref<100000x128xf32, #tpu.memory_space<hbm>>
        tpu.enqueue_indirect_dma source(%dma_start3A_226 : memref<100000x128xf32, #tpu.memory_space<hbm>>) target(%arg12 : memref<64x128xf32, #tpu.memory_space<vmem>>) offsets(%dma_start3A_223 : memref<64xi32, #tpu.memory_space<vmem>>) semaphore(%arg20 : memref<!tpu.dma_semaphore, #tpu.memory_space<semaphore_mem>>)
      } else {
      }
      %add3A_100 = arith.constant 1 : i32
      %add3A_101 = arith.addi %mul3A_75, %add3A_100 : i32
      %dma_wait3A_102 = arith.constant 1 : i32
      %dma_wait3A_103 = arith.constant 0 : i32
      %dma_wait3A_104 = tpu.memref_slice %arg8[%dma_wait3A_102, %dma_wait3A_103] : memref<25x64xi32, #tpu.memory_space<vmem>> -> memref<1x64xi32, #tpu.memory_space<vmem>>
      %dma_wait3A_105 = tpu.memref_squeeze %dma_wait3A_104 : memref<1x64xi32, #tpu.memory_space<vmem>> -> memref<64xi32, #tpu.memory_space<vmem>>
      %dma_wait3A_106 = arith.constant 0 : i32
      %dma_wait3A_107 = arith.constant 0 : i32
      %dma_wait3A_108 = tpu.memref_slice %arg4[%dma_wait3A_106, %dma_wait3A_107] : memref<100000x128xf32, #tpu.memory_space<hbm>> -> memref<100000x128xf32, #tpu.memory_space<hbm>>
      tpu.wait_indirect_dma semaphore(%arg18 : memref<!tpu.dma_semaphore, #tpu.memory_space<semaphore_mem>>) src(%dma_wait3A_108 : memref<100000x128xf32, #tpu.memory_space<hbm>>) dst(%arg10 : memref<64x128xf32, #tpu.memory_space<vmem>>)
      %mul3A_109 = arith.constant 64 : i32
      %mul3A_110 = arith.muli %add3A_101, %mul3A_109 : i32
      %add3A_111 = arith.addi %mul3A_2, %mul3A_110 : i32
      %dma_start3A_112 = arith.constant 0 : i32
      %dma_start3A_113 = tpu.memref_slice %arg6[%add3A_111, %dma_start3A_112] : memref<51200x128xf32, #tpu.memory_space<hbm>> -> memref<64x128xf32, #tpu.memory_space<hbm>>
      %dma_start3A_114 = arith.constant 0 : i32
      %dma_start3A_115 = tpu.memref_slice %arg6[%add3A_111, %dma_start3A_114] : memref<51200x128xf32, #tpu.memory_space<hbm>> -> memref<64x128xf32, #tpu.memory_space<hbm>>
      tpu.enqueue_dma source(%arg10 : memref<64x128xf32, #tpu.memory_space<vmem>>) target(%dma_start3A_115 : memref<64x128xf32, #tpu.memory_space<hbm>>) target_semaphore(%arg23 : memref<!tpu.dma_semaphore, #tpu.memory_space<semaphore_mem>>)
      %sub3A_116 = arith.constant 2 : i32
      %sub3A_117 = arith.subi %add3A_101, %sub3A_116 : i32
      %ge3A_118 = arith.constant 0 : i32
      %ge3A_119 = arith.cmpi sge, %sub3A_117, %ge3A_118 : i32
      %add3A_120 = arith.constant 5 : i32
      %add3A_121 = arith.addi %sub3A_117, %add3A_120 : i32
      %le3A_122 = arith.constant 24 : i32
      %le3A_123 = arith.cmpi sle, %add3A_121, %le3A_122 : i32
      %and3A_124 = arith.andi %ge3A_119, %le3A_123 : i1
      %convert_element_type3A_125 = arith.extui %and3A_124 : i1 to i32
      %cond3A_126 = arith.constant 0 : i32
      %cond3A_127 = arith.cmpi ne, %convert_element_type3A_125, %cond3A_126 : i32
      scf.if %cond3A_127 {
        %mul3A_212 = arith.constant 64 : i32
        %mul3A_213 = arith.muli %sub3A_117, %mul3A_212 : i32
        %add3A_214 = arith.addi %mul3A_2, %mul3A_213 : i32
        %dma_wait3A_215 = arith.constant 0 : i32
        %dma_wait3A_216 = tpu.memref_slice %arg6[%add3A_214, %dma_wait3A_215] : memref<51200x128xf32, #tpu.memory_space<hbm>> -> memref<64x128xf32, #tpu.memory_space<hbm>>
        %dma_wait3A_217 = arith.constant 0 : i32
        %dma_wait3A_218 = tpu.memref_slice %arg6[%add3A_214, %dma_wait3A_217] : memref<51200x128xf32, #tpu.memory_space<hbm>> -> memref<64x128xf32, #tpu.memory_space<hbm>>
        tpu.wait_dma2 semaphore(%arg26 : memref<!tpu.dma_semaphore, #tpu.memory_space<semaphore_mem>>) src(%arg13 : memref<64x128xf32, #tpu.memory_space<vmem>>) dst(%dma_wait3A_218 : memref<64x128xf32, #tpu.memory_space<hbm>>)
        %add3A_219 = arith.constant 5 : i32
        %add3A_220 = arith.addi %sub3A_117, %add3A_219 : i32
        %dma_start3A_221 = arith.constant 0 : i32
        %dma_start3A_222 = tpu.memref_slice %arg8[%add3A_220, %dma_start3A_221] : memref<25x64xi32, #tpu.memory_space<vmem>> -> memref<1x64xi32, #tpu.memory_space<vmem>>
        %dma_start3A_223 = tpu.memref_squeeze %dma_start3A_222 : memref<1x64xi32, #tpu.memory_space<vmem>> -> memref<64xi32, #tpu.memory_space<vmem>>
        %dma_start3A_224 = arith.constant 0 : i32
        %dma_start3A_225 = arith.constant 0 : i32
        %dma_start3A_226 = tpu.memref_slice %arg4[%dma_start3A_224, %dma_start3A_225] : memref<100000x128xf32, #tpu.memory_space<hbm>> -> memref<100000x128xf32, #tpu.memory_space<hbm>>
        tpu.enqueue_indirect_dma source(%dma_start3A_226 : memref<100000x128xf32, #tpu.memory_space<hbm>>) target(%arg13 : memref<64x128xf32, #tpu.memory_space<vmem>>) offsets(%dma_start3A_223 : memref<64xi32, #tpu.memory_space<vmem>>) semaphore(%arg21 : memref<!tpu.dma_semaphore, #tpu.memory_space<semaphore_mem>>)
      } else {
      }
      %add3A_128 = arith.constant 2 : i32
      %add3A_129 = arith.addi %mul3A_75, %add3A_128 : i32
      %dma_wait3A_130 = arith.constant 2 : i32
      %dma_wait3A_131 = arith.constant 0 : i32
      %dma_wait3A_132 = tpu.memref_slice %arg8[%dma_wait3A_130, %dma_wait3A_131] : memref<25x64xi32, #tpu.memory_space<vmem>> -> memref<1x64xi32, #tpu.memory_space<vmem>>
      %dma_wait3A_133 = tpu.memref_squeeze %dma_wait3A_132 : memref<1x64xi32, #tpu.memory_space<vmem>> -> memref<64xi32, #tpu.memory_space<vmem>>
      %dma_wait3A_134 = arith.constant 0 : i32
      %dma_wait3A_135 = arith.constant 0 : i32
      %dma_wait3A_136 = tpu.memref_slice %arg4[%dma_wait3A_134, %dma_wait3A_135] : memref<100000x128xf32, #tpu.memory_space<hbm>> -> memref<100000x128xf32, #tpu.memory_space<hbm>>
      tpu.wait_indirect_dma semaphore(%arg19 : memref<!tpu.dma_semaphore, #tpu.memory_space<semaphore_mem>>) src(%dma_wait3A_136 : memref<100000x128xf32, #tpu.memory_space<hbm>>) dst(%arg11 : memref<64x128xf32, #tpu.memory_space<vmem>>)
      %mul3A_137 = arith.constant 64 : i32
      %mul3A_138 = arith.muli %add3A_129, %mul3A_137 : i32
      %add3A_139 = arith.addi %mul3A_2, %mul3A_138 : i32
      %dma_start3A_140 = arith.constant 0 : i32
      %dma_start3A_141 = tpu.memref_slice %arg6[%add3A_139, %dma_start3A_140] : memref<51200x128xf32, #tpu.memory_space<hbm>> -> memref<64x128xf32, #tpu.memory_space<hbm>>
      %dma_start3A_142 = arith.constant 0 : i32
      %dma_start3A_143 = tpu.memref_slice %arg6[%add3A_139, %dma_start3A_142] : memref<51200x128xf32, #tpu.memory_space<hbm>> -> memref<64x128xf32, #tpu.memory_space<hbm>>
      tpu.enqueue_dma source(%arg11 : memref<64x128xf32, #tpu.memory_space<vmem>>) target(%dma_start3A_143 : memref<64x128xf32, #tpu.memory_space<hbm>>) target_semaphore(%arg24 : memref<!tpu.dma_semaphore, #tpu.memory_space<semaphore_mem>>)
      %sub3A_144 = arith.constant 2 : i32
      %sub3A_145 = arith.subi %add3A_129, %sub3A_144 : i32
      %ge3A_146 = arith.constant 0 : i32
      %ge3A_147 = arith.cmpi sge, %sub3A_145, %ge3A_146 : i32
      %add3A_148 = arith.constant 5 : i32
      %add3A_149 = arith.addi %sub3A_145, %add3A_148 : i32
      %le3A_150 = arith.constant 24 : i32
      %le3A_151 = arith.cmpi sle, %add3A_149, %le3A_150 : i32
      %and3A_152 = arith.andi %ge3A_147, %le3A_151 : i1
      %convert_element_type3A_153 = arith.extui %and3A_152 : i1 to i32
      %cond3A_154 = arith.constant 0 : i32
      %cond3A_155 = arith.cmpi ne, %convert_element_type3A_153, %cond3A_154 : i32
      scf.if %cond3A_155 {
        %mul3A_212 = arith.constant 64 : i32
        %mul3A_213 = arith.muli %sub3A_145, %mul3A_212 : i32
        %add3A_214 = arith.addi %mul3A_2, %mul3A_213 : i32
        %dma_wait3A_215 = arith.constant 0 : i32
        %dma_wait3A_216 = tpu.memref_slice %arg6[%add3A_214, %dma_wait3A_215] : memref<51200x128xf32, #tpu.memory_space<hbm>> -> memref<64x128xf32, #tpu.memory_space<hbm>>
        %dma_wait3A_217 = arith.constant 0 : i32
        %dma_wait3A_218 = tpu.memref_slice %arg6[%add3A_214, %dma_wait3A_217] : memref<51200x128xf32, #tpu.memory_space<hbm>> -> memref<64x128xf32, #tpu.memory_space<hbm>>
        tpu.wait_dma2 semaphore(%arg22 : memref<!tpu.dma_semaphore, #tpu.memory_space<semaphore_mem>>) src(%arg9 : memref<64x128xf32, #tpu.memory_space<vmem>>) dst(%dma_wait3A_218 : memref<64x128xf32, #tpu.memory_space<hbm>>)
        %add3A_219 = arith.constant 5 : i32
        %add3A_220 = arith.addi %sub3A_145, %add3A_219 : i32
        %dma_start3A_221 = arith.constant 0 : i32
        %dma_start3A_222 = tpu.memref_slice %arg8[%add3A_220, %dma_start3A_221] : memref<25x64xi32, #tpu.memory_space<vmem>> -> memref<1x64xi32, #tpu.memory_space<vmem>>
        %dma_start3A_223 = tpu.memref_squeeze %dma_start3A_222 : memref<1x64xi32, #tpu.memory_space<vmem>> -> memref<64xi32, #tpu.memory_space<vmem>>
        %dma_start3A_224 = arith.constant 0 : i32
        %dma_start3A_225 = arith.constant 0 : i32
        %dma_start3A_226 = tpu.memref_slice %arg4[%dma_start3A_224, %dma_start3A_225] : memref<100000x128xf32, #tpu.memory_space<hbm>> -> memref<100000x128xf32, #tpu.memory_space<hbm>>
        tpu.enqueue_indirect_dma source(%dma_start3A_226 : memref<100000x128xf32, #tpu.memory_space<hbm>>) target(%arg9 : memref<64x128xf32, #tpu.memory_space<vmem>>) offsets(%dma_start3A_223 : memref<64xi32, #tpu.memory_space<vmem>>) semaphore(%arg17 : memref<!tpu.dma_semaphore, #tpu.memory_space<semaphore_mem>>)
      } else {
      }
      %add3A_156 = arith.constant 3 : i32
      %add3A_157 = arith.addi %mul3A_75, %add3A_156 : i32
      %dma_wait3A_158 = arith.constant 3 : i32
      %dma_wait3A_159 = arith.constant 0 : i32
      %dma_wait3A_160 = tpu.memref_slice %arg8[%dma_wait3A_158, %dma_wait3A_159] : memref<25x64xi32, #tpu.memory_space<vmem>> -> memref<1x64xi32, #tpu.memory_space<vmem>>
      %dma_wait3A_161 = tpu.memref_squeeze %dma_wait3A_160 : memref<1x64xi32, #tpu.memory_space<vmem>> -> memref<64xi32, #tpu.memory_space<vmem>>
      %dma_wait3A_162 = arith.constant 0 : i32
      %dma_wait3A_163 = arith.constant 0 : i32
      %dma_wait3A_164 = tpu.memref_slice %arg4[%dma_wait3A_162, %dma_wait3A_163] : memref<100000x128xf32, #tpu.memory_space<hbm>> -> memref<100000x128xf32, #tpu.memory_space<hbm>>
      tpu.wait_indirect_dma semaphore(%arg20 : memref<!tpu.dma_semaphore, #tpu.memory_space<semaphore_mem>>) src(%dma_wait3A_164 : memref<100000x128xf32, #tpu.memory_space<hbm>>) dst(%arg12 : memref<64x128xf32, #tpu.memory_space<vmem>>)
      %mul3A_165 = arith.constant 64 : i32
      %mul3A_166 = arith.muli %add3A_157, %mul3A_165 : i32
      %add3A_167 = arith.addi %mul3A_2, %mul3A_166 : i32
      %dma_start3A_168 = arith.constant 0 : i32
      %dma_start3A_169 = tpu.memref_slice %arg6[%add3A_167, %dma_start3A_168] : memref<51200x128xf32, #tpu.memory_space<hbm>> -> memref<64x128xf32, #tpu.memory_space<hbm>>
      %dma_start3A_170 = arith.constant 0 : i32
      %dma_start3A_171 = tpu.memref_slice %arg6[%add3A_167, %dma_start3A_170] : memref<51200x128xf32, #tpu.memory_space<hbm>> -> memref<64x128xf32, #tpu.memory_space<hbm>>
      tpu.enqueue_dma source(%arg12 : memref<64x128xf32, #tpu.memory_space<vmem>>) target(%dma_start3A_171 : memref<64x128xf32, #tpu.memory_space<hbm>>) target_semaphore(%arg25 : memref<!tpu.dma_semaphore, #tpu.memory_space<semaphore_mem>>)
      %sub3A_172 = arith.constant 2 : i32
      %sub3A_173 = arith.subi %add3A_157, %sub3A_172 : i32
      %ge3A_174 = arith.constant 0 : i32
      %ge3A_175 = arith.cmpi sge, %sub3A_173, %ge3A_174 : i32
      %add3A_176 = arith.constant 5 : i32
      %add3A_177 = arith.addi %sub3A_173, %add3A_176 : i32
      %le3A_178 = arith.constant 24 : i32
      %le3A_179 = arith.cmpi sle, %add3A_177, %le3A_178 : i32
      %and3A_180 = arith.andi %ge3A_175, %le3A_179 : i1
      %convert_element_type3A_181 = arith.extui %and3A_180 : i1 to i32
      %cond3A_182 = arith.constant 0 : i32
      %cond3A_183 = arith.cmpi ne, %convert_element_type3A_181, %cond3A_182 : i32
      scf.if %cond3A_183 {
        %mul3A_212 = arith.constant 64 : i32
        %mul3A_213 = arith.muli %sub3A_173, %mul3A_212 : i32
        %add3A_214 = arith.addi %mul3A_2, %mul3A_213 : i32
        %dma_wait3A_215 = arith.constant 0 : i32
        %dma_wait3A_216 = tpu.memref_slice %arg6[%add3A_214, %dma_wait3A_215] : memref<51200x128xf32, #tpu.memory_space<hbm>> -> memref<64x128xf32, #tpu.memory_space<hbm>>
        %dma_wait3A_217 = arith.constant 0 : i32
        %dma_wait3A_218 = tpu.memref_slice %arg6[%add3A_214, %dma_wait3A_217] : memref<51200x128xf32, #tpu.memory_space<hbm>> -> memref<64x128xf32, #tpu.memory_space<hbm>>
        tpu.wait_dma2 semaphore(%arg23 : memref<!tpu.dma_semaphore, #tpu.memory_space<semaphore_mem>>) src(%arg10 : memref<64x128xf32, #tpu.memory_space<vmem>>) dst(%dma_wait3A_218 : memref<64x128xf32, #tpu.memory_space<hbm>>)
        %add3A_219 = arith.constant 5 : i32
        %add3A_220 = arith.addi %sub3A_173, %add3A_219 : i32
        %dma_start3A_221 = arith.constant 0 : i32
        %dma_start3A_222 = tpu.memref_slice %arg8[%add3A_220, %dma_start3A_221] : memref<25x64xi32, #tpu.memory_space<vmem>> -> memref<1x64xi32, #tpu.memory_space<vmem>>
        %dma_start3A_223 = tpu.memref_squeeze %dma_start3A_222 : memref<1x64xi32, #tpu.memory_space<vmem>> -> memref<64xi32, #tpu.memory_space<vmem>>
        %dma_start3A_224 = arith.constant 0 : i32
        %dma_start3A_225 = arith.constant 0 : i32
        %dma_start3A_226 = tpu.memref_slice %arg4[%dma_start3A_224, %dma_start3A_225] : memref<100000x128xf32, #tpu.memory_space<hbm>> -> memref<100000x128xf32, #tpu.memory_space<hbm>>
        tpu.enqueue_indirect_dma source(%dma_start3A_226 : memref<100000x128xf32, #tpu.memory_space<hbm>>) target(%arg10 : memref<64x128xf32, #tpu.memory_space<vmem>>) offsets(%dma_start3A_223 : memref<64xi32, #tpu.memory_space<vmem>>) semaphore(%arg18 : memref<!tpu.dma_semaphore, #tpu.memory_space<semaphore_mem>>)
      } else {
      }
      %add3A_184 = arith.constant 4 : i32
      %add3A_185 = arith.addi %mul3A_75, %add3A_184 : i32
      %dma_wait3A_186 = arith.constant 4 : i32
      %dma_wait3A_187 = arith.constant 0 : i32
      %dma_wait3A_188 = tpu.memref_slice %arg8[%dma_wait3A_186, %dma_wait3A_187] : memref<25x64xi32, #tpu.memory_space<vmem>> -> memref<1x64xi32, #tpu.memory_space<vmem>>
      %dma_wait3A_189 = tpu.memref_squeeze %dma_wait3A_188 : memref<1x64xi32, #tpu.memory_space<vmem>> -> memref<64xi32, #tpu.memory_space<vmem>>
      %dma_wait3A_190 = arith.constant 0 : i32
      %dma_wait3A_191 = arith.constant 0 : i32
      %dma_wait3A_192 = tpu.memref_slice %arg4[%dma_wait3A_190, %dma_wait3A_191] : memref<100000x128xf32, #tpu.memory_space<hbm>> -> memref<100000x128xf32, #tpu.memory_space<hbm>>
      tpu.wait_indirect_dma semaphore(%arg21 : memref<!tpu.dma_semaphore, #tpu.memory_space<semaphore_mem>>) src(%dma_wait3A_192 : memref<100000x128xf32, #tpu.memory_space<hbm>>) dst(%arg13 : memref<64x128xf32, #tpu.memory_space<vmem>>)
      %mul3A_193 = arith.constant 64 : i32
      %mul3A_194 = arith.muli %add3A_185, %mul3A_193 : i32
      %add3A_195 = arith.addi %mul3A_2, %mul3A_194 : i32
      %dma_start3A_196 = arith.constant 0 : i32
      %dma_start3A_197 = tpu.memref_slice %arg6[%add3A_195, %dma_start3A_196] : memref<51200x128xf32, #tpu.memory_space<hbm>> -> memref<64x128xf32, #tpu.memory_space<hbm>>
      %dma_start3A_198 = arith.constant 0 : i32
      %dma_start3A_199 = tpu.memref_slice %arg6[%add3A_195, %dma_start3A_198] : memref<51200x128xf32, #tpu.memory_space<hbm>> -> memref<64x128xf32, #tpu.memory_space<hbm>>
      tpu.enqueue_dma source(%arg13 : memref<64x128xf32, #tpu.memory_space<vmem>>) target(%dma_start3A_199 : memref<64x128xf32, #tpu.memory_space<hbm>>) target_semaphore(%arg26 : memref<!tpu.dma_semaphore, #tpu.memory_space<semaphore_mem>>)
      %sub3A_200 = arith.constant 2 : i32
      %sub3A_201 = arith.subi %add3A_185, %sub3A_200 : i32
      %ge3A_202 = arith.constant 0 : i32
      %ge3A_203 = arith.cmpi sge, %sub3A_201, %ge3A_202 : i32
      %add3A_204 = arith.constant 5 : i32
      %add3A_205 = arith.addi %sub3A_201, %add3A_204 : i32
      %le3A_206 = arith.constant 24 : i32
      %le3A_207 = arith.cmpi sle, %add3A_205, %le3A_206 : i32
      %and3A_208 = arith.andi %ge3A_203, %le3A_207 : i1
      %convert_element_type3A_209 = arith.extui %and3A_208 : i1 to i32
      %cond3A_210 = arith.constant 0 : i32
      %cond3A_211 = arith.cmpi ne, %convert_element_type3A_209, %cond3A_210 : i32
      scf.if %cond3A_211 {
        %mul3A_212 = arith.constant 64 : i32
        %mul3A_213 = arith.muli %sub3A_201, %mul3A_212 : i32
        %add3A_214 = arith.addi %mul3A_2, %mul3A_213 : i32
        %dma_wait3A_215 = arith.constant 0 : i32
        %dma_wait3A_216 = tpu.memref_slice %arg6[%add3A_214, %dma_wait3A_215] : memref<51200x128xf32, #tpu.memory_space<hbm>> -> memref<64x128xf32, #tpu.memory_space<hbm>>
        %dma_wait3A_217 = arith.constant 0 : i32
        %dma_wait3A_218 = tpu.memref_slice %arg6[%add3A_214, %dma_wait3A_217] : memref<51200x128xf32, #tpu.memory_space<hbm>> -> memref<64x128xf32, #tpu.memory_space<hbm>>
        tpu.wait_dma2 semaphore(%arg24 : memref<!tpu.dma_semaphore, #tpu.memory_space<semaphore_mem>>) src(%arg11 : memref<64x128xf32, #tpu.memory_space<vmem>>) dst(%dma_wait3A_218 : memref<64x128xf32, #tpu.memory_space<hbm>>)
        %add3A_219 = arith.constant 5 : i32
        %add3A_220 = arith.addi %sub3A_201, %add3A_219 : i32
        %dma_start3A_221 = arith.constant 0 : i32
        %dma_start3A_222 = tpu.memref_slice %arg8[%add3A_220, %dma_start3A_221] : memref<25x64xi32, #tpu.memory_space<vmem>> -> memref<1x64xi32, #tpu.memory_space<vmem>>
        %dma_start3A_223 = tpu.memref_squeeze %dma_start3A_222 : memref<1x64xi32, #tpu.memory_space<vmem>> -> memref<64xi32, #tpu.memory_space<vmem>>
        %dma_start3A_224 = arith.constant 0 : i32
        %dma_start3A_225 = arith.constant 0 : i32
        %dma_start3A_226 = tpu.memref_slice %arg4[%dma_start3A_224, %dma_start3A_225] : memref<100000x128xf32, #tpu.memory_space<hbm>> -> memref<100000x128xf32, #tpu.memory_space<hbm>>
        tpu.enqueue_indirect_dma source(%dma_start3A_226 : memref<100000x128xf32, #tpu.memory_space<hbm>>) target(%arg11 : memref<64x128xf32, #tpu.memory_space<vmem>>) offsets(%dma_start3A_223 : memref<64xi32, #tpu.memory_space<vmem>>) semaphore(%arg19 : memref<!tpu.dma_semaphore, #tpu.memory_space<semaphore_mem>>)
      } else {
      }
    }
    %scan3A_43 = arith.constant 5 : i32
    %add3A_44 = arith.constant 1280 : i32
    %add3A_45 = arith.addi %mul3A_2, %add3A_44 : i32
    %dma_wait3A = arith.constant 0 : i32
    %dma_wait3A_46 = tpu.memref_slice %arg6[%add3A_45, %dma_wait3A] : memref<51200x128xf32, #tpu.memory_space<hbm>> -> memref<64x128xf32, #tpu.memory_space<hbm>>
    %dma_wait3A_47 = arith.constant 0 : i32
    %dma_wait3A_48 = tpu.memref_slice %arg6[%add3A_45, %dma_wait3A_47] : memref<51200x128xf32, #tpu.memory_space<hbm>> -> memref<64x128xf32, #tpu.memory_space<hbm>>
    tpu.wait_dma2 semaphore(%arg22 : memref<!tpu.dma_semaphore, #tpu.memory_space<semaphore_mem>>) src(%arg9 : memref<64x128xf32, #tpu.memory_space<vmem>>) dst(%dma_wait3A_48 : memref<64x128xf32, #tpu.memory_space<hbm>>)
    %add3A_49 = arith.constant 1344 : i32
    %add3A_50 = arith.addi %mul3A_2, %add3A_49 : i32
    %dma_wait3A_51 = arith.constant 0 : i32
    %dma_wait3A_52 = tpu.memref_slice %arg6[%add3A_50, %dma_wait3A_51] : memref<51200x128xf32, #tpu.memory_space<hbm>> -> memref<64x128xf32, #tpu.memory_space<hbm>>
    %dma_wait3A_53 = arith.constant 0 : i32
    %dma_wait3A_54 = tpu.memref_slice %arg6[%add3A_50, %dma_wait3A_53] : memref<51200x128xf32, #tpu.memory_space<hbm>> -> memref<64x128xf32, #tpu.memory_space<hbm>>
    tpu.wait_dma2 semaphore(%arg23 : memref<!tpu.dma_semaphore, #tpu.memory_space<semaphore_mem>>) src(%arg10 : memref<64x128xf32, #tpu.memory_space<vmem>>) dst(%dma_wait3A_54 : memref<64x128xf32, #tpu.memory_space<hbm>>)
    %add3A_55 = arith.constant 1408 : i32
    %add3A_56 = arith.addi %mul3A_2, %add3A_55 : i32
    %dma_wait3A_57 = arith.constant 0 : i32
    %dma_wait3A_58 = tpu.memref_slice %arg6[%add3A_56, %dma_wait3A_57] : memref<51200x128xf32, #tpu.memory_space<hbm>> -> memref<64x128xf32, #tpu.memory_space<hbm>>
    %dma_wait3A_59 = arith.constant 0 : i32
    %dma_wait3A_60 = tpu.memref_slice %arg6[%add3A_56, %dma_wait3A_59] : memref<51200x128xf32, #tpu.memory_space<hbm>> -> memref<64x128xf32, #tpu.memory_space<hbm>>
    tpu.wait_dma2 semaphore(%arg24 : memref<!tpu.dma_semaphore, #tpu.memory_space<semaphore_mem>>) src(%arg11 : memref<64x128xf32, #tpu.memory_space<vmem>>) dst(%dma_wait3A_60 : memref<64x128xf32, #tpu.memory_space<hbm>>)
    %add3A_61 = arith.constant 1472 : i32
    %add3A_62 = arith.addi %mul3A_2, %add3A_61 : i32
    %dma_wait3A_63 = arith.constant 0 : i32
    %dma_wait3A_64 = tpu.memref_slice %arg6[%add3A_62, %dma_wait3A_63] : memref<51200x128xf32, #tpu.memory_space<hbm>> -> memref<64x128xf32, #tpu.memory_space<hbm>>
    %dma_wait3A_65 = arith.constant 0 : i32
    %dma_wait3A_66 = tpu.memref_slice %arg6[%add3A_62, %dma_wait3A_65] : memref<51200x128xf32, #tpu.memory_space<hbm>> -> memref<64x128xf32, #tpu.memory_space<hbm>>
    tpu.wait_dma2 semaphore(%arg25 : memref<!tpu.dma_semaphore, #tpu.memory_space<semaphore_mem>>) src(%arg12 : memref<64x128xf32, #tpu.memory_space<vmem>>) dst(%dma_wait3A_66 : memref<64x128xf32, #tpu.memory_space<hbm>>)
    %add3A_67 = arith.constant 1536 : i32
    %add3A_68 = arith.addi %mul3A_2, %add3A_67 : i32
    %dma_wait3A_69 = arith.constant 0 : i32
    %dma_wait3A_70 = tpu.memref_slice %arg6[%add3A_68, %dma_wait3A_69] : memref<51200x128xf32, #tpu.memory_space<hbm>> -> memref<64x128xf32, #tpu.memory_space<hbm>>
    %dma_wait3A_71 = arith.constant 0 : i32
    %dma_wait3A_72 = tpu.memref_slice %arg6[%add3A_68, %dma_wait3A_71] : memref<51200x128xf32, #tpu.memory_space<hbm>> -> memref<64x128xf32, #tpu.memory_space<hbm>>
    tpu.wait_dma2 semaphore(%arg26 : memref<!tpu.dma_semaphore, #tpu.memory_space<semaphore_mem>>) src(%arg13 : memref<64x128xf32, #tpu.memory_space<vmem>>) dst(%dma_wait3A_72 : memref<64x128xf32, #tpu.memory_space<hbm>>)
    return
  }
}

#map = affine_map<(d0, d1) -> (0, 0, 0)>
#map1 = affine_map<(d0, d1) -> (0, 0)>
module attributes {stable_mosaic.version = 14 : i64} {
  func.func @_sc_gather_body(%arg0: i32, %arg1: i32, %arg2: memref<32x25x64xi32, #tpu.memory_space<hbm>>, %arg3: memref<4x1x64xi32, #tpu.memory_space<hbm>>, %arg4: memref<100000x128xf32, #tpu.memory_space<hbm>>, %arg5: memref<100000x128xf32, #tpu.memory_space<hbm>>, %arg6: memref<51200x128xf32, #tpu.memory_space<hbm>>, %arg7: memref<256x128xf32, #tpu.memory_space<hbm>>, %arg8: memref<25x64xi32, #tpu.memory_space<vmem>>, %arg9: memref<64x128xf32, #tpu.memory_space<vmem>>, %arg10: memref<64x128xf32, #tpu.memory_space<vmem>>, %arg11: memref<64x128xf32, #tpu.memory_space<vmem>>, %arg12: memref<64x128xf32, #tpu.memory_space<vmem>>, %arg13: memref<64x128xf32, #tpu.memory_space<vmem>>, %arg14: memref<!tpu.dma_semaphore, #tpu.memory_space<semaphore_mem>>, %arg15: memref<1x64xi32, #tpu.memory_space<vmem>>, %arg16: memref<64x128xf32, #tpu.memory_space<vmem>>, %arg17: memref<!tpu.dma_semaphore, #tpu.memory_space<semaphore_mem>>, %arg18: memref<!tpu.dma_semaphore, #tpu.memory_space<semaphore_mem>>, %arg19: memref<!tpu.dma_semaphore, #tpu.memory_space<semaphore_mem>>, %arg20: memref<!tpu.dma_semaphore, #tpu.memory_space<semaphore_mem>>, %arg21: memref<!tpu.dma_semaphore, #tpu.memory_space<semaphore_mem>>, %arg22: memref<!tpu.dma_semaphore, #tpu.memory_space<semaphore_mem>>, %arg23: memref<!tpu.dma_semaphore, #tpu.memory_space<semaphore_mem>>, %arg24: memref<!tpu.dma_semaphore, #tpu.memory_space<semaphore_mem>>, %arg25: memref<!tpu.dma_semaphore, #tpu.memory_space<semaphore_mem>>, %arg26: memref<!tpu.dma_semaphore, #tpu.memory_space<semaphore_mem>>) attributes {dimension_semantics = [#tpu.dimension_semantics<core_parallel>, #tpu.dimension_semantics<subcore_parallel>], iteration_bounds = array<i64: 2, 16>, scalar_prefetch = 0 : i64, scratch_operands = 19 : i64, tpu.core_type = #tpu.core_type<sc_vector_subcore>, window_params = [{transform_indices = #map}, {transform_indices = #map}, {transform_indices = #map1}, {transform_indices = #map1}, {transform_indices = #map1}, {transform_indices = #map1}]} {
    %mul3A = arith.constant 2 : i32
    %mul3A_0 = arith.muli %arg1, %mul3A : i32
    %add3A = arith.addi %mul3A_0, %arg0 : i32
    %mul3A_1 = arith.constant 1600 : i32
    %mul3A_2 = arith.muli %add3A, %mul3A_1 : i32
    "tpu.region"() ({
      %run_scoped3A = tpu.sem_alloc : memref<!tpu.dma_semaphore, #tpu.memory_space<semaphore_mem>>
      %dma_start3A_73 = arith.constant 0 : i32
      %dma_start3A_74 = arith.constant 0 : i32
      %dma_start3A_75 = tpu.memref_slice %arg2[%add3A, %dma_start3A_73, %dma_start3A_74] : memref<32x25x64xi32, #tpu.memory_space<hbm>> -> memref<1x25x64xi32, #tpu.memory_space<hbm>>
      %dma_start3A_76 = tpu.memref_squeeze %dma_start3A_75 : memref<1x25x64xi32, #tpu.memory_space<hbm>> -> memref<25x64xi32, #tpu.memory_space<hbm>>
      %dma_start3A_77 = arith.constant 0 : i32
      %dma_start3A_78 = arith.constant 0 : i32
      %dma_start3A_79 = tpu.memref_slice %arg2[%add3A, %dma_start3A_77, %dma_start3A_78] : memref<32x25x64xi32, #tpu.memory_space<hbm>> -> memref<1x25x64xi32, #tpu.memory_space<hbm>>
      %dma_start3A_80 = tpu.memref_squeeze %dma_start3A_79 : memref<1x25x64xi32, #tpu.memory_space<hbm>> -> memref<25x64xi32, #tpu.memory_space<hbm>>
      tpu.enqueue_dma source(%dma_start3A_80 : memref<25x64xi32, #tpu.memory_space<hbm>>) target(%arg8 : memref<25x64xi32, #tpu.memory_space<vmem>>) target_semaphore(%run_scoped3A : memref<!tpu.dma_semaphore, #tpu.memory_space<semaphore_mem>>)
      %dma_wait3A_81 = arith.constant 0 : i32
      %dma_wait3A_82 = arith.constant 0 : i32
      %dma_wait3A_83 = tpu.memref_slice %arg2[%add3A, %dma_wait3A_81, %dma_wait3A_82] : memref<32x25x64xi32, #tpu.memory_space<hbm>> -> memref<1x25x64xi32, #tpu.memory_space<hbm>>
      %dma_wait3A_84 = tpu.memref_squeeze %dma_wait3A_83 : memref<1x25x64xi32, #tpu.memory_space<hbm>> -> memref<25x64xi32, #tpu.memory_space<hbm>>
      %dma_wait3A_85 = arith.constant 0 : i32
      %dma_wait3A_86 = arith.constant 0 : i32
      %dma_wait3A_87 = tpu.memref_slice %arg2[%add3A, %dma_wait3A_85, %dma_wait3A_86] : memref<32x25x64xi32, #tpu.memory_space<hbm>> -> memref<1x25x64xi32, #tpu.memory_space<hbm>>
      %dma_wait3A_88 = tpu.memref_squeeze %dma_wait3A_87 : memref<1x25x64xi32, #tpu.memory_space<hbm>> -> memref<25x64xi32, #tpu.memory_space<hbm>>
      tpu.wait_dma2 semaphore(%run_scoped3A : memref<!tpu.dma_semaphore, #tpu.memory_space<semaphore_mem>>) src(%dma_wait3A_88 : memref<25x64xi32, #tpu.memory_space<hbm>>) dst(%arg8 : memref<25x64xi32, #tpu.memory_space<vmem>>)
      tpu.yield
    }) : () -> ()
    %lt3A = arith.constant 4 : i32
    %lt3A_3 = arith.cmpi slt, %add3A, %lt3A : i32
    %convert_element_type3A = arith.extui %lt3A_3 : i1 to i32
    %cond3A = arith.constant 0 : i32
    %cond3A_4 = arith.cmpi ne, %convert_element_type3A, %cond3A : i32
    scf.if %cond3A_4 {
      "tpu.region"() ({
        %run_scoped3A = tpu.sem_alloc : memref<!tpu.dma_semaphore, #tpu.memory_space<semaphore_mem>>
        %dma_start3A_89 = arith.constant 0 : i32
        %dma_start3A_90 = arith.constant 0 : i32
        %dma_start3A_91 = tpu.memref_slice %arg3[%add3A, %dma_start3A_89, %dma_start3A_90] : memref<4x1x64xi32, #tpu.memory_space<hbm>> -> memref<1x1x64xi32, #tpu.memory_space<hbm>>
        %dma_start3A_92 = tpu.memref_squeeze %dma_start3A_91 : memref<1x1x64xi32, #tpu.memory_space<hbm>> -> memref<1x64xi32, #tpu.memory_space<hbm>>
        %dma_start3A_93 = arith.constant 0 : i32
        %dma_start3A_94 = arith.constant 0 : i32
        %dma_start3A_95 = tpu.memref_slice %arg3[%add3A, %dma_start3A_93, %dma_start3A_94] : memref<4x1x64xi32, #tpu.memory_space<hbm>> -> memref<1x1x64xi32, #tpu.memory_space<hbm>>
        %dma_start3A_96 = tpu.memref_squeeze %dma_start3A_95 : memref<1x1x64xi32, #tpu.memory_space<hbm>> -> memref<1x64xi32, #tpu.memory_space<hbm>>
        tpu.enqueue_dma source(%dma_start3A_96 : memref<1x64xi32, #tpu.memory_space<hbm>>) target(%arg15 : memref<1x64xi32, #tpu.memory_space<vmem>>) target_semaphore(%run_scoped3A : memref<!tpu.dma_semaphore, #tpu.memory_space<semaphore_mem>>)
        %dma_wait3A_97 = arith.constant 0 : i32
        %dma_wait3A_98 = arith.constant 0 : i32
        %dma_wait3A_99 = tpu.memref_slice %arg3[%add3A, %dma_wait3A_97, %dma_wait3A_98] : memref<4x1x64xi32, #tpu.memory_space<hbm>> -> memref<1x1x64xi32, #tpu.memory_space<hbm>>
        %dma_wait3A_100 = tpu.memref_squeeze %dma_wait3A_99 : memref<1x1x64xi32, #tpu.memory_space<hbm>> -> memref<1x64xi32, #tpu.memory_space<hbm>>
        %dma_wait3A_101 = arith.constant 0 : i32
        %dma_wait3A_102 = arith.constant 0 : i32
        %dma_wait3A_103 = tpu.memref_slice %arg3[%add3A, %dma_wait3A_101, %dma_wait3A_102] : memref<4x1x64xi32, #tpu.memory_space<hbm>> -> memref<1x1x64xi32, #tpu.memory_space<hbm>>
        %dma_wait3A_104 = tpu.memref_squeeze %dma_wait3A_103 : memref<1x1x64xi32, #tpu.memory_space<hbm>> -> memref<1x64xi32, #tpu.memory_space<hbm>>
        tpu.wait_dma2 semaphore(%run_scoped3A : memref<!tpu.dma_semaphore, #tpu.memory_space<semaphore_mem>>) src(%dma_wait3A_104 : memref<1x64xi32, #tpu.memory_space<hbm>>) dst(%arg15 : memref<1x64xi32, #tpu.memory_space<vmem>>)
        tpu.yield
      }) : () -> ()
      %dma_start3A_73 = arith.constant 0 : i32
      %dma_start3A_74 = arith.constant 0 : i32
      %dma_start3A_75 = tpu.memref_slice %arg15[%dma_start3A_73, %dma_start3A_74] : memref<1x64xi32, #tpu.memory_space<vmem>> -> memref<1x64xi32, #tpu.memory_space<vmem>>
      %dma_start3A_76 = tpu.memref_squeeze %dma_start3A_75 : memref<1x64xi32, #tpu.memory_space<vmem>> -> memref<64xi32, #tpu.memory_space<vmem>>
      %dma_start3A_77 = arith.constant 0 : i32
      %dma_start3A_78 = arith.constant 0 : i32
      %dma_start3A_79 = tpu.memref_slice %arg5[%dma_start3A_77, %dma_start3A_78] : memref<100000x128xf32, #tpu.memory_space<hbm>> -> memref<100000x128xf32, #tpu.memory_space<hbm>>
      tpu.enqueue_indirect_dma source(%dma_start3A_79 : memref<100000x128xf32, #tpu.memory_space<hbm>>) target(%arg16 : memref<64x128xf32, #tpu.memory_space<vmem>>) offsets(%dma_start3A_76 : memref<64xi32, #tpu.memory_space<vmem>>) semaphore(%arg14 : memref<!tpu.dma_semaphore, #tpu.memory_space<semaphore_mem>>)
      %dma_wait3A_80 = arith.constant 0 : i32
      %dma_wait3A_81 = arith.constant 0 : i32
      %dma_wait3A_82 = tpu.memref_slice %arg15[%dma_wait3A_80, %dma_wait3A_81] : memref<1x64xi32, #tpu.memory_space<vmem>> -> memref<1x64xi32, #tpu.memory_space<vmem>>
      %dma_wait3A_83 = tpu.memref_squeeze %dma_wait3A_82 : memref<1x64xi32, #tpu.memory_space<vmem>> -> memref<64xi32, #tpu.memory_space<vmem>>
      %dma_wait3A_84 = arith.constant 0 : i32
      %dma_wait3A_85 = arith.constant 0 : i32
      %dma_wait3A_86 = tpu.memref_slice %arg5[%dma_wait3A_84, %dma_wait3A_85] : memref<100000x128xf32, #tpu.memory_space<hbm>> -> memref<100000x128xf32, #tpu.memory_space<hbm>>
      tpu.wait_indirect_dma semaphore(%arg14 : memref<!tpu.dma_semaphore, #tpu.memory_space<semaphore_mem>>) src(%dma_wait3A_86 : memref<100000x128xf32, #tpu.memory_space<hbm>>) dst(%arg16 : memref<64x128xf32, #tpu.memory_space<vmem>>)
      %mul3A_87 = arith.constant 64 : i32
      %mul3A_88 = arith.muli %add3A, %mul3A_87 : i32
      "tpu.region"() ({
        %run_scoped3A = tpu.sem_alloc : memref<!tpu.dma_semaphore, #tpu.memory_space<semaphore_mem>>
        %dma_start3A_89 = arith.constant 0 : i32
        %dma_start3A_90 = tpu.memref_slice %arg7[%mul3A_88, %dma_start3A_89] : memref<256x128xf32, #tpu.memory_space<hbm>> -> memref<64x128xf32, #tpu.memory_space<hbm>>
        %dma_start3A_91 = arith.constant 0 : i32
        %dma_start3A_92 = tpu.memref_slice %arg7[%mul3A_88, %dma_start3A_91] : memref<256x128xf32, #tpu.memory_space<hbm>> -> memref<64x128xf32, #tpu.memory_space<hbm>>
        tpu.enqueue_dma source(%arg16 : memref<64x128xf32, #tpu.memory_space<vmem>>) target(%dma_start3A_92 : memref<64x128xf32, #tpu.memory_space<hbm>>) target_semaphore(%run_scoped3A : memref<!tpu.dma_semaphore, #tpu.memory_space<semaphore_mem>>)
        %dma_wait3A_93 = arith.constant 0 : i32
        %dma_wait3A_94 = tpu.memref_slice %arg7[%mul3A_88, %dma_wait3A_93] : memref<256x128xf32, #tpu.memory_space<hbm>> -> memref<64x128xf32, #tpu.memory_space<hbm>>
        %dma_wait3A_95 = arith.constant 0 : i32
        %dma_wait3A_96 = tpu.memref_slice %arg7[%mul3A_88, %dma_wait3A_95] : memref<256x128xf32, #tpu.memory_space<hbm>> -> memref<64x128xf32, #tpu.memory_space<hbm>>
        tpu.wait_dma2 semaphore(%run_scoped3A : memref<!tpu.dma_semaphore, #tpu.memory_space<semaphore_mem>>) src(%arg16 : memref<64x128xf32, #tpu.memory_space<vmem>>) dst(%dma_wait3A_96 : memref<64x128xf32, #tpu.memory_space<hbm>>)
        tpu.yield
      }) : () -> ()
    } else {
    }
    %dma_start3A = arith.constant 0 : i32
    %dma_start3A_5 = arith.constant 0 : i32
    %dma_start3A_6 = tpu.memref_slice %arg8[%dma_start3A, %dma_start3A_5] : memref<25x64xi32, #tpu.memory_space<vmem>> -> memref<1x64xi32, #tpu.memory_space<vmem>>
    %dma_start3A_7 = tpu.memref_squeeze %dma_start3A_6 : memref<1x64xi32, #tpu.memory_space<vmem>> -> memref<64xi32, #tpu.memory_space<vmem>>
    %dma_start3A_8 = arith.constant 0 : i32
    %dma_start3A_9 = arith.constant 0 : i32
    %dma_start3A_10 = tpu.memref_slice %arg4[%dma_start3A_8, %dma_start3A_9] : memref<100000x128xf32, #tpu.memory_space<hbm>> -> memref<100000x128xf32, #tpu.memory_space<hbm>>
    tpu.enqueue_indirect_dma source(%dma_start3A_10 : memref<100000x128xf32, #tpu.memory_space<hbm>>) target(%arg9 : memref<64x128xf32, #tpu.memory_space<vmem>>) offsets(%dma_start3A_7 : memref<64xi32, #tpu.memory_space<vmem>>) semaphore(%arg17 : memref<!tpu.dma_semaphore, #tpu.memory_space<semaphore_mem>>)
    %dma_start3A_11 = arith.constant 1 : i32
    %dma_start3A_12 = arith.constant 0 : i32
    %dma_start3A_13 = tpu.memref_slice %arg8[%dma_start3A_11, %dma_start3A_12] : memref<25x64xi32, #tpu.memory_space<vmem>> -> memref<1x64xi32, #tpu.memory_space<vmem>>
    %dma_start3A_14 = tpu.memref_squeeze %dma_start3A_13 : memref<1x64xi32, #tpu.memory_space<vmem>> -> memref<64xi32, #tpu.memory_space<vmem>>
    %dma_start3A_15 = arith.constant 0 : i32
    %dma_start3A_16 = arith.constant 0 : i32
    %dma_start3A_17 = tpu.memref_slice %arg4[%dma_start3A_15, %dma_start3A_16] : memref<100000x128xf32, #tpu.memory_space<hbm>> -> memref<100000x128xf32, #tpu.memory_space<hbm>>
    tpu.enqueue_indirect_dma source(%dma_start3A_17 : memref<100000x128xf32, #tpu.memory_space<hbm>>) target(%arg10 : memref<64x128xf32, #tpu.memory_space<vmem>>) offsets(%dma_start3A_14 : memref<64xi32, #tpu.memory_space<vmem>>) semaphore(%arg18 : memref<!tpu.dma_semaphore, #tpu.memory_space<semaphore_mem>>)
    %dma_start3A_18 = arith.constant 2 : i32
    %dma_start3A_19 = arith.constant 0 : i32
    %dma_start3A_20 = tpu.memref_slice %arg8[%dma_start3A_18, %dma_start3A_19] : memref<25x64xi32, #tpu.memory_space<vmem>> -> memref<1x64xi32, #tpu.memory_space<vmem>>
    %dma_start3A_21 = tpu.memref_squeeze %dma_start3A_20 : memref<1x64xi32, #tpu.memory_space<vmem>> -> memref<64xi32, #tpu.memory_space<vmem>>
    %dma_start3A_22 = arith.constant 0 : i32
    %dma_start3A_23 = arith.constant 0 : i32
    %dma_start3A_24 = tpu.memref_slice %arg4[%dma_start3A_22, %dma_start3A_23] : memref<100000x128xf32, #tpu.memory_space<hbm>> -> memref<100000x128xf32, #tpu.memory_space<hbm>>
    tpu.enqueue_indirect_dma source(%dma_start3A_24 : memref<100000x128xf32, #tpu.memory_space<hbm>>) target(%arg11 : memref<64x128xf32, #tpu.memory_space<vmem>>) offsets(%dma_start3A_21 : memref<64xi32, #tpu.memory_space<vmem>>) semaphore(%arg19 : memref<!tpu.dma_semaphore, #tpu.memory_space<semaphore_mem>>)
    %dma_start3A_25 = arith.constant 3 : i32
    %dma_start3A_26 = arith.constant 0 : i32
    %dma_start3A_27 = tpu.memref_slice %arg8[%dma_start3A_25, %dma_start3A_26] : memref<25x64xi32, #tpu.memory_space<vmem>> -> memref<1x64xi32, #tpu.memory_space<vmem>>
    %dma_start3A_28 = tpu.memref_squeeze %dma_start3A_27 : memref<1x64xi32, #tpu.memory_space<vmem>> -> memref<64xi32, #tpu.memory_space<vmem>>
    %dma_start3A_29 = arith.constant 0 : i32
    %dma_start3A_30 = arith.constant 0 : i32
    %dma_start3A_31 = tpu.memref_slice %arg4[%dma_start3A_29, %dma_start3A_30] : memref<100000x128xf32, #tpu.memory_space<hbm>> -> memref<100000x128xf32, #tpu.memory_space<hbm>>
    tpu.enqueue_indirect_dma source(%dma_start3A_31 : memref<100000x128xf32, #tpu.memory_space<hbm>>) target(%arg12 : memref<64x128xf32, #tpu.memory_space<vmem>>) offsets(%dma_start3A_28 : memref<64xi32, #tpu.memory_space<vmem>>) semaphore(%arg20 : memref<!tpu.dma_semaphore, #tpu.memory_space<semaphore_mem>>)
    %dma_start3A_32 = arith.constant 4 : i32
    %dma_start3A_33 = arith.constant 0 : i32
    %dma_start3A_34 = tpu.memref_slice %arg8[%dma_start3A_32, %dma_start3A_33] : memref<25x64xi32, #tpu.memory_space<vmem>> -> memref<1x64xi32, #tpu.memory_space<vmem>>
    %dma_start3A_35 = tpu.memref_squeeze %dma_start3A_34 : memref<1x64xi32, #tpu.memory_space<vmem>> -> memref<64xi32, #tpu.memory_space<vmem>>
    %dma_start3A_36 = arith.constant 0 : i32
    %dma_start3A_37 = arith.constant 0 : i32
    %dma_start3A_38 = tpu.memref_slice %arg4[%dma_start3A_36, %dma_start3A_37] : memref<100000x128xf32, #tpu.memory_space<hbm>> -> memref<100000x128xf32, #tpu.memory_space<hbm>>
    tpu.enqueue_indirect_dma source(%dma_start3A_38 : memref<100000x128xf32, #tpu.memory_space<hbm>>) target(%arg13 : memref<64x128xf32, #tpu.memory_space<vmem>>) offsets(%dma_start3A_35 : memref<64xi32, #tpu.memory_space<vmem>>) semaphore(%arg21 : memref<!tpu.dma_semaphore, #tpu.memory_space<semaphore_mem>>)
    %scan3A = arith.constant 0 : i32
    %scan3A_39 = arith.constant 0 : i32
    %scan3A_40 = arith.constant 5 : i32
    %scan3A_41 = arith.addi %scan3A_39, %scan3A_40 : i32
    %scan3A_42 = arith.constant 1 : i32
    scf.for %scan3A_73 = %scan3A_39 to %scan3A_41 step %scan3A_42  : i32 {
      %mul3A_74 = arith.constant 5 : i32
      %mul3A_75 = arith.muli %scan3A_73, %mul3A_74 : i32
      %add3A_76 = arith.constant 0 : i32
      %add3A_77 = arith.addi %mul3A_75, %add3A_76 : i32
      %dma_wait3A_78 = arith.constant 0 : i32
      %dma_wait3A_79 = arith.constant 0 : i32
      %dma_wait3A_80 = tpu.memref_slice %arg8[%dma_wait3A_78, %dma_wait3A_79] : memref<25x64xi32, #tpu.memory_space<vmem>> -> memref<1x64xi32, #tpu.memory_space<vmem>>
      %dma_wait3A_81 = tpu.memref_squeeze %dma_wait3A_80 : memref<1x64xi32, #tpu.memory_space<vmem>> -> memref<64xi32, #tpu.memory_space<vmem>>
      %dma_wait3A_82 = arith.constant 0 : i32
      %dma_wait3A_83 = arith.constant 0 : i32
      %dma_wait3A_84 = tpu.memref_slice %arg4[%dma_wait3A_82, %dma_wait3A_83] : memref<100000x128xf32, #tpu.memory_space<hbm>> -> memref<100000x128xf32, #tpu.memory_space<hbm>>
      tpu.wait_indirect_dma semaphore(%arg17 : memref<!tpu.dma_semaphore, #tpu.memory_space<semaphore_mem>>) src(%dma_wait3A_84 : memref<100000x128xf32, #tpu.memory_space<hbm>>) dst(%arg9 : memref<64x128xf32, #tpu.memory_space<vmem>>)
      %mul3A_85 = arith.constant 64 : i32
      %mul3A_86 = arith.muli %add3A_77, %mul3A_85 : i32
      %add3A_87 = arith.addi %mul3A_2, %mul3A_86 : i32
      %dma_start3A_88 = arith.constant 0 : i32
      %dma_start3A_89 = tpu.memref_slice %arg6[%add3A_87, %dma_start3A_88] : memref<51200x128xf32, #tpu.memory_space<hbm>> -> memref<64x128xf32, #tpu.memory_space<hbm>>
      %dma_start3A_90 = arith.constant 0 : i32
      %dma_start3A_91 = tpu.memref_slice %arg6[%add3A_87, %dma_start3A_90] : memref<51200x128xf32, #tpu.memory_space<hbm>> -> memref<64x128xf32, #tpu.memory_space<hbm>>
      tpu.enqueue_dma source(%arg9 : memref<64x128xf32, #tpu.memory_space<vmem>>) target(%dma_start3A_91 : memref<64x128xf32, #tpu.memory_space<hbm>>) target_semaphore(%arg22 : memref<!tpu.dma_semaphore, #tpu.memory_space<semaphore_mem>>)
      %sub3A = arith.constant 2 : i32
      %sub3A_92 = arith.subi %add3A_77, %sub3A : i32
      %ge3A = arith.constant 0 : i32
      %ge3A_93 = arith.cmpi sge, %sub3A_92, %ge3A : i32
      %add3A_94 = arith.constant 5 : i32
      %add3A_95 = arith.addi %sub3A_92, %add3A_94 : i32
      %le3A = arith.constant 24 : i32
      %le3A_96 = arith.cmpi sle, %add3A_95, %le3A : i32
      %and3A = arith.andi %ge3A_93, %le3A_96 : i1
      %convert_element_type3A_97 = arith.extui %and3A : i1 to i32
      %cond3A_98 = arith.constant 0 : i32
      %cond3A_99 = arith.cmpi ne, %convert_element_type3A_97, %cond3A_98 : i32
      scf.if %cond3A_99 {
        %mul3A_212 = arith.constant 64 : i32
        %mul3A_213 = arith.muli %sub3A_92, %mul3A_212 : i32
        %add3A_214 = arith.addi %mul3A_2, %mul3A_213 : i32
        %dma_wait3A_215 = arith.constant 0 : i32
        %dma_wait3A_216 = tpu.memref_slice %arg6[%add3A_214, %dma_wait3A_215] : memref<51200x128xf32, #tpu.memory_space<hbm>> -> memref<64x128xf32, #tpu.memory_space<hbm>>
        %dma_wait3A_217 = arith.constant 0 : i32
        %dma_wait3A_218 = tpu.memref_slice %arg6[%add3A_214, %dma_wait3A_217] : memref<51200x128xf32, #tpu.memory_space<hbm>> -> memref<64x128xf32, #tpu.memory_space<hbm>>
        tpu.wait_dma2 semaphore(%arg25 : memref<!tpu.dma_semaphore, #tpu.memory_space<semaphore_mem>>) src(%arg12 : memref<64x128xf32, #tpu.memory_space<vmem>>) dst(%dma_wait3A_218 : memref<64x128xf32, #tpu.memory_space<hbm>>)
        %add3A_219 = arith.constant 5 : i32
        %add3A_220 = arith.addi %sub3A_92, %add3A_219 : i32
        %dma_start3A_221 = arith.constant 0 : i32
        %dma_start3A_222 = tpu.memref_slice %arg8[%add3A_220, %dma_start3A_221] : memref<25x64xi32, #tpu.memory_space<vmem>> -> memref<1x64xi32, #tpu.memory_space<vmem>>
        %dma_start3A_223 = tpu.memref_squeeze %dma_start3A_222 : memref<1x64xi32, #tpu.memory_space<vmem>> -> memref<64xi32, #tpu.memory_space<vmem>>
        %dma_start3A_224 = arith.constant 0 : i32
        %dma_start3A_225 = arith.constant 0 : i32
        %dma_start3A_226 = tpu.memref_slice %arg4[%dma_start3A_224, %dma_start3A_225] : memref<100000x128xf32, #tpu.memory_space<hbm>> -> memref<100000x128xf32, #tpu.memory_space<hbm>>
        tpu.enqueue_indirect_dma source(%dma_start3A_226 : memref<100000x128xf32, #tpu.memory_space<hbm>>) target(%arg12 : memref<64x128xf32, #tpu.memory_space<vmem>>) offsets(%dma_start3A_223 : memref<64xi32, #tpu.memory_space<vmem>>) semaphore(%arg20 : memref<!tpu.dma_semaphore, #tpu.memory_space<semaphore_mem>>)
      } else {
      }
      %add3A_100 = arith.constant 1 : i32
      %add3A_101 = arith.addi %mul3A_75, %add3A_100 : i32
      %dma_wait3A_102 = arith.constant 1 : i32
      %dma_wait3A_103 = arith.constant 0 : i32
      %dma_wait3A_104 = tpu.memref_slice %arg8[%dma_wait3A_102, %dma_wait3A_103] : memref<25x64xi32, #tpu.memory_space<vmem>> -> memref<1x64xi32, #tpu.memory_space<vmem>>
      %dma_wait3A_105 = tpu.memref_squeeze %dma_wait3A_104 : memref<1x64xi32, #tpu.memory_space<vmem>> -> memref<64xi32, #tpu.memory_space<vmem>>
      %dma_wait3A_106 = arith.constant 0 : i32
      %dma_wait3A_107 = arith.constant 0 : i32
      %dma_wait3A_108 = tpu.memref_slice %arg4[%dma_wait3A_106, %dma_wait3A_107] : memref<100000x128xf32, #tpu.memory_space<hbm>> -> memref<100000x128xf32, #tpu.memory_space<hbm>>
      tpu.wait_indirect_dma semaphore(%arg18 : memref<!tpu.dma_semaphore, #tpu.memory_space<semaphore_mem>>) src(%dma_wait3A_108 : memref<100000x128xf32, #tpu.memory_space<hbm>>) dst(%arg10 : memref<64x128xf32, #tpu.memory_space<vmem>>)
      %mul3A_109 = arith.constant 64 : i32
      %mul3A_110 = arith.muli %add3A_101, %mul3A_109 : i32
      %add3A_111 = arith.addi %mul3A_2, %mul3A_110 : i32
      %dma_start3A_112 = arith.constant 0 : i32
      %dma_start3A_113 = tpu.memref_slice %arg6[%add3A_111, %dma_start3A_112] : memref<51200x128xf32, #tpu.memory_space<hbm>> -> memref<64x128xf32, #tpu.memory_space<hbm>>
      %dma_start3A_114 = arith.constant 0 : i32
      %dma_start3A_115 = tpu.memref_slice %arg6[%add3A_111, %dma_start3A_114] : memref<51200x128xf32, #tpu.memory_space<hbm>> -> memref<64x128xf32, #tpu.memory_space<hbm>>
      tpu.enqueue_dma source(%arg10 : memref<64x128xf32, #tpu.memory_space<vmem>>) target(%dma_start3A_115 : memref<64x128xf32, #tpu.memory_space<hbm>>) target_semaphore(%arg23 : memref<!tpu.dma_semaphore, #tpu.memory_space<semaphore_mem>>)
      %sub3A_116 = arith.constant 2 : i32
      %sub3A_117 = arith.subi %add3A_101, %sub3A_116 : i32
      %ge3A_118 = arith.constant 0 : i32
      %ge3A_119 = arith.cmpi sge, %sub3A_117, %ge3A_118 : i32
      %add3A_120 = arith.constant 5 : i32
      %add3A_121 = arith.addi %sub3A_117, %add3A_120 : i32
      %le3A_122 = arith.constant 24 : i32
      %le3A_123 = arith.cmpi sle, %add3A_121, %le3A_122 : i32
      %and3A_124 = arith.andi %ge3A_119, %le3A_123 : i1
      %convert_element_type3A_125 = arith.extui %and3A_124 : i1 to i32
      %cond3A_126 = arith.constant 0 : i32
      %cond3A_127 = arith.cmpi ne, %convert_element_type3A_125, %cond3A_126 : i32
      scf.if %cond3A_127 {
        %mul3A_212 = arith.constant 64 : i32
        %mul3A_213 = arith.muli %sub3A_117, %mul3A_212 : i32
        %add3A_214 = arith.addi %mul3A_2, %mul3A_213 : i32
        %dma_wait3A_215 = arith.constant 0 : i32
        %dma_wait3A_216 = tpu.memref_slice %arg6[%add3A_214, %dma_wait3A_215] : memref<51200x128xf32, #tpu.memory_space<hbm>> -> memref<64x128xf32, #tpu.memory_space<hbm>>
        %dma_wait3A_217 = arith.constant 0 : i32
        %dma_wait3A_218 = tpu.memref_slice %arg6[%add3A_214, %dma_wait3A_217] : memref<51200x128xf32, #tpu.memory_space<hbm>> -> memref<64x128xf32, #tpu.memory_space<hbm>>
        tpu.wait_dma2 semaphore(%arg26 : memref<!tpu.dma_semaphore, #tpu.memory_space<semaphore_mem>>) src(%arg13 : memref<64x128xf32, #tpu.memory_space<vmem>>) dst(%dma_wait3A_218 : memref<64x128xf32, #tpu.memory_space<hbm>>)
        %add3A_219 = arith.constant 5 : i32
        %add3A_220 = arith.addi %sub3A_117, %add3A_219 : i32
        %dma_start3A_221 = arith.constant 0 : i32
        %dma_start3A_222 = tpu.memref_slice %arg8[%add3A_220, %dma_start3A_221] : memref<25x64xi32, #tpu.memory_space<vmem>> -> memref<1x64xi32, #tpu.memory_space<vmem>>
        %dma_start3A_223 = tpu.memref_squeeze %dma_start3A_222 : memref<1x64xi32, #tpu.memory_space<vmem>> -> memref<64xi32, #tpu.memory_space<vmem>>
        %dma_start3A_224 = arith.constant 0 : i32
        %dma_start3A_225 = arith.constant 0 : i32
        %dma_start3A_226 = tpu.memref_slice %arg4[%dma_start3A_224, %dma_start3A_225] : memref<100000x128xf32, #tpu.memory_space<hbm>> -> memref<100000x128xf32, #tpu.memory_space<hbm>>
        tpu.enqueue_indirect_dma source(%dma_start3A_226 : memref<100000x128xf32, #tpu.memory_space<hbm>>) target(%arg13 : memref<64x128xf32, #tpu.memory_space<vmem>>) offsets(%dma_start3A_223 : memref<64xi32, #tpu.memory_space<vmem>>) semaphore(%arg21 : memref<!tpu.dma_semaphore, #tpu.memory_space<semaphore_mem>>)
      } else {
      }
      %add3A_128 = arith.constant 2 : i32
      %add3A_129 = arith.addi %mul3A_75, %add3A_128 : i32
      %dma_wait3A_130 = arith.constant 2 : i32
      %dma_wait3A_131 = arith.constant 0 : i32
      %dma_wait3A_132 = tpu.memref_slice %arg8[%dma_wait3A_130, %dma_wait3A_131] : memref<25x64xi32, #tpu.memory_space<vmem>> -> memref<1x64xi32, #tpu.memory_space<vmem>>
      %dma_wait3A_133 = tpu.memref_squeeze %dma_wait3A_132 : memref<1x64xi32, #tpu.memory_space<vmem>> -> memref<64xi32, #tpu.memory_space<vmem>>
      %dma_wait3A_134 = arith.constant 0 : i32
      %dma_wait3A_135 = arith.constant 0 : i32
      %dma_wait3A_136 = tpu.memref_slice %arg4[%dma_wait3A_134, %dma_wait3A_135] : memref<100000x128xf32, #tpu.memory_space<hbm>> -> memref<100000x128xf32, #tpu.memory_space<hbm>>
      tpu.wait_indirect_dma semaphore(%arg19 : memref<!tpu.dma_semaphore, #tpu.memory_space<semaphore_mem>>) src(%dma_wait3A_136 : memref<100000x128xf32, #tpu.memory_space<hbm>>) dst(%arg11 : memref<64x128xf32, #tpu.memory_space<vmem>>)
      %mul3A_137 = arith.constant 64 : i32
      %mul3A_138 = arith.muli %add3A_129, %mul3A_137 : i32
      %add3A_139 = arith.addi %mul3A_2, %mul3A_138 : i32
      %dma_start3A_140 = arith.constant 0 : i32
      %dma_start3A_141 = tpu.memref_slice %arg6[%add3A_139, %dma_start3A_140] : memref<51200x128xf32, #tpu.memory_space<hbm>> -> memref<64x128xf32, #tpu.memory_space<hbm>>
      %dma_start3A_142 = arith.constant 0 : i32
      %dma_start3A_143 = tpu.memref_slice %arg6[%add3A_139, %dma_start3A_142] : memref<51200x128xf32, #tpu.memory_space<hbm>> -> memref<64x128xf32, #tpu.memory_space<hbm>>
      tpu.enqueue_dma source(%arg11 : memref<64x128xf32, #tpu.memory_space<vmem>>) target(%dma_start3A_143 : memref<64x128xf32, #tpu.memory_space<hbm>>) target_semaphore(%arg24 : memref<!tpu.dma_semaphore, #tpu.memory_space<semaphore_mem>>)
      %sub3A_144 = arith.constant 2 : i32
      %sub3A_145 = arith.subi %add3A_129, %sub3A_144 : i32
      %ge3A_146 = arith.constant 0 : i32
      %ge3A_147 = arith.cmpi sge, %sub3A_145, %ge3A_146 : i32
      %add3A_148 = arith.constant 5 : i32
      %add3A_149 = arith.addi %sub3A_145, %add3A_148 : i32
      %le3A_150 = arith.constant 24 : i32
      %le3A_151 = arith.cmpi sle, %add3A_149, %le3A_150 : i32
      %and3A_152 = arith.andi %ge3A_147, %le3A_151 : i1
      %convert_element_type3A_153 = arith.extui %and3A_152 : i1 to i32
      %cond3A_154 = arith.constant 0 : i32
      %cond3A_155 = arith.cmpi ne, %convert_element_type3A_153, %cond3A_154 : i32
      scf.if %cond3A_155 {
        %mul3A_212 = arith.constant 64 : i32
        %mul3A_213 = arith.muli %sub3A_145, %mul3A_212 : i32
        %add3A_214 = arith.addi %mul3A_2, %mul3A_213 : i32
        %dma_wait3A_215 = arith.constant 0 : i32
        %dma_wait3A_216 = tpu.memref_slice %arg6[%add3A_214, %dma_wait3A_215] : memref<51200x128xf32, #tpu.memory_space<hbm>> -> memref<64x128xf32, #tpu.memory_space<hbm>>
        %dma_wait3A_217 = arith.constant 0 : i32
        %dma_wait3A_218 = tpu.memref_slice %arg6[%add3A_214, %dma_wait3A_217] : memref<51200x128xf32, #tpu.memory_space<hbm>> -> memref<64x128xf32, #tpu.memory_space<hbm>>
        tpu.wait_dma2 semaphore(%arg22 : memref<!tpu.dma_semaphore, #tpu.memory_space<semaphore_mem>>) src(%arg9 : memref<64x128xf32, #tpu.memory_space<vmem>>) dst(%dma_wait3A_218 : memref<64x128xf32, #tpu.memory_space<hbm>>)
        %add3A_219 = arith.constant 5 : i32
        %add3A_220 = arith.addi %sub3A_145, %add3A_219 : i32
        %dma_start3A_221 = arith.constant 0 : i32
        %dma_start3A_222 = tpu.memref_slice %arg8[%add3A_220, %dma_start3A_221] : memref<25x64xi32, #tpu.memory_space<vmem>> -> memref<1x64xi32, #tpu.memory_space<vmem>>
        %dma_start3A_223 = tpu.memref_squeeze %dma_start3A_222 : memref<1x64xi32, #tpu.memory_space<vmem>> -> memref<64xi32, #tpu.memory_space<vmem>>
        %dma_start3A_224 = arith.constant 0 : i32
        %dma_start3A_225 = arith.constant 0 : i32
        %dma_start3A_226 = tpu.memref_slice %arg4[%dma_start3A_224, %dma_start3A_225] : memref<100000x128xf32, #tpu.memory_space<hbm>> -> memref<100000x128xf32, #tpu.memory_space<hbm>>
        tpu.enqueue_indirect_dma source(%dma_start3A_226 : memref<100000x128xf32, #tpu.memory_space<hbm>>) target(%arg9 : memref<64x128xf32, #tpu.memory_space<vmem>>) offsets(%dma_start3A_223 : memref<64xi32, #tpu.memory_space<vmem>>) semaphore(%arg17 : memref<!tpu.dma_semaphore, #tpu.memory_space<semaphore_mem>>)
      } else {
      }
      %add3A_156 = arith.constant 3 : i32
      %add3A_157 = arith.addi %mul3A_75, %add3A_156 : i32
      %dma_wait3A_158 = arith.constant 3 : i32
      %dma_wait3A_159 = arith.constant 0 : i32
      %dma_wait3A_160 = tpu.memref_slice %arg8[%dma_wait3A_158, %dma_wait3A_159] : memref<25x64xi32, #tpu.memory_space<vmem>> -> memref<1x64xi32, #tpu.memory_space<vmem>>
      %dma_wait3A_161 = tpu.memref_squeeze %dma_wait3A_160 : memref<1x64xi32, #tpu.memory_space<vmem>> -> memref<64xi32, #tpu.memory_space<vmem>>
      %dma_wait3A_162 = arith.constant 0 : i32
      %dma_wait3A_163 = arith.constant 0 : i32
      %dma_wait3A_164 = tpu.memref_slice %arg4[%dma_wait3A_162, %dma_wait3A_163] : memref<100000x128xf32, #tpu.memory_space<hbm>> -> memref<100000x128xf32, #tpu.memory_space<hbm>>
      tpu.wait_indirect_dma semaphore(%arg20 : memref<!tpu.dma_semaphore, #tpu.memory_space<semaphore_mem>>) src(%dma_wait3A_164 : memref<100000x128xf32, #tpu.memory_space<hbm>>) dst(%arg12 : memref<64x128xf32, #tpu.memory_space<vmem>>)
      %mul3A_165 = arith.constant 64 : i32
      %mul3A_166 = arith.muli %add3A_157, %mul3A_165 : i32
      %add3A_167 = arith.addi %mul3A_2, %mul3A_166 : i32
      %dma_start3A_168 = arith.constant 0 : i32
      %dma_start3A_169 = tpu.memref_slice %arg6[%add3A_167, %dma_start3A_168] : memref<51200x128xf32, #tpu.memory_space<hbm>> -> memref<64x128xf32, #tpu.memory_space<hbm>>
      %dma_start3A_170 = arith.constant 0 : i32
      %dma_start3A_171 = tpu.memref_slice %arg6[%add3A_167, %dma_start3A_170] : memref<51200x128xf32, #tpu.memory_space<hbm>> -> memref<64x128xf32, #tpu.memory_space<hbm>>
      tpu.enqueue_dma source(%arg12 : memref<64x128xf32, #tpu.memory_space<vmem>>) target(%dma_start3A_171 : memref<64x128xf32, #tpu.memory_space<hbm>>) target_semaphore(%arg25 : memref<!tpu.dma_semaphore, #tpu.memory_space<semaphore_mem>>)
      %sub3A_172 = arith.constant 2 : i32
      %sub3A_173 = arith.subi %add3A_157, %sub3A_172 : i32
      %ge3A_174 = arith.constant 0 : i32
      %ge3A_175 = arith.cmpi sge, %sub3A_173, %ge3A_174 : i32
      %add3A_176 = arith.constant 5 : i32
      %add3A_177 = arith.addi %sub3A_173, %add3A_176 : i32
      %le3A_178 = arith.constant 24 : i32
      %le3A_179 = arith.cmpi sle, %add3A_177, %le3A_178 : i32
      %and3A_180 = arith.andi %ge3A_175, %le3A_179 : i1
      %convert_element_type3A_181 = arith.extui %and3A_180 : i1 to i32
      %cond3A_182 = arith.constant 0 : i32
      %cond3A_183 = arith.cmpi ne, %convert_element_type3A_181, %cond3A_182 : i32
      scf.if %cond3A_183 {
        %mul3A_212 = arith.constant 64 : i32
        %mul3A_213 = arith.muli %sub3A_173, %mul3A_212 : i32
        %add3A_214 = arith.addi %mul3A_2, %mul3A_213 : i32
        %dma_wait3A_215 = arith.constant 0 : i32
        %dma_wait3A_216 = tpu.memref_slice %arg6[%add3A_214, %dma_wait3A_215] : memref<51200x128xf32, #tpu.memory_space<hbm>> -> memref<64x128xf32, #tpu.memory_space<hbm>>
        %dma_wait3A_217 = arith.constant 0 : i32
        %dma_wait3A_218 = tpu.memref_slice %arg6[%add3A_214, %dma_wait3A_217] : memref<51200x128xf32, #tpu.memory_space<hbm>> -> memref<64x128xf32, #tpu.memory_space<hbm>>
        tpu.wait_dma2 semaphore(%arg23 : memref<!tpu.dma_semaphore, #tpu.memory_space<semaphore_mem>>) src(%arg10 : memref<64x128xf32, #tpu.memory_space<vmem>>) dst(%dma_wait3A_218 : memref<64x128xf32, #tpu.memory_space<hbm>>)
        %add3A_219 = arith.constant 5 : i32
        %add3A_220 = arith.addi %sub3A_173, %add3A_219 : i32
        %dma_start3A_221 = arith.constant 0 : i32
        %dma_start3A_222 = tpu.memref_slice %arg8[%add3A_220, %dma_start3A_221] : memref<25x64xi32, #tpu.memory_space<vmem>> -> memref<1x64xi32, #tpu.memory_space<vmem>>
        %dma_start3A_223 = tpu.memref_squeeze %dma_start3A_222 : memref<1x64xi32, #tpu.memory_space<vmem>> -> memref<64xi32, #tpu.memory_space<vmem>>
        %dma_start3A_224 = arith.constant 0 : i32
        %dma_start3A_225 = arith.constant 0 : i32
        %dma_start3A_226 = tpu.memref_slice %arg4[%dma_start3A_224, %dma_start3A_225] : memref<100000x128xf32, #tpu.memory_space<hbm>> -> memref<100000x128xf32, #tpu.memory_space<hbm>>
        tpu.enqueue_indirect_dma source(%dma_start3A_226 : memref<100000x128xf32, #tpu.memory_space<hbm>>) target(%arg10 : memref<64x128xf32, #tpu.memory_space<vmem>>) offsets(%dma_start3A_223 : memref<64xi32, #tpu.memory_space<vmem>>) semaphore(%arg18 : memref<!tpu.dma_semaphore, #tpu.memory_space<semaphore_mem>>)
      } else {
      }
      %add3A_184 = arith.constant 4 : i32
      %add3A_185 = arith.addi %mul3A_75, %add3A_184 : i32
      %dma_wait3A_186 = arith.constant 4 : i32
      %dma_wait3A_187 = arith.constant 0 : i32
      %dma_wait3A_188 = tpu.memref_slice %arg8[%dma_wait3A_186, %dma_wait3A_187] : memref<25x64xi32, #tpu.memory_space<vmem>> -> memref<1x64xi32, #tpu.memory_space<vmem>>
      %dma_wait3A_189 = tpu.memref_squeeze %dma_wait3A_188 : memref<1x64xi32, #tpu.memory_space<vmem>> -> memref<64xi32, #tpu.memory_space<vmem>>
      %dma_wait3A_190 = arith.constant 0 : i32
      %dma_wait3A_191 = arith.constant 0 : i32
      %dma_wait3A_192 = tpu.memref_slice %arg4[%dma_wait3A_190, %dma_wait3A_191] : memref<100000x128xf32, #tpu.memory_space<hbm>> -> memref<100000x128xf32, #tpu.memory_space<hbm>>
      tpu.wait_indirect_dma semaphore(%arg21 : memref<!tpu.dma_semaphore, #tpu.memory_space<semaphore_mem>>) src(%dma_wait3A_192 : memref<100000x128xf32, #tpu.memory_space<hbm>>) dst(%arg13 : memref<64x128xf32, #tpu.memory_space<vmem>>)
      %mul3A_193 = arith.constant 64 : i32
      %mul3A_194 = arith.muli %add3A_185, %mul3A_193 : i32
      %add3A_195 = arith.addi %mul3A_2, %mul3A_194 : i32
      %dma_start3A_196 = arith.constant 0 : i32
      %dma_start3A_197 = tpu.memref_slice %arg6[%add3A_195, %dma_start3A_196] : memref<51200x128xf32, #tpu.memory_space<hbm>> -> memref<64x128xf32, #tpu.memory_space<hbm>>
      %dma_start3A_198 = arith.constant 0 : i32
      %dma_start3A_199 = tpu.memref_slice %arg6[%add3A_195, %dma_start3A_198] : memref<51200x128xf32, #tpu.memory_space<hbm>> -> memref<64x128xf32, #tpu.memory_space<hbm>>
      tpu.enqueue_dma source(%arg13 : memref<64x128xf32, #tpu.memory_space<vmem>>) target(%dma_start3A_199 : memref<64x128xf32, #tpu.memory_space<hbm>>) target_semaphore(%arg26 : memref<!tpu.dma_semaphore, #tpu.memory_space<semaphore_mem>>)
      %sub3A_200 = arith.constant 2 : i32
      %sub3A_201 = arith.subi %add3A_185, %sub3A_200 : i32
      %ge3A_202 = arith.constant 0 : i32
      %ge3A_203 = arith.cmpi sge, %sub3A_201, %ge3A_202 : i32
      %add3A_204 = arith.constant 5 : i32
      %add3A_205 = arith.addi %sub3A_201, %add3A_204 : i32
      %le3A_206 = arith.constant 24 : i32
      %le3A_207 = arith.cmpi sle, %add3A_205, %le3A_206 : i32
      %and3A_208 = arith.andi %ge3A_203, %le3A_207 : i1
      %convert_element_type3A_209 = arith.extui %and3A_208 : i1 to i32
      %cond3A_210 = arith.constant 0 : i32
      %cond3A_211 = arith.cmpi ne, %convert_element_type3A_209, %cond3A_210 : i32
      scf.if %cond3A_211 {
        %mul3A_212 = arith.constant 64 : i32
        %mul3A_213 = arith.muli %sub3A_201, %mul3A_212 : i32
        %add3A_214 = arith.addi %mul3A_2, %mul3A_213 : i32
        %dma_wait3A_215 = arith.constant 0 : i32
        %dma_wait3A_216 = tpu.memref_slice %arg6[%add3A_214, %dma_wait3A_215] : memref<51200x128xf32, #tpu.memory_space<hbm>> -> memref<64x128xf32, #tpu.memory_space<hbm>>
        %dma_wait3A_217 = arith.constant 0 : i32
        %dma_wait3A_218 = tpu.memref_slice %arg6[%add3A_214, %dma_wait3A_217] : memref<51200x128xf32, #tpu.memory_space<hbm>> -> memref<64x128xf32, #tpu.memory_space<hbm>>
        tpu.wait_dma2 semaphore(%arg24 : memref<!tpu.dma_semaphore, #tpu.memory_space<semaphore_mem>>) src(%arg11 : memref<64x128xf32, #tpu.memory_space<vmem>>) dst(%dma_wait3A_218 : memref<64x128xf32, #tpu.memory_space<hbm>>)
        %add3A_219 = arith.constant 5 : i32
        %add3A_220 = arith.addi %sub3A_201, %add3A_219 : i32
        %dma_start3A_221 = arith.constant 0 : i32
        %dma_start3A_222 = tpu.memref_slice %arg8[%add3A_220, %dma_start3A_221] : memref<25x64xi32, #tpu.memory_space<vmem>> -> memref<1x64xi32, #tpu.memory_space<vmem>>
        %dma_start3A_223 = tpu.memref_squeeze %dma_start3A_222 : memref<1x64xi32, #tpu.memory_space<vmem>> -> memref<64xi32, #tpu.memory_space<vmem>>
        %dma_start3A_224 = arith.constant 0 : i32
        %dma_start3A_225 = arith.constant 0 : i32
        %dma_start3A_226 = tpu.memref_slice %arg4[%dma_start3A_224, %dma_start3A_225] : memref<100000x128xf32, #tpu.memory_space<hbm>> -> memref<100000x128xf32, #tpu.memory_space<hbm>>
        tpu.enqueue_indirect_dma source(%dma_start3A_226 : memref<100000x128xf32, #tpu.memory_space<hbm>>) target(%arg11 : memref<64x128xf32, #tpu.memory_space<vmem>>) offsets(%dma_start3A_223 : memref<64xi32, #tpu.memory_space<vmem>>) semaphore(%arg19 : memref<!tpu.dma_semaphore, #tpu.memory_space<semaphore_mem>>)
      } else {
      }
    }
    %scan3A_43 = arith.constant 5 : i32
    %add3A_44 = arith.constant 1280 : i32
    %add3A_45 = arith.addi %mul3A_2, %add3A_44 : i32
    %dma_wait3A = arith.constant 0 : i32
    %dma_wait3A_46 = tpu.memref_slice %arg6[%add3A_45, %dma_wait3A] : memref<51200x128xf32, #tpu.memory_space<hbm>> -> memref<64x128xf32, #tpu.memory_space<hbm>>
    %dma_wait3A_47 = arith.constant 0 : i32
    %dma_wait3A_48 = tpu.memref_slice %arg6[%add3A_45, %dma_wait3A_47] : memref<51200x128xf32, #tpu.memory_space<hbm>> -> memref<64x128xf32, #tpu.memory_space<hbm>>
    tpu.wait_dma2 semaphore(%arg22 : memref<!tpu.dma_semaphore, #tpu.memory_space<semaphore_mem>>) src(%arg9 : memref<64x128xf32, #tpu.memory_space<vmem>>) dst(%dma_wait3A_48 : memref<64x128xf32, #tpu.memory_space<hbm>>)
    %add3A_49 = arith.constant 1344 : i32
    %add3A_50 = arith.addi %mul3A_2, %add3A_49 : i32
    %dma_wait3A_51 = arith.constant 0 : i32
    %dma_wait3A_52 = tpu.memref_slice %arg6[%add3A_50, %dma_wait3A_51] : memref<51200x128xf32, #tpu.memory_space<hbm>> -> memref<64x128xf32, #tpu.memory_space<hbm>>
    %dma_wait3A_53 = arith.constant 0 : i32
    %dma_wait3A_54 = tpu.memref_slice %arg6[%add3A_50, %dma_wait3A_53] : memref<51200x128xf32, #tpu.memory_space<hbm>> -> memref<64x128xf32, #tpu.memory_space<hbm>>
    tpu.wait_dma2 semaphore(%arg23 : memref<!tpu.dma_semaphore, #tpu.memory_space<semaphore_mem>>) src(%arg10 : memref<64x128xf32, #tpu.memory_space<vmem>>) dst(%dma_wait3A_54 : memref<64x128xf32, #tpu.memory_space<hbm>>)
    %add3A_55 = arith.constant 1408 : i32
    %add3A_56 = arith.addi %mul3A_2, %add3A_55 : i32
    %dma_wait3A_57 = arith.constant 0 : i32
    %dma_wait3A_58 = tpu.memref_slice %arg6[%add3A_56, %dma_wait3A_57] : memref<51200x128xf32, #tpu.memory_space<hbm>> -> memref<64x128xf32, #tpu.memory_space<hbm>>
    %dma_wait3A_59 = arith.constant 0 : i32
    %dma_wait3A_60 = tpu.memref_slice %arg6[%add3A_56, %dma_wait3A_59] : memref<51200x128xf32, #tpu.memory_space<hbm>> -> memref<64x128xf32, #tpu.memory_space<hbm>>
    tpu.wait_dma2 semaphore(%arg24 : memref<!tpu.dma_semaphore, #tpu.memory_space<semaphore_mem>>) src(%arg11 : memref<64x128xf32, #tpu.memory_space<vmem>>) dst(%dma_wait3A_60 : memref<64x128xf32, #tpu.memory_space<hbm>>)
    %add3A_61 = arith.constant 1472 : i32
    %add3A_62 = arith.addi %mul3A_2, %add3A_61 : i32
    %dma_wait3A_63 = arith.constant 0 : i32
    %dma_wait3A_64 = tpu.memref_slice %arg6[%add3A_62, %dma_wait3A_63] : memref<51200x128xf32, #tpu.memory_space<hbm>> -> memref<64x128xf32, #tpu.memory_space<hbm>>
    %dma_wait3A_65 = arith.constant 0 : i32
    %dma_wait3A_66 = tpu.memref_slice %arg6[%add3A_62, %dma_wait3A_65] : memref<51200x128xf32, #tpu.memory_space<hbm>> -> memref<64x128xf32, #tpu.memory_space<hbm>>
    tpu.wait_dma2 semaphore(%arg25 : memref<!tpu.dma_semaphore, #tpu.memory_space<semaphore_mem>>) src(%arg12 : memref<64x128xf32, #tpu.memory_space<vmem>>) dst(%dma_wait3A_66 : memref<64x128xf32, #tpu.memory_space<hbm>>)
    %add3A_67 = arith.constant 1536 : i32
    %add3A_68 = arith.addi %mul3A_2, %add3A_67 : i32
    %dma_wait3A_69 = arith.constant 0 : i32
    %dma_wait3A_70 = tpu.memref_slice %arg6[%add3A_68, %dma_wait3A_69] : memref<51200x128xf32, #tpu.memory_space<hbm>> -> memref<64x128xf32, #tpu.memory_space<hbm>>
    %dma_wait3A_71 = arith.constant 0 : i32
    %dma_wait3A_72 = tpu.memref_slice %arg6[%add3A_68, %dma_wait3A_71] : memref<51200x128xf32, #tpu.memory_space<hbm>> -> memref<64x128xf32, #tpu.memory_space<hbm>>
    tpu.wait_dma2 semaphore(%arg26 : memref<!tpu.dma_semaphore, #tpu.memory_space<semaphore_mem>>) src(%arg13 : memref<64x128xf32, #tpu.memory_space<vmem>>) dst(%dma_wait3A_72 : memref<64x128xf32, #tpu.memory_space<hbm>>)
    return
  }
}

module attributes {stable_mosaic.version = 14 : i64} {
  func.func @_tc_body(%arg0: i32, %arg1: memref<12800x128xf32, #tpu.memory_space<vmem>>, %arg2: memref<1x12800xi32, #tpu.memory_space<vmem>>, %arg3: memref<64x128xf32, #tpu.memory_space<vmem>>, %arg4: memref<128x256xf32, #tpu.memory_space<vmem>>, %arg5: memref<1x128xf32, #tpu.memory_space<vmem>>, %arg6: memref<128x128xf32, #tpu.memory_space<vmem>>, %arg7: memref<1x128xf32, #tpu.memory_space<vmem>>, %arg8: memref<128x256xf32, #tpu.memory_space<vmem>>, %arg9: memref<1x128xf32, #tpu.memory_space<vmem>>, %arg10: memref<128x256xf32, #tpu.memory_space<vmem>>, %arg11: memref<1x128xf32, #tpu.memory_space<vmem>>, %arg12: memref<1x128xf32, #tpu.memory_space<vmem>>, %arg13: memref<1x1xf32, #tpu.memory_space<vmem>>, %arg14: memref<6x128xf32, #tpu.memory_space<vmem>>, %arg15: memref<64x128xf32, #tpu.memory_space<vmem>>) attributes {dimension_semantics = [#tpu.dimension_semantics<arbitrary>], iteration_bounds = array<i64: 4>, scalar_prefetch = 0 : i64, scratch_operands = 0 : i64, tpu.core_type = #tpu.core_type<tc>, window_params = [{transform_indices = @transform_0, window_bounds = array<i64: 12800, 128>}, {transform_indices = @transform_1, window_bounds = array<i64: 1, 12800>}, {transform_indices = @transform_2, window_bounds = array<i64: 64, 128>}, {pipeline_mode = #tpu.pipeline_mode<synchronous>, transform_indices = @transform_3, window_bounds = array<i64: 128, 256>}, {pipeline_mode = #tpu.pipeline_mode<synchronous>, transform_indices = @transform_4, window_bounds = array<i64: 1, 128>}, {pipeline_mode = #tpu.pipeline_mode<synchronous>, transform_indices = @transform_5, window_bounds = array<i64: 128, 128>}, {pipeline_mode = #tpu.pipeline_mode<synchronous>, transform_indices = @transform_6, window_bounds = array<i64: 1, 128>}, {pipeline_mode = #tpu.pipeline_mode<synchronous>, transform_indices = @transform_7, window_bounds = array<i64: 128, 256>}, {pipeline_mode = #tpu.pipeline_mode<synchronous>, transform_indices = @transform_8, window_bounds = array<i64: 1, 128>}, {pipeline_mode = #tpu.pipeline_mode<synchronous>, transform_indices = @transform_9, window_bounds = array<i64: 128, 256>}, {pipeline_mode = #tpu.pipeline_mode<synchronous>, transform_indices = @transform_10, window_bounds = array<i64: 1, 128>}, {pipeline_mode = #tpu.pipeline_mode<synchronous>, transform_indices = @transform_11, window_bounds = array<i64: 1, 128>}, {pipeline_mode = #tpu.pipeline_mode<synchronous>, transform_indices = @transform_12, window_bounds = array<i64: 1, 1>}, {pipeline_mode = #tpu.pipeline_mode<synchronous>, transform_indices = @transform_13, window_bounds = array<i64: 6, 128>}, {transform_indices = @transform_14, window_bounds = array<i64: 64, 128>}]} {
    %get3A = arith.constant 0 : index
    %get3A_0 = arith.constant 0 : index
    %get3A_1 = vector.load %arg1[%get3A, %get3A_0] : memref<12800x128xf32, #tpu.memory_space<vmem>>, vector<12800x128xf32>
    %get3A_2 = arith.constant 0 : index
    %get3A_3 = arith.constant 0 : index
    %get3A_4 = vector.load %arg2[%get3A_2, %get3A_3] : memref<1x12800xi32, #tpu.memory_space<vmem>>, vector<1x12800xi32>
    %get3A_5 = arith.constant 0 : index
    %get3A_6 = arith.constant 0 : index
    %get3A_7 = vector.load %arg3[%get3A_5, %get3A_6] : memref<64x128xf32, #tpu.memory_space<vmem>>, vector<64x128xf32>
    %get3A_8 = arith.constant 0 : index
    %get3A_9 = arith.constant 0 : index
    %get3A_10 = vector.load %arg4[%get3A_8, %get3A_9] : memref<128x256xf32, #tpu.memory_space<vmem>>, vector<128x256xf32>
    %get3A_11 = arith.constant 0 : index
    %get3A_12 = arith.constant 0 : index
    %get3A_13 = vector.load %arg14[%get3A_11, %get3A_12] : memref<6x128xf32, #tpu.memory_space<vmem>>, vector<6x128xf32>
    %slice3A = vector.extract_strided_slice %get3A_10 {offsets = [0, 128], sizes = [128, 128], strides = [1, 1]} : vector<128x256xf32> to vector<128x128xf32>
    %dot_general3A = arith.constant dense<0.000000e+00> : vector<6x128xf32>
    %dot_general3A_14 = tpu.matmul %get3A_13, %slice3A, %dot_general3A {dimension_numbers = #tpu.dot_dimension_numbers<[1], [1], [0], [0], [0, 0, 1, 0], [], []>, transpose_lhs_hint = false} : vector<6x128xf32>, vector<128x128xf32>, vector<6x128xf32> -> vector<6x128xf32>
    %get3A_15 = arith.constant 0 : index
    %get3A_16 = arith.constant 0 : index
    %get3A_17 = vector.load %arg5[%get3A_15, %get3A_16] : memref<1x128xf32, #tpu.memory_space<vmem>>, vector<1x128xf32>
    %add3A = vector.broadcast %get3A_17 : vector<1x128xf32> to vector<6x128xf32>
    %add3A_18 = arith.addf %dot_general3A_14, %add3A : vector<6x128xf32>
    %broadcast_in_dim3A = arith.constant 0.000000e+00 : f32
    %broadcast_in_dim3A_19 = vector.broadcast %broadcast_in_dim3A : f32 to vector<2x128xf32>
    %concatenate3A = tpu.concatenate %add3A_18, %broadcast_in_dim3A_19 in 0 : vector<6x128xf32>, vector<2x128xf32> -> vector<8x128xf32>
    %iota3A = tpu.iota {dimensions = array<i32: 0>} : vector<8x1xi32>
    %eq3A = vector.broadcast %get3A_4 : vector<1x12800xi32> to vector<8x12800xi32>
    %eq3A_20 = vector.broadcast %iota3A : vector<8x1xi32> to vector<8x12800xi32>
    %eq3A_21 = arith.cmpi eq, %eq3A, %eq3A_20 : vector<8x12800xi32>
    %convert_element_type3A = arith.extui %eq3A_21 : vector<8x12800xi1> to vector<8x12800xi32>
    %convert_element_type3A_22 = arith.sitofp %convert_element_type3A : vector<8x12800xi32> to vector<8x12800xf32>
    %dot_general3A_23 = arith.constant dense<0.000000e+00> : vector<12800x128xf32>
    %dot_general3A_24 = tpu.matmul %convert_element_type3A_22, %concatenate3A, %dot_general3A_23 {dimension_numbers = #tpu.dot_dimension_numbers<[0], [0], [1], [1], [0, 1, 1, 1], [], []>, transpose_lhs_hint = false} : vector<8x12800xf32>, vector<8x128xf32>, vector<12800x128xf32> -> vector<12800x128xf32>
    %slice3A_25 = vector.extract_strided_slice %get3A_10 {offsets = [0, 0], sizes = [128, 128], strides = [1, 1]} : vector<128x256xf32> to vector<128x128xf32>
    %dot_general3A_26 = arith.constant dense<0.000000e+00> : vector<12800x128xf32>
    %dot_general3A_27 = tpu.matmul %get3A_1, %slice3A_25, %dot_general3A_26 {dimension_numbers = #tpu.dot_dimension_numbers<[1], [1], [0], [0], [0, 0, 1, 0], [], []>, transpose_lhs_hint = false} : vector<12800x128xf32>, vector<128x128xf32>, vector<12800x128xf32> -> vector<12800x128xf32>
    %add3A_28 = arith.addf %dot_general3A_27, %dot_general3A_24 : vector<12800x128xf32>
    %max3A = arith.constant 0.000000e+00 : f32
    %max3A_29 = vector.broadcast %max3A : f32 to vector<12800x128xf32>
    %max3A_30 = arith.maximumf %add3A_28, %max3A_29 : vector<12800x128xf32>
    %get3A_31 = arith.constant 0 : index
    %get3A_32 = arith.constant 0 : index
    %get3A_33 = vector.load %arg10[%get3A_31, %get3A_32] : memref<128x256xf32, #tpu.memory_space<vmem>>, vector<128x256xf32>
    %slice3A_34 = vector.extract_strided_slice %get3A_33 {offsets = [0, 128], sizes = [128, 128], strides = [1, 1]} : vector<128x256xf32> to vector<128x128xf32>
    %dot_general3A_35 = arith.constant dense<0.000000e+00> : vector<64x128xf32>
    %dot_general3A_36 = tpu.matmul %get3A_7, %slice3A_34, %dot_general3A_35 {dimension_numbers = #tpu.dot_dimension_numbers<[1], [1], [0], [0], [0, 0, 1, 0], [], []>, transpose_lhs_hint = false} : vector<64x128xf32>, vector<128x128xf32>, vector<64x128xf32> -> vector<64x128xf32>
    %get3A_37 = arith.constant 0 : index
    %get3A_38 = arith.constant 0 : index
    %get3A_39 = vector.load %arg11[%get3A_37, %get3A_38] : memref<1x128xf32, #tpu.memory_space<vmem>>, vector<1x128xf32>
    %add3A_40 = vector.broadcast %get3A_39 : vector<1x128xf32> to vector<64x128xf32>
    %add3A_41 = arith.addf %dot_general3A_36, %add3A_40 : vector<64x128xf32>
    %slice3A_42 = vector.extract_strided_slice %get3A_33 {offsets = [0, 0], sizes = [128, 128], strides = [1, 1]} : vector<128x256xf32> to vector<128x128xf32>
    %dot_general3A_43 = arith.constant dense<0.000000e+00> : vector<12800x128xf32>
    %dot_general3A_44 = tpu.matmul %max3A_30, %slice3A_42, %dot_general3A_43 {dimension_numbers = #tpu.dot_dimension_numbers<[1], [1], [0], [0], [0, 0, 1, 0], [], []>, transpose_lhs_hint = false} : vector<12800x128xf32>, vector<128x128xf32>, vector<12800x128xf32> -> vector<12800x128xf32>
    %reshape3A = vector.shape_cast %dot_general3A_44 : vector<12800x128xf32> to vector<64x200x128xf32>
    %broadcast_in_dim3A_45 = vector.shape_cast %add3A_41 : vector<64x128xf32> to vector<64x1x128xf32>
    %add3A_46 = vector.broadcast %broadcast_in_dim3A_45 : vector<64x1x128xf32> to vector<64x200x128xf32>
    %add3A_47 = arith.addf %reshape3A, %add3A_46 : vector<64x200x128xf32>
    %max3A_48 = arith.constant 0.000000e+00 : f32
    %max3A_49 = vector.broadcast %max3A_48 : f32 to vector<64x200x128xf32>
    %max3A_50 = arith.maximumf %add3A_47, %max3A_49 : vector<64x200x128xf32>
    %reshape3A_51 = vector.shape_cast %max3A_50 : vector<64x200x128xf32> to vector<12800x128xf32>
    %get3A_52 = arith.constant 0 : index
    %get3A_53 = arith.constant 0 : index
    %get3A_54 = vector.load %arg12[%get3A_52, %get3A_53] : memref<1x128xf32, #tpu.memory_space<vmem>>, vector<1x128xf32>
    %dot_general3A_55 = arith.constant dense<0.000000e+00> : vector<1x12800xf32>
    %dot_general3A_56 = tpu.matmul %get3A_54, %reshape3A_51, %dot_general3A_55 {dimension_numbers = #tpu.dot_dimension_numbers<[1], [1], [0], [0], [0, 0, 1, 0], [], []>, transpose_lhs_hint = false} : vector<1x128xf32>, vector<12800x128xf32>, vector<1x12800xf32> -> vector<1x12800xf32>
    %reduce_max3A = vector.shape_cast %dot_general3A_56 : vector<1x12800xf32> to vector<1x1x12800xf32>
    %reduce_max3A_57 = arith.constant dense<0xFF800000> : vector<1xf32>
    %reduce_max3A_58 = vector.multi_reduction <maximumf>, %reduce_max3A, %reduce_max3A_57 [1, 2] : vector<1x1x12800xf32> to vector<1xf32>
    %reduce_max3A_59 = vector.shape_cast %reduce_max3A_58 : vector<1xf32> to vector<1x1x1xf32>
    %reduce_max3A_60 = vector.extract %reduce_max3A_59[0, 0, 0] : f32 from vector<1x1x1xf32>
    %sub3A = vector.broadcast %reduce_max3A_60 : f32 to vector<1x12800xf32>
    %sub3A_61 = arith.subf %dot_general3A_56, %sub3A : vector<1x12800xf32>
    %exp3A = math.exp %sub3A_61 : vector<1x12800xf32>
    %iota3A_62 = tpu.iota {dimensions = array<i32: 1>} : vector<1x12800xi32>
    %jit3A = arith.constant 200 : i32
    %div3A = vector.broadcast %jit3A : i32 to vector<1x12800xi32>
    %div3A_63 = arith.divsi %iota3A_62, %div3A : vector<1x12800xi32>
    %sign3A = arith.constant 0 : i32
    %sign3A_64 = vector.broadcast %sign3A : i32 to vector<1x12800xi32>
    %sign3A_65 = arith.cmpi sgt, %iota3A_62, %sign3A_64 : vector<1x12800xi32>
    %sign3A_66 = arith.extui %sign3A_65 : vector<1x12800xi1> to vector<1x12800xi32>
    %sign3A_67 = arith.constant 0 : i32
    %sign3A_68 = vector.broadcast %sign3A_67 : i32 to vector<1x12800xi32>
    %sign3A_69 = arith.cmpi slt, %iota3A_62, %sign3A_68 : vector<1x12800xi32>
    %sign3A_70 = arith.extui %sign3A_69 : vector<1x12800xi1> to vector<1x12800xi32>
    %sign3A_71 = arith.subi %sign3A_66, %sign3A_70 : vector<1x12800xi32>
    %sign3A_72 = arith.constant 0 : i32
    %sign3A_73 = arith.cmpi sgt, %jit3A, %sign3A_72 : i32
    %sign3A_74 = arith.extui %sign3A_73 : i1 to i32
    %sign3A_75 = arith.constant 0 : i32
    %sign3A_76 = arith.cmpi slt, %jit3A, %sign3A_75 : i32
    %sign3A_77 = arith.extui %sign3A_76 : i1 to i32
    %sign3A_78 = arith.subi %sign3A_74, %sign3A_77 : i32
    %ne3A = vector.broadcast %sign3A_78 : i32 to vector<1x12800xi32>
    %ne3A_79 = arith.cmpi ne, %sign3A_71, %ne3A : vector<1x12800xi32>
    %rem3A = vector.broadcast %jit3A : i32 to vector<1x12800xi32>
    %rem3A_80 = arith.remsi %iota3A_62, %rem3A : vector<1x12800xi32>
    %ne3A_81 = arith.constant 0 : i32
    %ne3A_82 = vector.broadcast %ne3A_81 : i32 to vector<1x12800xi32>
    %ne3A_83 = arith.cmpi ne, %rem3A_80, %ne3A_82 : vector<1x12800xi32>
    %and3A = arith.andi %ne3A_79, %ne3A_83 : vector<1x12800xi1>
    %sub3A_84 = arith.constant 1 : i32
    %sub3A_85 = vector.broadcast %sub3A_84 : i32 to vector<1x12800xi32>
    %sub3A_86 = arith.subi %div3A_63, %sub3A_85 : vector<1x12800xi32>
    %select_n3A = arith.select %and3A, %sub3A_86, %div3A_63 : vector<1x12800xi1>, vector<1x12800xi32>
    %iota3A_87 = tpu.iota {dimensions = array<i32: 0>} : vector<64x1xi32>
    %eq3A_88 = vector.broadcast %select_n3A : vector<1x12800xi32> to vector<64x12800xi32>
    %eq3A_89 = vector.broadcast %iota3A_87 : vector<64x1xi32> to vector<64x12800xi32>
    %eq3A_90 = arith.cmpi eq, %eq3A_88, %eq3A_89 : vector<64x12800xi32>
    %jit3A_91 = arith.constant 0.000000e+00 : f32
    %broadcast_in_dim3A_92 = vector.shape_cast %exp3A : vector<1x12800xf32> to vector<1x12800xf32>
    %broadcast_in_dim3A_93 = vector.broadcast %broadcast_in_dim3A_92 : vector<1x12800xf32> to vector<64x12800xf32>
    %broadcast_in_dim3A_94 = vector.broadcast %jit3A_91 : f32 to vector<64x12800xf32>
    %select_n3A_95 = arith.select %eq3A_90, %broadcast_in_dim3A_93, %broadcast_in_dim3A_94 : vector<64x12800xi1>, vector<64x12800xf32>
    %reduce_sum3A = arith.constant dense<0.000000e+00> : vector<64xf32>
    %reduce_sum3A_96 = vector.multi_reduction <add>, %select_n3A_95, %reduce_sum3A [1] : vector<64x12800xf32> to vector<64xf32>
    %broadcast_in_dim3A_97 = vector.shape_cast %reduce_sum3A_96 : vector<64xf32> to vector<64x1xf32>
    %dot_general3A_98 = arith.constant dense<0.000000e+00> : vector<64x128xf32>
    %dot_general3A_99 = tpu.matmul %select_n3A_95, %max3A_30, %dot_general3A_98 {dimension_numbers = #tpu.dot_dimension_numbers<[1], [0], [0], [1], [0, 0, 1, 1], [], []>, transpose_lhs_hint = false} : vector<64x12800xf32>, vector<12800x128xf32>, vector<64x128xf32> -> vector<64x128xf32>
    %div3A_100 = vector.broadcast %broadcast_in_dim3A_97 : vector<64x1xf32> to vector<64x128xf32>
    %div3A_101 = arith.divf %dot_general3A_99, %div3A_100 : vector<64x128xf32>
    %get3A_102 = arith.constant 0 : index
    %get3A_103 = arith.constant 0 : index
    %get3A_104 = vector.load %arg6[%get3A_102, %get3A_103] : memref<128x128xf32, #tpu.memory_space<vmem>>, vector<128x128xf32>
    %dot_general3A_105 = arith.constant dense<0.000000e+00> : vector<64x128xf32>
    %dot_general3A_106 = tpu.matmul %div3A_101, %get3A_104, %dot_general3A_105 {dimension_numbers = #tpu.dot_dimension_numbers<[1], [1], [0], [0], [0, 0, 1, 0], [], []>, transpose_lhs_hint = false} : vector<64x128xf32>, vector<128x128xf32>, vector<64x128xf32> -> vector<64x128xf32>
    %get3A_107 = arith.constant 0 : index
    %get3A_108 = arith.constant 0 : index
    %get3A_109 = vector.load %arg7[%get3A_107, %get3A_108] : memref<1x128xf32, #tpu.memory_space<vmem>>, vector<1x128xf32>
    %add3A_110 = vector.broadcast %get3A_109 : vector<1x128xf32> to vector<64x128xf32>
    %add3A_111 = arith.addf %dot_general3A_106, %add3A_110 : vector<64x128xf32>
    %max3A_112 = arith.constant 0.000000e+00 : f32
    %max3A_113 = vector.broadcast %max3A_112 : f32 to vector<64x128xf32>
    %max3A_114 = arith.maximumf %add3A_111, %max3A_113 : vector<64x128xf32>
    %get3A_115 = arith.constant 0 : index
    %get3A_116 = arith.constant 0 : index
    %get3A_117 = vector.load %arg8[%get3A_115, %get3A_116] : memref<128x256xf32, #tpu.memory_space<vmem>>, vector<128x256xf32>
    %slice3A_118 = vector.extract_strided_slice %get3A_117 {offsets = [0, 0], sizes = [128, 128], strides = [1, 1]} : vector<128x256xf32> to vector<128x128xf32>
    %dot_general3A_119 = arith.constant dense<0.000000e+00> : vector<64x128xf32>
    %dot_general3A_120 = tpu.matmul %get3A_7, %slice3A_118, %dot_general3A_119 {dimension_numbers = #tpu.dot_dimension_numbers<[1], [1], [0], [0], [0, 0, 1, 0], [], []>, transpose_lhs_hint = false} : vector<64x128xf32>, vector<128x128xf32>, vector<64x128xf32> -> vector<64x128xf32>
    %slice3A_121 = vector.extract_strided_slice %get3A_117 {offsets = [0, 128], sizes = [128, 128], strides = [1, 1]} : vector<128x256xf32> to vector<128x128xf32>
    %dot_general3A_122 = arith.constant dense<0.000000e+00> : vector<64x128xf32>
    %dot_general3A_123 = tpu.matmul %max3A_114, %slice3A_121, %dot_general3A_122 {dimension_numbers = #tpu.dot_dimension_numbers<[1], [1], [0], [0], [0, 0, 1, 0], [], []>, transpose_lhs_hint = false} : vector<64x128xf32>, vector<128x128xf32>, vector<64x128xf32> -> vector<64x128xf32>
    %add3A_124 = arith.addf %dot_general3A_120, %dot_general3A_123 : vector<64x128xf32>
    %get3A_125 = arith.constant 0 : index
    %get3A_126 = arith.constant 0 : index
    %get3A_127 = vector.load %arg9[%get3A_125, %get3A_126] : memref<1x128xf32, #tpu.memory_space<vmem>>, vector<1x128xf32>
    %add3A_128 = vector.broadcast %get3A_127 : vector<1x128xf32> to vector<64x128xf32>
    %add3A_129 = arith.addf %add3A_124, %add3A_128 : vector<64x128xf32>
    %max3A_130 = arith.constant 0.000000e+00 : f32
    %max3A_131 = vector.broadcast %max3A_130 : f32 to vector<64x128xf32>
    %max3A_132 = arith.maximumf %add3A_129, %max3A_131 : vector<64x128xf32>
    %swap3A = arith.constant 0 : index
    %swap3A_133 = arith.constant 0 : index
    %swap3A_134 = vector.load %arg15[%swap3A, %swap3A_133] : memref<64x128xf32, #tpu.memory_space<vmem>>, vector<64x128xf32>
    tpu.vector_store %arg15[%swap3A, %swap3A_133], %max3A_132 {strides = array<i32>} : memref<64x128xf32, #tpu.memory_space<vmem>>, vector<64x128xf32>,
    return
  }
  func.func @transform_0(%arg0: i32) -> (i32, i32) {
    %c0_i32 = arith.constant 0 : i32
    %c0_i32_0 = arith.constant 0 : i32
    return %arg0, %c0_i32 : i32, i32
  }
  func.func @transform_1(%arg0: i32) -> (i32, i32) {
    %c0_i32 = arith.constant 0 : i32
    %c0_i32_0 = arith.constant 0 : i32
    return %c0_i32, %arg0 : i32, i32
  }
  func.func @transform_2(%arg0: i32) -> (i32, i32) {
    %c0_i32 = arith.constant 0 : i32
    %c0_i32_0 = arith.constant 0 : i32
    return %arg0, %c0_i32 : i32, i32
  }
  func.func @transform_3(%arg0: i32) -> (i32, i32) {
    %c0_i32 = arith.constant 0 : i32
    %c0_i32_0 = arith.constant 0 : i32
    %c0_i32_1 = arith.constant 0 : i32
    return %c0_i32, %c0_i32_0 : i32, i32
  }
  func.func @transform_4(%arg0: i32) -> (i32, i32) {
    %c0_i32 = arith.constant 0 : i32
    %c0_i32_0 = arith.constant 0 : i32
    %c0_i32_1 = arith.constant 0 : i32
    return %c0_i32, %c0_i32_0 : i32, i32
  }
  func.func @transform_5(%arg0: i32) -> (i32, i32) {
    %c0_i32 = arith.constant 0 : i32
    %c0_i32_0 = arith.constant 0 : i32
    %c0_i32_1 = arith.constant 0 : i32
    return %c0_i32, %c0_i32_0 : i32, i32
  }
  func.func @transform_6(%arg0: i32) -> (i32, i32) {
    %c0_i32 = arith.constant 0 : i32
    %c0_i32_0 = arith.constant 0 : i32
    %c0_i32_1 = arith.constant 0 : i32
    return %c0_i32, %c0_i32_0 : i32, i32
  }
  func.func @transform_7(%arg0: i32) -> (i32, i32) {
    %c0_i32 = arith.constant 0 : i32
    %c0_i32_0 = arith.constant 0 : i32
    %c0_i32_1 = arith.constant 0 : i32
    return %c0_i32, %c0_i32_0 : i32, i32
  }
  func.func @transform_8(%arg0: i32) -> (i32, i32) {
    %c0_i32 = arith.constant 0 : i32
    %c0_i32_0 = arith.constant 0 : i32
    %c0_i32_1 = arith.constant 0 : i32
    return %c0_i32, %c0_i32_0 : i32, i32
  }
  func.func @transform_9(%arg0: i32) -> (i32, i32) {
    %c0_i32 = arith.constant 0 : i32
    %c0_i32_0 = arith.constant 0 : i32
    %c0_i32_1 = arith.constant 0 : i32
    return %c0_i32, %c0_i32_0 : i32, i32
  }
  func.func @transform_10(%arg0: i32) -> (i32, i32) {
    %c0_i32 = arith.constant 0 : i32
    %c0_i32_0 = arith.constant 0 : i32
    %c0_i32_1 = arith.constant 0 : i32
    return %c0_i32, %c0_i32_0 : i32, i32
  }
  func.func @transform_11(%arg0: i32) -> (i32, i32) {
    %c0_i32 = arith.constant 0 : i32
    %c0_i32_0 = arith.constant 0 : i32
    %c0_i32_1 = arith.constant 0 : i32
    return %c0_i32, %c0_i32_0 : i32, i32
  }
  func.func @transform_12(%arg0: i32) -> (i32, i32) {
    %c0_i32 = arith.constant 0 : i32
    %c0_i32_0 = arith.constant 0 : i32
    %c0_i32_1 = arith.constant 0 : i32
    return %c0_i32, %c0_i32_0 : i32, i32
  }
  func.func @transform_13(%arg0: i32) -> (i32, i32) {
    %c0_i32 = arith.constant 0 : i32
    %c0_i32_0 = arith.constant 0 : i32
    %c0_i32_1 = arith.constant 0 : i32
    return %c0_i32, %c0_i32_0 : i32, i32
  }
  func.func @transform_14(%arg0: i32) -> (i32, i32) {
    %c0_i32 = arith.constant 0 : i32
    %c0_i32_0 = arith.constant 0 : i32
    return %arg0, %c0_i32 : i32, i32
  }
}

</mosaic_0001>

<sc_bundles>
// kernel: kernel.10.cloned.1.call-start
scs
__scs_entry_jumppad:
0x0: {  	(pc) =	sbr.rel $0x88, $3  }
0x1: {  	(tag) =	ssettag $0x0;
	lr =	simm.s32 $0x1  }
0x2: {  	[smem:$0x3F91] =	sst lr;
	_ =	strace $0xD0000000  }
0x3: {  	_ = 	snop  }
0x4: {  	_ = 	snop  }
0x5: {  	_ = 	snop  }
0x6: {  	_ = 	snop  }
0x7: {  	_ = 	snop  }
__scs_overlays_trampoline_lowered:
0x8: {  	[smem:$0x3FA0] =	sst s0  }
0x9: {  	[smem:$0x3FA1] =	sst s1  }
0xa: {  	[smem:$0x3FA2] =	sst s2  }
0xb: {  	[smem:$0x3FA3] =	sst s3  }
0xc: {  	[smem:$0x3FA4] =	sst s4  }
0xd: {  	[smem:$0x3FA5] =	sst s5  }
0xe: {  	[smem:$0x3FA6] =	sst s6  }
0xf: {  	[smem:$0x3FA7] =	sst s7  }
0x10: {  	[smem:$0x3FA8] =	sst s8  }
0x11: {  	[smem:$0x3FA9] =	sst s9;
	s0 =	simm.s32 @!p0 $0x0  }
0x12: {  	s1 =	sld [smem:$0x3F8F];
	s0 =	simm.s32 @p0 $0x1  }
0x13: {  	[smem:$0x3FAA] =	sst s0;
	s0 =	simm.s32 @!p1 $0x0  }
0x14: {  	s2 =	sld [smem:$0x3F8E];
	s0 =	simm.s32 @p1 $0x1  }
0x15: {  	[smem:$0x3FAB] =	sst s0;
	s0 =	simm.s32 @!p2 $0x0  }
0x16: {  	s3 =	sld [smem:$0x3FDB];
	s0 =	simm.s32 @p2 $0x1  }
0x17: {  	s4 =	simm.s32 $0x1BF5;
	[smem:$0x3FAD] =	sst s0  }
0x18: {  	s0 =	sld [smem:$0x3F90];
	_ =	swait.ge [sflag:s4], $0x0  }
0x19: {  	s7 =	sld [smem:$0x3F91]  }
0x1a: {  	s8 =	sadd.s32 $0xFFFFE003, lr  }
0x1b: {  	s9 =	sadd.s32 $0xFFFFFEF7, lr;
	s5 =	simm.s32 $0xFFFFFFFF;
	p2 =	slt.u32 s8, $0xFFFFF086  }
0x1c: {  	p1 =	slt.u32 s9, $0xF7A;
	s5 =	simm.s32 @!p2 $0x0  }
0x1d: {  	s5 =	simm.s32 @p1 $0x1;
	p0 =	seq.s32 s7, s2  }
0x1e: {  	s7 =	smul.u32 @!p0 $0xF7A, s2;
	p2 =	seq.s32 @!p0 s5, $0x0  }
0x1f: {  	s9 =	smul.u32 $0xF7A, s1;
	s8 =	simm.s32 @!p0 $0x1BF5;
	p2 =	por !p2, p0  }
0x20: {  	[sflag:s8] =	ssyncset.s32 @!p0 $0xFFFFF086;
	s6 =	sadd.s32 @!p0 s3, s7;
	s7 =	simm.s32 @!p0 $0x108  }
0x21: {  	s3 =	sadd.s32 s3, s9;
	s6 =	sadd.s32 @!p0 $0x88, s6;
	s7 =	simm.s32 @p2 $0x1082  }
0x22: {  	[simem:s7], [sflag:s8] =	dma.local @!p0 [hbm:s6], $0xF7A  }
0x23: {  	s9 =	sor.u32 $0xD0000000, s2;
	s6 =	simm.s32 $0x108;
	_ =	swait.ge @!p0 [sflag:s8], $0x0  }
0x24: {  	s3 =	sadd.s32 $0x88, s3;
	s6 =	simm.s32 @!p1 $0x1082;
	[sflag:s4] =	ssyncset.s32 $0xFFFFF086  }
0x25: {  	[simem:s6], [sflag:s4] =	dma.local [hbm:s3], $0xF7A  }
0x26: {  	[smem:$0x3F91] =	sst s1;
	(tag) =	ssettag s2;
	_ =	strace s9  }
0x27: {  	s1 =	sld [smem:$0x3FA1]  }
0x28: {  	s2 =	sld [smem:$0x3FA2]  }
0x29: {  	s4 =	sld [smem:$0x3FA4]  }
0x2a: {  	p0 =	seq.s32 s5, $0x0;
	s5 =	sld [smem:$0x3FA5]  }
0x2b: {  	s6 =	sld [smem:$0x3FA6]  }
0x2c: {  	s7 =	sld [smem:$0x3FA7]  }
0x2d: {  	s3 =	simm.s32 $0x108;
	s8 =	sld [smem:$0x3FA8]  }
0x2e: {  	s3 =	simm.s32 @!p0 $0x1082;
	s9 =	sld [smem:$0x3FA9]  }
0x2f: {  	lr =	sadd.s32 s0, s3;
	s0 =	sld [smem:$0x3FA0]  }
0x30: {  	s3 =	sld [smem:$0x3FA3]  }
0x31: {  	[smem:$0x3FAC] =	sst s10  }
0x32: {  	s10 =	sld [smem:$0x3FAA];
	_ =	sdelay $0x3  }
0x33: {  	p0 =	seq.s32 s10, $0x1;
	s10 =	sld [smem:$0x3FAC];
	_ =	sdelay $0x3  }
0x34: {  	[smem:$0x3FAC] =	sst s10  }
0x35: {  	s10 =	sld [smem:$0x3FAB];
	_ =	sdelay $0x3  }
0x36: {  	p1 =	seq.s32 s10, $0x1;
	s10 =	sld [smem:$0x3FAC];
	_ =	sdelay $0x3  }
0x37: {  	[smem:$0x3FAC] =	sst s10  }
0x38: {  	s10 =	sld [smem:$0x3FAD]  }
0x39: {  	_ = 	snop;
	(pc) =	sbr.ind lr, $3  }
0x3a: {  	_ = 	snop  }
0x3b: {  	_ = 	snop  }
0x3c: {  	p2 =	seq.s32 s10, $0x1;
	s10 =	sld [smem:$0x3FAC]  }
0x3d: {  	_ =	shalt  }
0x3e: {  	_ =	shalt  }
0x3f: {  	_ =	shalt  }
0x40: {  	_ =	shalt  }
0x41: {  	_ =	shalt  }
0x42: {  	_ =	shalt  }
0x43: {  	_ =	shalt  }
0x44: {  	_ =	shalt  }
0x45: {  	_ =	shalt  }
0x46: {  	_ =	shalt  }
0x47: {  	_ =	shalt  }
0x48: {  	_ =	shalt  }
0x49: {  	_ =	shalt  }
0x4a: {  	_ =	shalt  }
0x4b: {  	_ =	shalt  }
0x4c: {  	_ =	shalt  }
0x4d: {  	_ =	shalt  }
0x4e: {  	_ =	shalt  }
0x4f: {  	_ =	shalt  }
0x50: {  	_ =	shalt  }
0x51: {  	_ =	shalt  }
0x52: {  	_ =	shalt  }
0x53: {  	_ =	shalt  }
0x54: {  	_ =	shalt  }
0x55: {  	_ =	shalt  }
0x56: {  	_ =	shalt  }
0x57: {  	_ =	shalt  }
0x58: {  	_ =	shalt  }
0x59: {  	_ =	shalt  }
0x5a: {  	_ =	shalt  }
0x5b: {  	_ =	shalt  }
0x5c: {  	_ =	shalt  }
0x5d: {  	_ =	shalt  }
0x5e: {  	_ =	shalt  }
0x5f: {  	_ =	shalt  }
0x60: {  	_ =	shalt  }
0x61: {  	_ =	shalt  }
0x62: {  	_ =	shalt  }
0x63: {  	_ =	shalt  }
0x64: {  	_ =	shalt  }
0x65: {  	_ =	shalt  }
0x66: {  	_ =	shalt  }
0x67: {  	_ =	shalt  }
0x68: {  	_ =	shalt  }
0x69: {  	_ =	shalt  }
0x6a: {  	_ =	shalt  }
0x6b: {  	_ =	shalt  }
0x6c: {  	_ =	shalt  }
0x6d: {  	_ =	shalt  }
0x6e: {  	_ =	shalt  }
0x6f: {  	_ =	shalt  }
0x70: {  	_ =	shalt  }
0x71: {  	_ =	shalt  }
0x72: {  	_ =	shalt  }
0x73: {  	_ =	shalt  }
0x74: {  	_ =	shalt  }
0x75: {  	_ =	shalt  }
0x76: {  	_ =	shalt  }
0x77: {  	_ =	shalt  }
0x78: {  	_ =	shalt  }
0x79: {  	_ =	shalt  }
0x7a: {  	_ =	shalt  }
0x7b: {  	_ =	shalt  }
0x7c: {  	_ =	shalt  }
0x7d: {  	_ =	shalt  }
0x7e: {  	_ =	shalt  }
0x7f: {  	_ =	shalt  }
0x80: {  	_ =	shalt  }
0x81: {  	_ =	shalt  }
0x82: {  	_ =	shalt  }
0x83: {  	_ =	shalt  }
0x84: {  	_ =	shalt  }
0x85: {  	_ =	shalt  }
0x86: {  	_ =	shalt  }
0x87: {  	_ =	shalt  }
.Lfunc_end0:
.L_simem_size_0:
called_computation_lowered:
.L_overlay_start_0:
0x88: {  	s2 =	sld [smem:$0x3FD9]  }
0x89: {  	s3 =	sld [smem:$0x3FFE];
	_ =	sdelay $0x1  }
0x8a: {  	s1 =	srdreg.scid  }
0x8b: {  	s0 =	sand.u32 $0x1, s1  }
0x8c: {  	s17 =	sshll.u32 s0, $0xA;
	s2 =	sadd.s32 s3, s2  }
0x8d: {  	s2 =	sadd.s32 s2, s17  }
0x8e: {  	[smem:$0x3FB8] =	sst s2  }
0x8f: {  	_ = 	snop  }
0x90: {  	s2 =	sld [smem:$0x3FC6]  }
0x91: {  	s18 =	sld [smem:$0x3FC5];
	(tm) =	ssettm $0x1  }
0x92: {  	s4 =	sld [smem:$0x3FFB];
	_ =	sdelay $0x3  }
0x93: {  	_ =	strace s4  }
0x94: {  	s4 =	sld [smem:$0x3FFC];
	_ =	sdelay $0x3  }
0x95: {  	_ =	strace s4  }
0x96: {  	s4 =	sld [smem:$0x3FFD];
	_ =	sdelay $0x3  }
0x97: {  	_ =	strace s4  }
0x98: {  	_ =	strace $0x8FFFFFFF  }
0x99: {  	s19 =	sld [smem:$0x3FDB];
	_ =	sdelay $0x1  }
0x9a: {  	s5 =	simm.s32 $_scs_section_size  }
0x9b: {  	s6 =	simm.s32 $_size__tile_overlayer_lowered;
	s7 =	simm.s32 $_tile_overlayer_lowered  }
0x9c: {  	s22 =	simm.s32 $0x1BFF;
	s21 =	sshll.u32 s7, $0x1;
	s4 =	sadd.s32 s5, s19  }
0x9d: {  	s8 =	simm.s32 $0x0;
	s20 =	sshll.u32 s6, $0x1;
	s6 =	sadd.s32 s21, s4  }
0x9e: {  	[timem:s8], [sflag:s22] =	dma.local [hbm:s6], s20  }
0x9f: {  	_ =	swait.ge [sflag:s22], s20  }
0xa0: {  	s5 =	ssub.s32 $0x0, s20;
	[sflag:s22] =	ssyncset.done $0x0  }
0xa1: {  	[sflag:s22] =	ssyncadd.s32 s5;
	_ =	sdelay $0x1  }
0xa2: {  	s23 =	simm.s32 $0x1B8B  }
0xa3: {  	_ =	swait.ge [sflag:s23], $0x1  }
0xa4: {  	[sflag:s23] =	ssyncset.done $0x0  }
0xa5: {  	s25 =	simm.s32 $0x1B8E;
	s24 =	sld [smem:$0x3FFE];
	[sflag:s23] =	ssyncadd.s32 $0xFFFFFFFF  }
0xa6: {  	s26 =	simm.s32 $execute0_lowered;
	[smem:$0x3FD2] =	sst s25  }
0xa7: {  	s6 =	sshll.u32 s26, $0x1;
	_ =	strace $0x80000046;
	[dreg:$0x1] =	wrdreg $0xFFFFFFFF  }
0xa8: {  	s28 =	simm.s32 $_size_execute0_lowered;
	s4 =	sadd.s32 s4, s6;
	[dreg:$0x0] =	wrdreg $0x0  }
0xa9: {  	s6 =	sshll.u32 s28, $0x1;
	[dreg:$0x2] =	wrdreg s4  }
0xaa: {  	[dreg:$0x3] =	wrdreg s6  }
0xab: {  	[dreg:$0x4] =	wrdreg $0xC0  }
0xac: {  	_ =	task [dreg:s8], $0x5FFFF  }
0xad: {  	[dreg:$0x1] =	wrdreg $0xFFFFFFFF  }
0xae: {  	[dreg:$0x0] =	wrdreg $0x60  }
0xaf: {  	[dreg:$0x2] =	wrdreg s24  }
0xb0: {  	[dreg:$0x3] =	wrdreg s2  }
0xb1: {  	[dreg:$0x4] =	wrdreg s18  }
0xb2: {  	[dreg:$0x5] =	wrdreg $0x9  }
0xb3: {  	_ =	task.clear_ibuf [dreg:s8], $0x6FFFF;
	_ =	strace $0x90000046  }
0xb4: {  	s29 =	simm.s32 $0x9;
	_ =	strace $0x80000048  }
0xb5: {  	_ =	swait.ge [sflag:s29], $0x1  }
0xb6: {  	[sflag:s29] =	ssyncadd.s32 $0xFFFFFFFF  }
0xb7: {  	_ =	strace $0x90000048  }
0xb8: {  	_ =	sfence  }
0xb9: {  	s30 =	sld [smem:$0x0];
	_ =	sdelay $0x2  }
0xba: {  	s31 =	sshll.u32 s1, $0xD;
	s1 =	sshrl.u32 s1, $0x2  }
0xbb: {  	s3 =	sand.u32 $0x4000, s31;
	s1 =	sadd.s32 s1, s30  }
0xbc: {  	s0 =	sor.u32 s3, s0;
	s1 =	sshll.u32 s1, $0x11  }
0xbd: {  	s0 =	sor.u32 s1, s0  }
0xbe: {  	s0 =	sadd.s32 $0x8F2B, s0  }
0xbf: {  	[sflag:s0] =	ssyncadd.remote.s32 $0x1  }
0xc0: {  	_ =	sfence.sel $0xFFFF  }
0xc1: {  	[dreg:$0x0] =	wrdreg $0xFFFFFFFF;
	(pc) =	sbr.abs _section_cstart, $3  }
0xc2: {  	[dreg:$0x1] =	wrdreg $0xFFFFFFFF  }
0xc3: {  	_ =	task.clear_ibuf [dreg:s8], $0x2FFFF;
	_ =	strace $0x9FFFFFFF  }
0xc4: {  	(tm) =	ssettm $0x7FFFFFFF  }
0xc5: {  	_ =	shalt  }
tec
execute0_lowered:
.L_overlay_start_1:
0x0: {  	(tag) =	ssettag $0x1  }
0x1: {  	s0 =	rddreg [dreg:$0x0]  }
0x2: {  	s2 =	rddreg [dreg:$0x1]  }
0x3: {  	s1 =	srdreg.scid;
	s11 =	stileid.u32;
	s4 =	simm.s32 $0x0  }
0x4: {  	s14 =	simm.s32 $0xC;
	s15 =	simm.s32 $0x40;
	s16 =	simm.s32 $0x1000  }
0x5: {  	s28 =	simm.s32 $0x4;
	s29 =	simm.s32 $0x5;
	s30 =	simm.s32 $0x6  }
0x6: {  	s31 =	simm.s32 $0x7;
	s1 =	sand.u32 $0x1, s1;
	s3 =	sshll.u32 s11, $0x1  }
0x7: {  	[smem:$0x7FF] =	sst s4;
	s8 =	sadd.s32 $0xBC00, s0;
	s9 =	smul.u32 $0x64000, s11  }
0x8: {  	s18 =	smul.u32 $0xC800, s11;
	p0 =	sgt.u32 s11, $0x1;
	s3 =	sor.u32 s1, s3  }
0x9: {  	_ =	strace $0x80000047;
	s7 =	ssub.s32 $0x2, s1;
	s10 =	smul.u32 $0x32000, s1  }
0xa: {  	s1 =	smul.u32 $0x6400, s1;
	s5 =	sshll.u32 s3, $0x9;
	s6 =	sshll.u32 s3, $0x4  }
0xb: {  	s3 =	sshll.u32 s3, $0xA;
	s17 =	sshrl.u32 s7, $0x1;
	s19 =	sadd.s32 s18, s8  }
0xc: {  	s18 =	simm.s32 $0x3000;
	s5 =	sadd.s32 s5, s0;
	s6 =	sadd.s32 s6, s0  }
0xd: {  	s0 =	sadd.s32 s3, s0;
	s3 =	ssub.s32 s7, s17;
	s9 =	sadd.s32 s10, s9  }
0xe: {  	s17 =	simm.s32 $0xB;
	s5 =	sadd.s32 $0x6600, s5;
	s6 =	sadd.s32 $0xAA00, s6  }
0xf: {  	s0 =	sadd.s32 $0xAC00, s0;
	s20 =	sadd.s32 $0x8000, s9;
	[dreg:$0x4] =	wrdreg s5  }
0x10: {  	s3 =	smax.u32 s3, $0x1;
	s22 =	sadd.s32 $0x6000, s9;
	[dreg:$0x5] =	wrdreg s6  }
0x11: {  	s23 =	sadd.s32 $0x4000, s9;
	s24 =	sadd.s32 $0x2000, s9;
	[dreg:$0x6] =	wrdreg s0  }
0x12: {  	[dreg:$0x7] =	wrdreg s3;
	s0 =	sadd.s32 s1, s19;
	s21 =	sshrl.u32 s20, $0x3  }
0x13: {  	s1 =	sshrl.u32 s23, $0x3;
	s26 =	sshrl.u32 s24, $0x3;
	s20 =	simm.s32 $0x5000  }
0x14: {  	s24 =	simm.s32 $0x9000;
	s3 =	simm.s32 $0xA;
	s19 =	simm.s32 $0x0  }
.Ltmp0:
0x15: {  	[dreg:$0x8] =	wrdreg s0;
	s0 =	sadd.s32 s21, s8;
	(pc) =	sbr.rel .LBB2_1-.Ltmp0, $4  }
0x16: {  	s25 =	sadd.s32 s1, s8;
	s21 =	sadd.s32 s26, s8;
	s26 =	simm.s32 $0x3  }
0x17: {  	s1 =	simm.s32 $0x9;
	[dreg:$0x9] =	wrdreg s0;
	s0 =	sshrl.u32 s22, $0x3  }
0x18: {  	[dreg:$0xb] =	wrdreg s25;
	s22 =	simm.s32 $0x7000;
	s0 =	sadd.s32 s0, s8  }
0x19: {  	s25 =	simm.s32 $0x2;
	[dreg:$0xa] =	wrdreg s0;
	s0 =	simm.s32 $0x8  }
.LBB2_4:
0x1a: {  	_ =	swait.ge [sflag:s31], $0x2000  }
0x1b: {  	[sflag:s31] =	ssyncset.done $0x0  }
0x1c: {  	[sflag:s31] =	ssyncadd.s32 $0xFFFFE000  }
0x1d: {  	_ =	swait.ge [sflag:s0], $0x2000  }
0x1e: {  	[sflag:s0] =	ssyncset.done $0x0  }
0x1f: {  	[sflag:s0] =	ssyncadd.s32 $0xFFFFE000  }
0x20: {  	_ =	swait.ge [sflag:s1], $0x2000  }
0x21: {  	[sflag:s1] =	ssyncset.done $0x0  }
0x22: {  	[sflag:s1] =	ssyncadd.s32 $0xFFFFE000  }
0x23: {  	_ =	swait.ge [sflag:s3], $0x2000  }
0x24: {  	[sflag:s3] =	ssyncset.done $0x0  }
0x25: {  	[sflag:s3] =	ssyncadd.s32 $0xFFFFE000  }
0x26: {  	_ =	swait.ge [sflag:s17], $0x2000  }
0x27: {  	s19 =	sadd.s32 $0x1, s19;
	s5 =	rddreg [dreg:$0x7]  }
0x28: {  	p1 =	sne.s32 s19, s5  }
.Ltmp1:
0x29: {  	_ = 	snop;
	(pc) =	sbr.rel @!p1 .LBB2_5-.Ltmp1, $3  }
0x2a: {  	_ =	sdelay $0x1  }
0x2b: {  	[sflag:s17] =	ssyncset.done $0x0  }
0x2c: {  	[sflag:s17] =	ssyncadd.s32 $0xFFFFE000  }
.LBB2_1:
0x2d: {  	s5 =	rddreg [dreg:$0x4]  }
0x2e: {  	[tilespmem:s4], [sflag:$0xC] =	stream.linear.gather [hbm4b:s5+s4], $0xC80, $0x38;
	[tilespmem:$0xD080] =	vst v63  }
0x2f: {  	_ =	swait.ge [sflag:s14], $0xC80  }
0x30: {  	s8 =	simm.s32 @!p0 $0x0;
	s9 =	simm.s32 @!p0 $0xB000;
	[sflag:s14] =	ssyncset.done $0x0  }
0x31: {  	s10 =	simm.s32 @!p0 $0xC;
	s5 =	rddreg [dreg:$0x5];
	[sflag:s14] =	ssyncadd.s32 $0xFFFFF380  }
0x32: {  	[tilespmem:s9], [sflag:$0xC] =	stream.linear.gather @!p0 [hbm4b:s5+s8], $0x80, $0x38;
	[tilespmem:$0xD080] =	vst v63  }
0x33: {  	_ =	swait.ge @!p0 [sflag:s10], $0x80  }
0x34: {  	[sflag:s10] =	ssyncset.done @!p0 $0x0  }
0x35: {  	[sflag:s10] =	ssyncadd.s32 @!p0 $0xFFFFFF80  }
0x36: {  	s11 =	simm.s32 @!p0 $0x40;
	s12 =	simm.s32 @!p0 $0xB080;
	s5 =	rddreg [dreg:$0x2]  }
0x37: {  	[tilespmem:s12], [sflag:$0x1] =	stream.indirect.gather @!p0 [hbm4b:s5+s11], $0x80, s9, s11, $0xb8;
	[tilespmem:$0xD080] =	vst v63  }
0x38: {  	s9 =	simm.s32 @!p0 $0x1  }
0x39: {  	_ =	swait.ge @!p0 [sflag:s9], $0x2000  }
0x3a: {  	[sflag:s9] =	ssyncset.done @!p0 $0x0  }
0x3b: {  	s5 =	rddreg [dreg:$0x6];
	[sflag:s9] =	ssyncadd.s32 @!p0 $0xFFFFE000  }
0x3c: {  	[hbm4b:s5+s8] =	stream.linear.scatter @!p0 [tilespmem:s12], [sflag:$0xC], $0x2000, $0x38;
	[tilespmem:$0xD080] =	vst v63  }
0x3d: {  	_ =	swait.ge @!p0 [sflag:s10], $0x2000  }
0x3e: {  	[sflag:s10] =	ssyncset.done @!p0 $0x0  }
0x3f: {  	[sflag:s10] =	ssyncadd.s32 @!p0 $0xFFFFE000  }
0x40: {  	[tilespmem:s16], [sflag:$0x2] =	stream.indirect.gather [hbm4b:s2+s15], $0x80, s4, s15, $0xb8;
	[tilespmem:$0xD080] =	vst v63  }
0x41: {  	s11 =	simm.s32 $0x80;
	s9 =	rddreg [dreg:$0x8]  }
0x42: {  	[tilespmem:s18], [sflag:$0x3] =	stream.indirect.gather [hbm4b:s2+s15], $0x80, s11, s15, $0xb8;
	[tilespmem:$0xD080] =	vst v63  }
0x43: {  	s12 =	simm.s32 $0x100;
	s10 =	rddreg [dreg:$0x9]  }
0x44: {  	[tilespmem:s20], [sflag:$0x4] =	stream.indirect.gather [hbm4b:s2+s15], $0x80, s12, s15, $0xb8;
	[tilespmem:$0xD080] =	vst v63  }
0x45: {  	s13 =	simm.s32 $0x180;
	s23 =	simm.s32 $0x200;
	s11 =	rddreg [dreg:$0xa]  }
0x46: {  	[tilespmem:s22], [sflag:$0x5] =	stream.indirect.gather [hbm4b:s2+s15], $0x80, s13, s15, $0xb8;
	[tilespmem:$0xD080] =	vst v63  }
0x47: {  	s8 =	simm.s32 $0x0;
	s12 =	rddreg [dreg:$0xb];
	s13 =	smov.u32 s21  }
0x48: {  	[tilespmem:s24], [sflag:$0x6] =	stream.indirect.gather [hbm4b:s2+s15], $0x80, s23, s15, $0xb8;
	[tilespmem:$0xD080] =	vst v63  }
.LBB2_2:
0x49: {  	_ =	swait.ge [sflag:s25], $0x2000  }
0x4a: {  	p1 =	seq.s32 s8, $0x0;
	[sflag:s25] =	ssyncset.done $0x0  }
0x4b: {  	s7 =	simm.s32 @!p1 $0xA;
	[sflag:s25] =	ssyncadd.s32 $0xFFFFE000  }
0x4c: {  	[hbm4b:s9+s4] =	stream.linear.scatter [tilespmem:s16], [sflag:$0x7], $0x2000, $0x38;
	[tilespmem:$0xD080] =	vst v63  }
0x4d: {  	_ =	swait.ge @!p1 [sflag:s7], $0x2000  }
0x4e: {  	[sflag:s7] =	ssyncset.done @!p1 $0x0  }
0x4f: {  	[sflag:s7] =	ssyncadd.s32 @!p1 $0xFFFFE000;
	s7 =	sshra.s32 @!p1 s8, $0x2  }
0x50: {  	s5 =	simm.s32 @!p1 $0x40;
	s23 =	simm.s32 @!p1 $0x7000;
	s6 =	sadd.s32 @!p1 $0x180, s7  }
0x51: {  	[tilespmem:s23], [sflag:$0x5] =	stream.indirect.gather @!p1 [hbm4b:s2+s5], $0x80, s6, s5, $0xb8;
	[tilespmem:$0xD080] =	vst v63  }
0x52: {  	_ =	swait.ge [sflag:s26], $0x2000  }
0x53: {  	[sflag:s26] =	ssyncset.done $0x0  }
0x54: {  	s6 =	simm.s32 @!p1 $0xB;
	[sflag:s26] =	ssyncadd.s32 $0xFFFFE000  }
0x55: {  	[hbm4b:s13+s4] =	stream.linear.scatter [tilespmem:s18], [sflag:$0x8], $0x2000, $0x38;
	[tilespmem:$0xD080] =	vst v63  }
0x56: {  	_ =	swait.ge @!p1 [sflag:s6], $0x2000  }
0x57: {  	[sflag:s6] =	ssyncset.done @!p1 $0x0  }
0x58: {  	[sflag:s6] =	ssyncadd.s32 @!p1 $0xFFFFE000;
	s6 =	sadd.s32 @!p1 $0x200, s7;
	s7 =	simm.s32 @!p1 $0x9000  }
0x59: {  	[tilespmem:s7], [sflag:$0x6] =	stream.indirect.gather @!p1 [hbm4b:s2+s5], $0x80, s6, s5, $0xb8;
	[tilespmem:$0xD080] =	vst v63  }
0x5a: {  	_ =	swait.ge [sflag:s28], $0x2000  }
0x5b: {  	p1 =	seq.s32 s8, $0x2800;
	[sflag:s28] =	ssyncset.done $0x0  }
0x5c: {  	s5 =	simm.s32 @!p1 $0x7;
	[sflag:s28] =	ssyncadd.s32 $0xFFFFE000  }
0x5d: {  	[hbm4b:s12+s4] =	stream.linear.scatter [tilespmem:s20], [sflag:$0x9], $0x2000, $0x38;
	[tilespmem:$0xD080] =	vst v63  }
0x5e: {  	_ =	swait.ge @!p1 [sflag:s5], $0x2000  }
0x5f: {  	[sflag:s5] =	ssyncset.done @!p1 $0x0  }
0x60: {  	[sflag:s5] =	ssyncadd.s32 @!p1 $0xFFFFE000;
	s5 =	sshra.s32 @!p1 s8, $0x2  }
0x61: {  	s7 =	simm.s32 @!p1 $0x40;
	s23 =	simm.s32 @!p1 $0x1000;
	s6 =	sadd.s32 @!p1 $0x280, s5  }
0x62: {  	[tilespmem:s23], [sflag:$0x2] =	stream.indirect.gather @!p1 [hbm4b:s2+s7], $0x80, s6, s7, $0xb8;
	[tilespmem:$0xD080] =	vst v63  }
0x63: {  	_ =	swait.ge [sflag:s29], $0x2000  }
0x64: {  	[sflag:s29] =	ssyncset.done $0x0  }
0x65: {  	s6 =	simm.s32 @!p1 $0x8;
	[sflag:s29] =	ssyncadd.s32 $0xFFFFE000  }
0x66: {  	[hbm4b:s11+s4] =	stream.linear.scatter [tilespmem:s22], [sflag:$0xA], $0x2000, $0x38;
	[tilespmem:$0xD080] =	vst v63  }
0x67: {  	_ =	swait.ge @!p1 [sflag:s6], $0x2000  }
0x68: {  	[sflag:s6] =	ssyncset.done @!p1 $0x0  }
0x69: {  	s5 =	sadd.s32 @!p1 $0x300, s5;
	[sflag:s6] =	ssyncadd.s32 @!p1 $0xFFFFE000;
	s6 =	simm.s32 @!p1 $0x3000  }
0x6a: {  	[tilespmem:s6], [sflag:$0x3] =	stream.indirect.gather @!p1 [hbm4b:s2+s7], $0x80, s5, s7, $0xb8;
	[tilespmem:$0xD080] =	vst v63  }
.Ltmp2:
0x6b: {  	_ = 	snop;
	(pc) =	sbr.rel @p1 .LBB2_4-.Ltmp2, $4  }
0x6c: {  	_ =	swait.ge [sflag:s30], $0x2000  }
0x6d: {  	[sflag:s30] =	ssyncset.done $0x0  }
0x6e: {  	[sflag:s30] =	ssyncadd.s32 $0xFFFFE000  }
0x6f: {  	[hbm4b:s10+s4] =	stream.linear.scatter [tilespmem:s24], [sflag:$0xB], $0x2000, $0x38;
	[tilespmem:$0xD080] =	vst v63  }
.Ltmp3:
0x70: {  	_ =	swait.ge [sflag:s1], $0x2000;
	s5 =	sshra.s32 s8, $0x2;
	(pc) =	sbr.rel .LBB2_2-.Ltmp3, $4  }
0x71: {  	s8 =	sadd.s32 $0xA00, s8;
	s9 =	sadd.s32 $0x1400, s9;
	s10 =	sadd.s32 $0x1400, s10  }
0x72: {  	s11 =	sadd.s32 $0x1400, s11;
	s12 =	sadd.s32 $0x1400, s12;
	[sflag:s1] =	ssyncset.done $0x0  }
0x73: {  	s13 =	sadd.s32 $0x1400, s13;
	s5 =	sadd.s32 $0x380, s5;
	[sflag:s1] =	ssyncadd.s32 $0xFFFFE000  }
0x74: {  	[tilespmem:s20], [sflag:$0x4] =	stream.indirect.gather [hbm4b:s2+s15], $0x80, s5, s15, $0xb8;
	[tilespmem:$0xD080] =	vst v63  }
.LBB2_5:
0x75: {  	_ =	sfence.sel $0x180000  }
0x76: {  	[bflag:$0x0] =	sbarrier.arrive $0xFFFF  }
0x77: {  	_ =	strace $0x90000047  }
0x78: {  	s0 =	stileid.u32;
	[bflag:$0x2] =	sbarrier.arrive $0xFFFF  }
0x79: {  	p0 =	sne.s32 s0, $0x0;
	s0 =	rddreg [dreg:$0x3]  }
0x7a: {  	s0 =	sadd.s32 @!p0 $0x100000, s0  }
0x7b: {  	[sflag:s0] =	ssyncadd.tile.s32 @!p0 $0x1;
	_ =	shalt  }
.Lfunc_end2:
_tile_overlayer_lowered:
.L_overlay_start_2:
0x7c: {  	(tag) =	ssettag $0x2  }
0x7d: {  	s0 =	rddreg [dreg:$0x0];
	s2 =	stileid.u32  }
0x7e: {  	s1 =	rddreg [dreg:$0x1];
	p0 =	sne.s32 s2, $0x0  }
0x7f: {  	s3 =	rddreg [dreg:$0x2];
	[bflag:$0x3] =	sbarrier.arrive $0xFFFF;
	s2 =	simm.s32 @!p0 $0x1C0C  }
0x80: {  	[timem:s3], [sflag:s2] =	dma.local @!p0 [hbm:s0], s1  }
0x81: {  	s0 =	simm.s32 @!p0 $0xC  }
0x82: {  	_ =	swait.ge @!p0 [sflag:s0], s1  }
0x83: {  	s1 =	ssub.s32 @!p0 $0x0, s1;
	[sflag:s0] =	ssyncset.done @!p0 $0x0  }
0x84: {  	[sflag:s0] =	ssyncadd.s32 @!p0 s1  }
0x85: {  	[bflag:$0x3] =	sbarrier.arrive $0xFFFF  }
0x86: {  	_ =	shalt  }

// kernel: kernel.13.cloned.1.call-start
scs
__scs_entry_jumppad:
0x0: {  	(pc) =	sbr.rel $0x88, $3  }
0x1: {  	(tag) =	ssettag $0x0;
	lr =	simm.s32 $0x1  }
0x2: {  	[smem:$0x3F91] =	sst lr;
	_ =	strace $0xD0000000  }
0x3: {  	_ = 	snop  }
0x4: {  	_ = 	snop  }
0x5: {  	_ = 	snop  }
0x6: {  	_ = 	snop  }
0x7: {  	_ = 	snop  }
__scs_overlays_trampoline_lowered:
0x8: {  	[smem:$0x3FA0] =	sst s0  }
0x9: {  	[smem:$0x3FA1] =	sst s1  }
0xa: {  	[smem:$0x3FA2] =	sst s2  }
0xb: {  	[smem:$0x3FA3] =	sst s3  }
0xc: {  	[smem:$0x3FA4] =	sst s4  }
0xd: {  	[smem:$0x3FA5] =	sst s5  }
0xe: {  	[smem:$0x3FA6] =	sst s6  }
0xf: {  	[smem:$0x3FA7] =	sst s7  }
0x10: {  	[smem:$0x3FA8] =	sst s8  }
0x11: {  	[smem:$0x3FA9] =	sst s9;
	s0 =	simm.s32 @!p0 $0x0  }
0x12: {  	s1 =	sld [smem:$0x3F8F];
	s0 =	simm.s32 @p0 $0x1  }
0x13: {  	[smem:$0x3FAA] =	sst s0;
	s0 =	simm.s32 @!p1 $0x0  }
0x14: {  	s2 =	sld [smem:$0x3F8E];
	s0 =	simm.s32 @p1 $0x1  }
0x15: {  	[smem:$0x3FAB] =	sst s0;
	s0 =	simm.s32 @!p2 $0x0  }
0x16: {  	s3 =	sld [smem:$0x3FDB];
	s0 =	simm.s32 @p2 $0x1  }
0x17: {  	s4 =	simm.s32 $0x1BF5;
	[smem:$0x3FAD] =	sst s0  }
0x18: {  	s0 =	sld [smem:$0x3F90];
	_ =	swait.ge [sflag:s4], $0x0  }
0x19: {  	s7 =	sld [smem:$0x3F91]  }
0x1a: {  	s8 =	sadd.s32 $0xFFFFE003, lr  }
0x1b: {  	s9 =	sadd.s32 $0xFFFFFEF7, lr;
	s5 =	simm.s32 $0xFFFFFFFF;
	p2 =	slt.u32 s8, $0xFFFFF086  }
0x1c: {  	p1 =	slt.u32 s9, $0xF7A;
	s5 =	simm.s32 @!p2 $0x0  }
0x1d: {  	s5 =	simm.s32 @p1 $0x1;
	p0 =	seq.s32 s7, s2  }
0x1e: {  	s7 =	smul.u32 @!p0 $0xF7A, s2;
	p2 =	seq.s32 @!p0 s5, $0x0  }
0x1f: {  	s9 =	smul.u32 $0xF7A, s1;
	s8 =	simm.s32 @!p0 $0x1BF5;
	p2 =	por !p2, p0  }
0x20: {  	[sflag:s8] =	ssyncset.s32 @!p0 $0xFFFFF086;
	s6 =	sadd.s32 @!p0 s3, s7;
	s7 =	simm.s32 @!p0 $0x108  }
0x21: {  	s3 =	sadd.s32 s3, s9;
	s6 =	sadd.s32 @!p0 $0x88, s6;
	s7 =	simm.s32 @p2 $0x1082  }
0x22: {  	[simem:s7], [sflag:s8] =	dma.local @!p0 [hbm:s6], $0xF7A  }
0x23: {  	s9 =	sor.u32 $0xD0000000, s2;
	s6 =	simm.s32 $0x108;
	_ =	swait.ge @!p0 [sflag:s8], $0x0  }
0x24: {  	s3 =	sadd.s32 $0x88, s3;
	s6 =	simm.s32 @!p1 $0x1082;
	[sflag:s4] =	ssyncset.s32 $0xFFFFF086  }
0x25: {  	[simem:s6], [sflag:s4] =	dma.local [hbm:s3], $0xF7A  }
0x26: {  	[smem:$0x3F91] =	sst s1;
	(tag) =	ssettag s2;
	_ =	strace s9  }
0x27: {  	s1 =	sld [smem:$0x3FA1]  }
0x28: {  	s2 =	sld [smem:$0x3FA2]  }
0x29: {  	s4 =	sld [smem:$0x3FA4]  }
0x2a: {  	p0 =	seq.s32 s5, $0x0;
	s5 =	sld [smem:$0x3FA5]  }
0x2b: {  	s6 =	sld [smem:$0x3FA6]  }
0x2c: {  	s7 =	sld [smem:$0x3FA7]  }
0x2d: {  	s3 =	simm.s32 $0x108;
	s8 =	sld [smem:$0x3FA8]  }
0x2e: {  	s3 =	simm.s32 @!p0 $0x1082;
	s9 =	sld [smem:$0x3FA9]  }
0x2f: {  	lr =	sadd.s32 s0, s3;
	s0 =	sld [smem:$0x3FA0]  }
0x30: {  	s3 =	sld [smem:$0x3FA3]  }
0x31: {  	[smem:$0x3FAC] =	sst s10  }
0x32: {  	s10 =	sld [smem:$0x3FAA];
	_ =	sdelay $0x3  }
0x33: {  	p0 =	seq.s32 s10, $0x1;
	s10 =	sld [smem:$0x3FAC];
	_ =	sdelay $0x3  }
0x34: {  	[smem:$0x3FAC] =	sst s10  }
0x35: {  	s10 =	sld [smem:$0x3FAB];
	_ =	sdelay $0x3  }
0x36: {  	p1 =	seq.s32 s10, $0x1;
	s10 =	sld [smem:$0x3FAC];
	_ =	sdelay $0x3  }
0x37: {  	[smem:$0x3FAC] =	sst s10  }
0x38: {  	s10 =	sld [smem:$0x3FAD]  }
0x39: {  	_ = 	snop;
	(pc) =	sbr.ind lr, $3  }
0x3a: {  	_ = 	snop  }
0x3b: {  	_ = 	snop  }
0x3c: {  	p2 =	seq.s32 s10, $0x1;
	s10 =	sld [smem:$0x3FAC]  }
0x3d: {  	_ =	shalt  }
0x3e: {  	_ =	shalt  }
0x3f: {  	_ =	shalt  }
0x40: {  	_ =	shalt  }
0x41: {  	_ =	shalt  }
0x42: {  	_ =	shalt  }
0x43: {  	_ =	shalt  }
0x44: {  	_ =	shalt  }
0x45: {  	_ =	shalt  }
0x46: {  	_ =	shalt  }
0x47: {  	_ =	shalt  }
0x48: {  	_ =	shalt  }
0x49: {  	_ =	shalt  }
0x4a: {  	_ =	shalt  }
0x4b: {  	_ =	shalt  }
0x4c: {  	_ =	shalt  }
0x4d: {  	_ =	shalt  }
0x4e: {  	_ =	shalt  }
0x4f: {  	_ =	shalt  }
0x50: {  	_ =	shalt  }
0x51: {  	_ =	shalt  }
0x52: {  	_ =	shalt  }
0x53: {  	_ =	shalt  }
0x54: {  	_ =	shalt  }
0x55: {  	_ =	shalt  }
0x56: {  	_ =	shalt  }
0x57: {  	_ =	shalt  }
0x58: {  	_ =	shalt  }
0x59: {  	_ =	shalt  }
0x5a: {  	_ =	shalt  }
0x5b: {  	_ =	shalt  }
0x5c: {  	_ =	shalt  }
0x5d: {  	_ =	shalt  }
0x5e: {  	_ =	shalt  }
0x5f: {  	_ =	shalt  }
0x60: {  	_ =	shalt  }
0x61: {  	_ =	shalt  }
0x62: {  	_ =	shalt  }
0x63: {  	_ =	shalt  }
0x64: {  	_ =	shalt  }
0x65: {  	_ =	shalt  }
0x66: {  	_ =	shalt  }
0x67: {  	_ =	shalt  }
0x68: {  	_ =	shalt  }
0x69: {  	_ =	shalt  }
0x6a: {  	_ =	shalt  }
0x6b: {  	_ =	shalt  }
0x6c: {  	_ =	shalt  }
0x6d: {  	_ =	shalt  }
0x6e: {  	_ =	shalt  }
0x6f: {  	_ =	shalt  }
0x70: {  	_ =	shalt  }
0x71: {  	_ =	shalt  }
0x72: {  	_ =	shalt  }
0x73: {  	_ =	shalt  }
0x74: {  	_ =	shalt  }
0x75: {  	_ =	shalt  }
0x76: {  	_ =	shalt  }
0x77: {  	_ =	shalt  }
0x78: {  	_ =	shalt  }
0x79: {  	_ =	shalt  }
0x7a: {  	_ =	shalt  }
0x7b: {  	_ =	shalt  }
0x7c: {  	_ =	shalt  }
0x7d: {  	_ =	shalt  }
0x7e: {  	_ =	shalt  }
0x7f: {  	_ =	shalt  }
0x80: {  	_ =	shalt  }
0x81: {  	_ =	shalt  }
0x82: {  	_ =	shalt  }
0x83: {  	_ =	shalt  }
0x84: {  	_ =	shalt  }
0x85: {  	_ =	shalt  }
0x86: {  	_ =	shalt  }
0x87: {  	_ =	shalt  }
.Lfunc_end0:
.L_simem_size_0:
called_computation.1_lowered:
.L_overlay_start_0:
0x88: {  	s2 =	sld [smem:$0x3FD9]  }
0x89: {  	s3 =	sld [smem:$0x3FFE];
	_ =	sdelay $0x1  }
0x8a: {  	s1 =	srdreg.scid  }
0x8b: {  	s0 =	sand.u32 $0x1, s1  }
0x8c: {  	s17 =	sshll.u32 s0, $0xA;
	s2 =	sadd.s32 s3, s2  }
0x8d: {  	s2 =	sadd.s32 s2, s17  }
0x8e: {  	[smem:$0x3FB8] =	sst s2  }
0x8f: {  	_ = 	snop  }
0x90: {  	s18 =	sld [smem:$0x3FC6]  }
0x91: {  	s4 =	sld [smem:$0x3FC5];
	(tm) =	ssettm $0x1  }
0x92: {  	s19 =	sld [smem:$0x3FFB];
	_ =	sdelay $0x3  }
0x93: {  	_ =	strace s19  }
0x94: {  	s2 =	sld [smem:$0x3FFC];
	_ =	sdelay $0x3  }
0x95: {  	_ =	strace s2  }
0x96: {  	s2 =	sld [smem:$0x3FFD];
	_ =	sdelay $0x3  }
0x97: {  	_ =	strace s2  }
0x98: {  	_ =	strace $0x8FFFFFFF  }
0x99: {  	s20 =	sld [smem:$0x3FDB];
	_ =	sdelay $0x1  }
0x9a: {  	s5 =	simm.s32 $_scs_section_size  }
0x9b: {  	s6 =	simm.s32 $_size__tile_overlayer_lowered;
	s7 =	simm.s32 $_tile_overlayer_lowered  }
0x9c: {  	s8 =	simm.s32 $0x1BFF;
	s21 =	sshll.u32 s7, $0x1;
	s5 =	sadd.s32 s5, s20  }
0x9d: {  	s22 =	simm.s32 $0x0;
	s6 =	sshll.u32 s6, $0x1;
	s7 =	sadd.s32 s21, s5  }
0x9e: {  	[timem:s22], [sflag:s8] =	dma.local [hbm:s7], s6  }
0x9f: {  	_ =	swait.ge [sflag:s8], s6  }
0xa0: {  	s6 =	ssub.s32 $0x0, s6;
	[sflag:s8] =	ssyncset.done $0x0  }
0xa1: {  	[sflag:s8] =	ssyncadd.s32 s6;
	_ =	sdelay $0x1  }
0xa2: {  	s23 =	simm.s32 $0x1B8B  }
0xa3: {  	_ =	swait.ge [sflag:s23], $0x1  }
0xa4: {  	[sflag:s23] =	ssyncset.done $0x0  }
0xa5: {  	[sflag:s23] =	ssyncadd.s32 $0xFFFFFFFF  }
0xa6: {  	s6 =	sld [smem:$0x0]  }
0xa7: {  	s7 =	sand.u32 $0xFFFFFFFE, s1  }
0xa8: {  	p0 =	sne.s32 s1, s7  }
0xa9: {  	s7 =	sshll.u32 @p0 s7, $0xE  }
0xaa: {  	s7 =	sadd.s32 @p0 $0x11B8D, s7;
	s8 =	sshll.u32 @p0 s6, $0x11  }
0xab: {  	s7 =	sor.u32 @p0 s8, s7  }
0xac: {  	[sflag:s7] =	ssyncadd.remote.s32 @p0 $0x1;
	_ =	sdelay $0x1  }
0xad: {  	s7 =	simm.s32 @p0 $0x1B8D  }
0xae: {  	_ =	swait.eq @p0 [sflag:s7], $0x1  }
0xaf: {  	[sflag:s7] =	ssyncadd.s32 @p0 $0xFFFFFFFF  }
0xb0: {  	s8 =	sshll.u32 @!p0 s1, $0xE  }
0xb1: {  	s8 =	sor.u32 @!p0 $0x4000, s8;
	s7 =	simm.s32 @!p0 $0x1B8D  }
0xb2: {  	s6 =	sshll.u32 @!p0 s6, $0x11;
	s8 =	sadd.s32 @!p0 $0x11B8D, s8;
	_ =	swait.eq @!p0 [sflag:s7], $0x1  }
0xb3: {  	s6 =	sor.u32 @!p0 s6, s8;
	[sflag:s7] =	ssyncadd.s32 @!p0 $0xFFFFFFFF  }
0xb4: {  	s25 =	simm.s32 $0x1B8E;
	s24 =	sld [smem:$0x3FFE];
	[sflag:s6] =	ssyncadd.remote.s32 @!p0 $0x1  }
0xb5: {  	s26 =	simm.s32 $execute0_lowered;
	[smem:$0x3FD2] =	sst s25  }
0xb6: {  	s7 =	sshll.u32 s26, $0x1;
	_ =	strace $0x80000049;
	[dreg:$0x1] =	wrdreg $0xFFFFFFFF  }
0xb7: {  	s28 =	simm.s32 $_size_execute0_lowered;
	s5 =	sadd.s32 s5, s7;
	[dreg:$0x0] =	wrdreg $0x0  }
0xb8: {  	s7 =	sshll.u32 s28, $0x1;
	[dreg:$0x2] =	wrdreg s5  }
0xb9: {  	[dreg:$0x3] =	wrdreg s7  }
0xba: {  	[dreg:$0x4] =	wrdreg $0xC0  }
0xbb: {  	_ =	task [dreg:s22], $0x5FFFF  }
0xbc: {  	[dreg:$0x1] =	wrdreg $0xFFFFFFFF  }
0xbd: {  	[dreg:$0x0] =	wrdreg $0x60  }
0xbe: {  	[dreg:$0x2] =	wrdreg s24  }
0xbf: {  	[dreg:$0x3] =	wrdreg s18  }
0xc0: {  	[dreg:$0x4] =	wrdreg s4  }
0xc1: {  	[dreg:$0x5] =	wrdreg $0xA  }
0xc2: {  	_ =	task.clear_ibuf [dreg:s22], $0x6FFFF;
	_ =	strace $0x90000049  }
0xc3: {  	s29 =	simm.s32 $0xA;
	_ =	strace $0x8000004B  }
0xc4: {  	_ =	swait.ge [sflag:s29], $0x1  }
0xc5: {  	[sflag:s29] =	ssyncadd.s32 $0xFFFFFFFF  }
0xc6: {  	_ =	strace $0x9000004B  }
0xc7: {  	_ =	sfence  }
0xc8: {  	s30 =	sld [smem:$0x0];
	_ =	sdelay $0x2  }
0xc9: {  	s31 =	sshll.u32 s1, $0xD;
	s1 =	sshrl.u32 s1, $0x2  }
0xca: {  	s4 =	sand.u32 $0x4000, s31;
	s1 =	sadd.s32 s1, s30  }
0xcb: {  	s0 =	sor.u32 s4, s0;
	s1 =	sshll.u32 s1, $0x11  }
0xcc: {  	s0 =	sor.u32 s1, s0  }
0xcd: {  	s0 =	sadd.s32 $0x8F2B, s0  }
0xce: {  	[sflag:s0] =	ssyncadd.remote.s32 $0x1  }
0xcf: {  	_ =	sfence.sel $0xFFFF  }
0xd0: {  	[dreg:$0x0] =	wrdreg $0xFFFFFFFF;
	(pc) =	sbr.abs _section_cstart, $3  }
0xd1: {  	[dreg:$0x1] =	wrdreg $0xFFFFFFFF  }
0xd2: {  	_ =	task.clear_ibuf [dreg:s22], $0x2FFFF;
	_ =	strace $0x9FFFFFFF  }
0xd3: {  	(tm) =	ssettm $0x7FFFFFFF  }
tec
execute0_lowered:
.L_overlay_start_1:
0x0: {  	(tag) =	ssettag $0x1  }
0x1: {  	s0 =	rddreg [dreg:$0x0]  }
0x2: {  	s2 =	rddreg [dreg:$0x1]  }
0x3: {  	s1 =	srdreg.scid;
	s11 =	stileid.u32;
	s4 =	simm.s32 $0x0  }
0x4: {  	s14 =	simm.s32 $0xC;
	s15 =	simm.s32 $0x40;
	s16 =	simm.s32 $0x1000  }
0x5: {  	s28 =	simm.s32 $0x4;
	s29 =	simm.s32 $0x5;
	s30 =	simm.s32 $0x6  }
0x6: {  	s31 =	simm.s32 $0x7;
	s1 =	sand.u32 $0x1, s1;
	s3 =	sshll.u32 s11, $0x1  }
0x7: {  	[smem:$0x7FF] =	sst s4;
	s8 =	sadd.s32 $0xD8E00, s0;
	s9 =	smul.u32 $0x64000, s11  }
0x8: {  	s18 =	smul.u32 $0xC800, s11;
	p0 =	sgt.u32 s11, $0x1;
	s3 =	sor.u32 s1, s3  }
0x9: {  	_ =	strace $0x8000004A;
	s7 =	ssub.s32 $0x2, s1;
	s10 =	smul.u32 $0x32000, s1  }
0xa: {  	s1 =	smul.u32 $0x6400, s1;
	s5 =	sshll.u32 s3, $0x9;
	s6 =	sshll.u32 s3, $0x4  }
0xb: {  	s3 =	sshll.u32 s3, $0xA;
	s17 =	sshrl.u32 s7, $0x1;
	s19 =	sadd.s32 s18, s8  }
0xc: {  	s18 =	simm.s32 $0x3000;
	s5 =	sadd.s32 s5, s0;
	s6 =	sadd.s32 s6, s0  }
0xd: {  	s0 =	sadd.s32 s3, s0;
	s3 =	ssub.s32 s7, s17;
	s9 =	sadd.s32 s10, s9  }
0xe: {  	s17 =	simm.s32 $0xB;
	s5 =	sadd.s32 $0xD3C00, s5;
	s6 =	sadd.s32 $0xD7C00, s6  }
0xf: {  	s0 =	sadd.s32 $0xD7E00, s0;
	s20 =	sadd.s32 $0x8000, s9;
	[dreg:$0x4] =	wrdreg s5  }
0x10: {  	s3 =	smax.u32 s3, $0x1;
	s22 =	sadd.s32 $0x6000, s9;
	[dreg:$0x5] =	wrdreg s6  }
0x11: {  	s23 =	sadd.s32 $0x4000, s9;
	s24 =	sadd.s32 $0x2000, s9;
	[dreg:$0x6] =	wrdreg s0  }
0x12: {  	[dreg:$0x7] =	wrdreg s3;
	s0 =	sadd.s32 s1, s19;
	s21 =	sshrl.u32 s20, $0x3  }
0x13: {  	s1 =	sshrl.u32 s23, $0x3;
	s26 =	sshrl.u32 s24, $0x3;
	s20 =	simm.s32 $0x5000  }
0x14: {  	s24 =	simm.s32 $0x9000;
	s3 =	simm.s32 $0xA;
	s19 =	simm.s32 $0x0  }
.Ltmp0:
0x15: {  	[dreg:$0x8] =	wrdreg s0;
	s0 =	sadd.s32 s21, s8;
	(pc) =	sbr.rel .LBB2_1-.Ltmp0, $4  }
0x16: {  	s25 =	sadd.s32 s1, s8;
	s21 =	sadd.s32 s26, s8;
	s26 =	simm.s32 $0x3  }
0x17: {  	s1 =	simm.s32 $0x9;
	[dreg:$0x9] =	wrdreg s0;
	s0 =	sshrl.u32 s22, $0x3  }
0x18: {  	[dreg:$0xb] =	wrdreg s25;
	s22 =	simm.s32 $0x7000;
	s0 =	sadd.s32 s0, s8  }
0x19: {  	s25 =	simm.s32 $0x2;
	[dreg:$0xa] =	wrdreg s0;
	s0 =	simm.s32 $0x8  }
.LBB2_4:
0x1a: {  	_ =	swait.ge [sflag:s31], $0x2000  }
0x1b: {  	[sflag:s31] =	ssyncset.done $0x0  }
0x1c: {  	[sflag:s31] =	ssyncadd.s32 $0xFFFFE000  }
0x1d: {  	_ =	swait.ge [sflag:s0], $0x2000  }
0x1e: {  	[sflag:s0] =	ssyncset.done $0x0  }
0x1f: {  	[sflag:s0] =	ssyncadd.s32 $0xFFFFE000  }
0x20: {  	_ =	swait.ge [sflag:s1], $0x2000  }
0x21: {  	[sflag:s1] =	ssyncset.done $0x0  }
0x22: {  	[sflag:s1] =	ssyncadd.s32 $0xFFFFE000  }
0x23: {  	_ =	swait.ge [sflag:s3], $0x2000  }
0x24: {  	[sflag:s3] =	ssyncset.done $0x0  }
0x25: {  	[sflag:s3] =	ssyncadd.s32 $0xFFFFE000  }
0x26: {  	_ =	swait.ge [sflag:s17], $0x2000  }
0x27: {  	s19 =	sadd.s32 $0x1, s19;
	s5 =	rddreg [dreg:$0x7]  }
0x28: {  	p1 =	sne.s32 s19, s5  }
.Ltmp1:
0x29: {  	_ = 	snop;
	(pc) =	sbr.rel @!p1 .LBB2_5-.Ltmp1, $3  }
0x2a: {  	_ =	sdelay $0x1  }
0x2b: {  	[sflag:s17] =	ssyncset.done $0x0  }
0x2c: {  	[sflag:s17] =	ssyncadd.s32 $0xFFFFE000  }
.LBB2_1:
0x2d: {  	s5 =	rddreg [dreg:$0x4]  }
0x2e: {  	[tilespmem:s4], [sflag:$0xC] =	stream.linear.gather [hbm4b:s5+s4], $0xC80, $0x38;
	[tilespmem:$0xD080] =	vst v63  }
0x2f: {  	_ =	swait.ge [sflag:s14], $0xC80  }
0x30: {  	s8 =	simm.s32 @!p0 $0x0;
	s9 =	simm.s32 @!p0 $0xB000;
	[sflag:s14] =	ssyncset.done $0x0  }
0x31: {  	s10 =	simm.s32 @!p0 $0xC;
	s5 =	rddreg [dreg:$0x5];
	[sflag:s14] =	ssyncadd.s32 $0xFFFFF380  }
0x32: {  	[tilespmem:s9], [sflag:$0xC] =	stream.linear.gather @!p0 [hbm4b:s5+s8], $0x80, $0x38;
	[tilespmem:$0xD080] =	vst v63  }
0x33: {  	_ =	swait.ge @!p0 [sflag:s10], $0x80  }
0x34: {  	[sflag:s10] =	ssyncset.done @!p0 $0x0  }
0x35: {  	[sflag:s10] =	ssyncadd.s32 @!p0 $0xFFFFFF80  }
0x36: {  	s11 =	simm.s32 @!p0 $0x40;
	s12 =	simm.s32 @!p0 $0xB080;
	s5 =	rddreg [dreg:$0x2]  }
0x37: {  	[tilespmem:s12], [sflag:$0x1] =	stream.indirect.gather @!p0 [hbm4b:s5+s11], $0x80, s9, s11, $0xb8;
	[tilespmem:$0xD080] =	vst v63  }
0x38: {  	s9 =	simm.s32 @!p0 $0x1  }
0x39: {  	_ =	swait.ge @!p0 [sflag:s9], $0x2000  }
0x3a: {  	[sflag:s9] =	ssyncset.done @!p0 $0x0  }
0x3b: {  	s5 =	rddreg [dreg:$0x6];
	[sflag:s9] =	ssyncadd.s32 @!p0 $0xFFFFE000  }
0x3c: {  	[hbm4b:s5+s8] =	stream.linear.scatter @!p0 [tilespmem:s12], [sflag:$0xC], $0x2000, $0x38;
	[tilespmem:$0xD080] =	vst v63  }
0x3d: {  	_ =	swait.ge @!p0 [sflag:s10], $0x2000  }
0x3e: {  	[sflag:s10] =	ssyncset.done @!p0 $0x0  }
0x3f: {  	[sflag:s10] =	ssyncadd.s32 @!p0 $0xFFFFE000  }
0x40: {  	[tilespmem:s16], [sflag:$0x2] =	stream.indirect.gather [hbm4b:s2+s15], $0x80, s4, s15, $0xb8;
	[tilespmem:$0xD080] =	vst v63  }
0x41: {  	s11 =	simm.s32 $0x80;
	s9 =	rddreg [dreg:$0x8]  }
0x42: {  	[tilespmem:s18], [sflag:$0x3] =	stream.indirect.gather [hbm4b:s2+s15], $0x80, s11, s15, $0xb8;
	[tilespmem:$0xD080] =	vst v63  }
0x43: {  	s12 =	simm.s32 $0x100;
	s10 =	rddreg [dreg:$0x9]  }
0x44: {  	[tilespmem:s20], [sflag:$0x4] =	stream.indirect.gather [hbm4b:s2+s15], $0x80, s12, s15, $0xb8;
	[tilespmem:$0xD080] =	vst v63  }
0x45: {  	s13 =	simm.s32 $0x180;
	s23 =	simm.s32 $0x200;
	s11 =	rddreg [dreg:$0xa]  }
0x46: {  	[tilespmem:s22], [sflag:$0x5] =	stream.indirect.gather [hbm4b:s2+s15], $0x80, s13, s15, $0xb8;
	[tilespmem:$0xD080] =	vst v63  }
0x47: {  	s8 =	simm.s32 $0x0;
	s12 =	rddreg [dreg:$0xb];
	s13 =	smov.u32 s21  }
0x48: {  	[tilespmem:s24], [sflag:$0x6] =	stream.indirect.gather [hbm4b:s2+s15], $0x80, s23, s15, $0xb8;
	[tilespmem:$0xD080] =	vst v63  }
.LBB2_2:
0x49: {  	_ =	swait.ge [sflag:s25], $0x2000  }
0x4a: {  	p1 =	seq.s32 s8, $0x0;
	[sflag:s25] =	ssyncset.done $0x0  }
0x4b: {  	s7 =	simm.s32 @!p1 $0xA;
	[sflag:s25] =	ssyncadd.s32 $0xFFFFE000  }
0x4c: {  	[hbm4b:s9+s4] =	stream.linear.scatter [tilespmem:s16], [sflag:$0x7], $0x2000, $0x38;
	[tilespmem:$0xD080] =	vst v63  }
0x4d: {  	_ =	swait.ge @!p1 [sflag:s7], $0x2000  }
0x4e: {  	[sflag:s7] =	ssyncset.done @!p1 $0x0  }
0x4f: {  	[sflag:s7] =	ssyncadd.s32 @!p1 $0xFFFFE000;
	s7 =	sshra.s32 @!p1 s8, $0x2  }
0x50: {  	s5 =	simm.s32 @!p1 $0x40;
	s23 =	simm.s32 @!p1 $0x7000;
	s6 =	sadd.s32 @!p1 $0x180, s7  }
0x51: {  	[tilespmem:s23], [sflag:$0x5] =	stream.indirect.gather @!p1 [hbm4b:s2+s5], $0x80, s6, s5, $0xb8;
	[tilespmem:$0xD080] =	vst v63  }
0x52: {  	_ =	swait.ge [sflag:s26], $0x2000  }
0x53: {  	[sflag:s26] =	ssyncset.done $0x0  }
0x54: {  	s6 =	simm.s32 @!p1 $0xB;
	[sflag:s26] =	ssyncadd.s32 $0xFFFFE000  }
0x55: {  	[hbm4b:s13+s4] =	stream.linear.scatter [tilespmem:s18], [sflag:$0x8], $0x2000, $0x38;
	[tilespmem:$0xD080] =	vst v63  }
0x56: {  	_ =	swait.ge @!p1 [sflag:s6], $0x2000  }
0x57: {  	[sflag:s6] =	ssyncset.done @!p1 $0x0  }
0x58: {  	[sflag:s6] =	ssyncadd.s32 @!p1 $0xFFFFE000;
	s6 =	sadd.s32 @!p1 $0x200, s7;
	s7 =	simm.s32 @!p1 $0x9000  }
0x59: {  	[tilespmem:s7], [sflag:$0x6] =	stream.indirect.gather @!p1 [hbm4b:s2+s5], $0x80, s6, s5, $0xb8;
	[tilespmem:$0xD080] =	vst v63  }
0x5a: {  	_ =	swait.ge [sflag:s28], $0x2000  }
0x5b: {  	p1 =	seq.s32 s8, $0x2800;
	[sflag:s28] =	ssyncset.done $0x0  }
0x5c: {  	s5 =	simm.s32 @!p1 $0x7;
	[sflag:s28] =	ssyncadd.s32 $0xFFFFE000  }
0x5d: {  	[hbm4b:s12+s4] =	stream.linear.scatter [tilespmem:s20], [sflag:$0x9], $0x2000, $0x38;
	[tilespmem:$0xD080] =	vst v63  }
0x5e: {  	_ =	swait.ge @!p1 [sflag:s5], $0x2000  }
0x5f: {  	[sflag:s5] =	ssyncset.done @!p1 $0x0  }
0x60: {  	[sflag:s5] =	ssyncadd.s32 @!p1 $0xFFFFE000;
	s5 =	sshra.s32 @!p1 s8, $0x2  }
0x61: {  	s7 =	simm.s32 @!p1 $0x40;
	s23 =	simm.s32 @!p1 $0x1000;
	s6 =	sadd.s32 @!p1 $0x280, s5  }
0x62: {  	[tilespmem:s23], [sflag:$0x2] =	stream.indirect.gather @!p1 [hbm4b:s2+s7], $0x80, s6, s7, $0xb8;
	[tilespmem:$0xD080] =	vst v63  }
0x63: {  	_ =	swait.ge [sflag:s29], $0x2000  }
0x64: {  	[sflag:s29] =	ssyncset.done $0x0  }
0x65: {  	s6 =	simm.s32 @!p1 $0x8;
	[sflag:s29] =	ssyncadd.s32 $0xFFFFE000  }
0x66: {  	[hbm4b:s11+s4] =	stream.linear.scatter [tilespmem:s22], [sflag:$0xA], $0x2000, $0x38;
	[tilespmem:$0xD080] =	vst v63  }
0x67: {  	_ =	swait.ge @!p1 [sflag:s6], $0x2000  }
0x68: {  	[sflag:s6] =	ssyncset.done @!p1 $0x0  }
0x69: {  	s5 =	sadd.s32 @!p1 $0x300, s5;
	[sflag:s6] =	ssyncadd.s32 @!p1 $0xFFFFE000;
	s6 =	simm.s32 @!p1 $0x3000  }
0x6a: {  	[tilespmem:s6], [sflag:$0x3] =	stream.indirect.gather @!p1 [hbm4b:s2+s7], $0x80, s5, s7, $0xb8;
	[tilespmem:$0xD080] =	vst v63  }
.Ltmp2:
0x6b: {  	_ = 	snop;
	(pc) =	sbr.rel @p1 .LBB2_4-.Ltmp2, $4  }
0x6c: {  	_ =	swait.ge [sflag:s30], $0x2000  }
0x6d: {  	[sflag:s30] =	ssyncset.done $0x0  }
0x6e: {  	[sflag:s30] =	ssyncadd.s32 $0xFFFFE000  }
0x6f: {  	[hbm4b:s10+s4] =	stream.linear.scatter [tilespmem:s24], [sflag:$0xB], $0x2000, $0x38;
	[tilespmem:$0xD080] =	vst v63  }
.Ltmp3:
0x70: {  	_ =	swait.ge [sflag:s1], $0x2000;
	s5 =	sshra.s32 s8, $0x2;
	(pc) =	sbr.rel .LBB2_2-.Ltmp3, $4  }
0x71: {  	s8 =	sadd.s32 $0xA00, s8;
	s9 =	sadd.s32 $0x1400, s9;
	s10 =	sadd.s32 $0x1400, s10  }
0x72: {  	s11 =	sadd.s32 $0x1400, s11;
	s12 =	sadd.s32 $0x1400, s12;
	[sflag:s1] =	ssyncset.done $0x0  }
0x73: {  	s13 =	sadd.s32 $0x1400, s13;
	s5 =	sadd.s32 $0x380, s5;
	[sflag:s1] =	ssyncadd.s32 $0xFFFFE000  }
0x74: {  	[tilespmem:s20], [sflag:$0x4] =	stream.indirect.gather [hbm4b:s2+s15], $0x80, s5, s15, $0xb8;
	[tilespmem:$0xD080] =	vst v63  }
.LBB2_5:
0x75: {  	_ =	sfence.sel $0x180000  }
0x76: {  	[bflag:$0x0] =	sbarrier.arrive $0xFFFF  }
0x77: {  	_ =	strace $0x9000004A  }
0x78: {  	s0 =	stileid.u32;
	[bflag:$0x2] =	sbarrier.arrive $0xFFFF  }
0x79: {  	p0 =	sne.s32 s0, $0x0;
	s0 =	rddreg [dreg:$0x3]  }
0x7a: {  	s0 =	sadd.s32 @!p0 $0x100000, s0  }
0x7b: {  	[sflag:s0] =	ssyncadd.tile.s32 @!p0 $0x1;
	_ =	shalt  }
.Lfunc_end2:
_tile_overlayer_lowered:
.L_overlay_start_2:
0x7c: {  	(tag) =	ssettag $0x2  }
0x7d: {  	s0 =	rddreg [dreg:$0x0];
	s2 =	stileid.u32  }
0x7e: {  	s1 =	rddreg [dreg:$0x1];
	p0 =	sne.s32 s2, $0x0  }
0x7f: {  	s3 =	rddreg [dreg:$0x2];
	[bflag:$0x3] =	sbarrier.arrive $0xFFFF;
	s2 =	simm.s32 @!p0 $0x1C0C  }
0x80: {  	[timem:s3], [sflag:s2] =	dma.local @!p0 [hbm:s0], s1  }
0x81: {  	s0 =	simm.s32 @!p0 $0xC  }
0x82: {  	_ =	swait.ge @!p0 [sflag:s0], s1  }
0x83: {  	s1 =	ssub.s32 @!p0 $0x0, s1;
	[sflag:s0] =	ssyncset.done @!p0 $0x0  }
0x84: {  	[sflag:s0] =	ssyncadd.s32 @!p0 s1  }
0x85: {  	[bflag:$0x3] =	sbarrier.arrive $0xFFFF  }
0x86: {  	_ =	shalt  }

// kernel: kernel.16.cloned.1.call-start
scs
__scs_entry_jumppad:
0x0: {  	(pc) =	sbr.rel $0x88, $3  }
0x1: {  	(tag) =	ssettag $0x0;
	lr =	simm.s32 $0x1  }
0x2: {  	[smem:$0x3F91] =	sst lr;
	_ =	strace $0xD0000000  }
0x3: {  	_ = 	snop  }
0x4: {  	_ = 	snop  }
0x5: {  	_ = 	snop  }
0x6: {  	_ = 	snop  }
0x7: {  	_ = 	snop  }
__scs_overlays_trampoline_lowered:
0x8: {  	[smem:$0x3FA0] =	sst s0  }
0x9: {  	[smem:$0x3FA1] =	sst s1  }
0xa: {  	[smem:$0x3FA2] =	sst s2  }
0xb: {  	[smem:$0x3FA3] =	sst s3  }
0xc: {  	[smem:$0x3FA4] =	sst s4  }
0xd: {  	[smem:$0x3FA5] =	sst s5  }
0xe: {  	[smem:$0x3FA6] =	sst s6  }
0xf: {  	[smem:$0x3FA7] =	sst s7  }
0x10: {  	[smem:$0x3FA8] =	sst s8  }
0x11: {  	[smem:$0x3FA9] =	sst s9;
	s0 =	simm.s32 @!p0 $0x0  }
0x12: {  	s1 =	sld [smem:$0x3F8F];
	s0 =	simm.s32 @p0 $0x1  }
0x13: {  	[smem:$0x3FAA] =	sst s0;
	s0 =	simm.s32 @!p1 $0x0  }
0x14: {  	s2 =	sld [smem:$0x3F8E];
	s0 =	simm.s32 @p1 $0x1  }
0x15: {  	[smem:$0x3FAB] =	sst s0;
	s0 =	simm.s32 @!p2 $0x0  }
0x16: {  	s3 =	sld [smem:$0x3FDB];
	s0 =	simm.s32 @p2 $0x1  }
0x17: {  	s4 =	simm.s32 $0x1BF5;
	[smem:$0x3FAD] =	sst s0  }
0x18: {  	s0 =	sld [smem:$0x3F90];
	_ =	swait.ge [sflag:s4], $0x0  }
0x19: {  	s7 =	sld [smem:$0x3F91]  }
0x1a: {  	s8 =	sadd.s32 $0xFFFFE003, lr  }
0x1b: {  	s9 =	sadd.s32 $0xFFFFFEF7, lr;
	s5 =	simm.s32 $0xFFFFFFFF;
	p2 =	slt.u32 s8, $0xFFFFF086  }
0x1c: {  	p1 =	slt.u32 s9, $0xF7A;
	s5 =	simm.s32 @!p2 $0x0  }
0x1d: {  	s5 =	simm.s32 @p1 $0x1;
	p0 =	seq.s32 s7, s2  }
0x1e: {  	s7 =	smul.u32 @!p0 $0xF7A, s2;
	p2 =	seq.s32 @!p0 s5, $0x0  }
0x1f: {  	s9 =	smul.u32 $0xF7A, s1;
	s8 =	simm.s32 @!p0 $0x1BF5;
	p2 =	por !p2, p0  }
0x20: {  	[sflag:s8] =	ssyncset.s32 @!p0 $0xFFFFF086;
	s6 =	sadd.s32 @!p0 s3, s7;
	s7 =	simm.s32 @!p0 $0x108  }
0x21: {  	s3 =	sadd.s32 s3, s9;
	s6 =	sadd.s32 @!p0 $0x88, s6;
	s7 =	simm.s32 @p2 $0x1082  }
0x22: {  	[simem:s7], [sflag:s8] =	dma.local @!p0 [hbm:s6], $0xF7A  }
0x23: {  	s9 =	sor.u32 $0xD0000000, s2;
	s6 =	simm.s32 $0x108;
	_ =	swait.ge @!p0 [sflag:s8], $0x0  }
0x24: {  	s3 =	sadd.s32 $0x88, s3;
	s6 =	simm.s32 @!p1 $0x1082;
	[sflag:s4] =	ssyncset.s32 $0xFFFFF086  }
0x25: {  	[simem:s6], [sflag:s4] =	dma.local [hbm:s3], $0xF7A  }
0x26: {  	[smem:$0x3F91] =	sst s1;
	(tag) =	ssettag s2;
	_ =	strace s9  }
0x27: {  	s1 =	sld [smem:$0x3FA1]  }
0x28: {  	s2 =	sld [smem:$0x3FA2]  }
0x29: {  	s4 =	sld [smem:$0x3FA4]  }
0x2a: {  	p0 =	seq.s32 s5, $0x0;
	s5 =	sld [smem:$0x3FA5]  }
0x2b: {  	s6 =	sld [smem:$0x3FA6]  }
0x2c: {  	s7 =	sld [smem:$0x3FA7]  }
0x2d: {  	s3 =	simm.s32 $0x108;
	s8 =	sld [smem:$0x3FA8]  }
0x2e: {  	s3 =	simm.s32 @!p0 $0x1082;
	s9 =	sld [smem:$0x3FA9]  }
0x2f: {  	lr =	sadd.s32 s0, s3;
	s0 =	sld [smem:$0x3FA0]  }
0x30: {  	s3 =	sld [smem:$0x3FA3]  }
0x31: {  	[smem:$0x3FAC] =	sst s10  }
0x32: {  	s10 =	sld [smem:$0x3FAA];
	_ =	sdelay $0x3  }
0x33: {  	p0 =	seq.s32 s10, $0x1;
	s10 =	sld [smem:$0x3FAC];
	_ =	sdelay $0x3  }
0x34: {  	[smem:$0x3FAC] =	sst s10  }
0x35: {  	s10 =	sld [smem:$0x3FAB];
	_ =	sdelay $0x3  }
0x36: {  	p1 =	seq.s32 s10, $0x1;
	s10 =	sld [smem:$0x3FAC];
	_ =	sdelay $0x3  }
0x37: {  	[smem:$0x3FAC] =	sst s10  }
0x38: {  	s10 =	sld [smem:$0x3FAD]  }
0x39: {  	_ = 	snop;
	(pc) =	sbr.ind lr, $3  }
0x3a: {  	_ = 	snop  }
0x3b: {  	_ = 	snop  }
0x3c: {  	p2 =	seq.s32 s10, $0x1;
	s10 =	sld [smem:$0x3FAC]  }
0x3d: {  	_ =	shalt  }
0x3e: {  	_ =	shalt  }
0x3f: {  	_ =	shalt  }
0x40: {  	_ =	shalt  }
0x41: {  	_ =	shalt  }
0x42: {  	_ =	shalt  }
0x43: {  	_ =	shalt  }
0x44: {  	_ =	shalt  }
0x45: {  	_ =	shalt  }
0x46: {  	_ =	shalt  }
0x47: {  	_ =	shalt  }
0x48: {  	_ =	shalt  }
0x49: {  	_ =	shalt  }
0x4a: {  	_ =	shalt  }
0x4b: {  	_ =	shalt  }
0x4c: {  	_ =	shalt  }
0x4d: {  	_ =	shalt  }
0x4e: {  	_ =	shalt  }
0x4f: {  	_ =	shalt  }
0x50: {  	_ =	shalt  }
0x51: {  	_ =	shalt  }
0x52: {  	_ =	shalt  }
0x53: {  	_ =	shalt  }
0x54: {  	_ =	shalt  }
0x55: {  	_ =	shalt  }
0x56: {  	_ =	shalt  }
0x57: {  	_ =	shalt  }
0x58: {  	_ =	shalt  }
0x59: {  	_ =	shalt  }
0x5a: {  	_ =	shalt  }
0x5b: {  	_ =	shalt  }
0x5c: {  	_ =	shalt  }
0x5d: {  	_ =	shalt  }
0x5e: {  	_ =	shalt  }
0x5f: {  	_ =	shalt  }
0x60: {  	_ =	shalt  }
0x61: {  	_ =	shalt  }
0x62: {  	_ =	shalt  }
0x63: {  	_ =	shalt  }
0x64: {  	_ =	shalt  }
0x65: {  	_ =	shalt  }
0x66: {  	_ =	shalt  }
0x67: {  	_ =	shalt  }
0x68: {  	_ =	shalt  }
0x69: {  	_ =	shalt  }
0x6a: {  	_ =	shalt  }
0x6b: {  	_ =	shalt  }
0x6c: {  	_ =	shalt  }
0x6d: {  	_ =	shalt  }
0x6e: {  	_ =	shalt  }
0x6f: {  	_ =	shalt  }
0x70: {  	_ =	shalt  }
0x71: {  	_ =	shalt  }
0x72: {  	_ =	shalt  }
0x73: {  	_ =	shalt  }
0x74: {  	_ =	shalt  }
0x75: {  	_ =	shalt  }
0x76: {  	_ =	shalt  }
0x77: {  	_ =	shalt  }
0x78: {  	_ =	shalt  }
0x79: {  	_ =	shalt  }
0x7a: {  	_ =	shalt  }
0x7b: {  	_ =	shalt  }
0x7c: {  	_ =	shalt  }
0x7d: {  	_ =	shalt  }
0x7e: {  	_ =	shalt  }
0x7f: {  	_ =	shalt  }
0x80: {  	_ =	shalt  }
0x81: {  	_ =	shalt  }
0x82: {  	_ =	shalt  }
0x83: {  	_ =	shalt  }
0x84: {  	_ =	shalt  }
0x85: {  	_ =	shalt  }
0x86: {  	_ =	shalt  }
0x87: {  	_ =	shalt  }
.Lfunc_end0:
.L_simem_size_0:
called_computation.2_lowered:
.L_overlay_start_0:
0x88: {  	s2 =	sld [smem:$0x3FD9]  }
0x89: {  	s3 =	sld [smem:$0x3FFE];
	_ =	sdelay $0x1  }
0x8a: {  	s1 =	srdreg.scid  }
0x8b: {  	s0 =	sand.u32 $0x1, s1  }
0x8c: {  	s17 =	sshll.u32 s0, $0xA;
	s2 =	sadd.s32 s3, s2  }
0x8d: {  	s2 =	sadd.s32 s2, s17  }
0x8e: {  	[smem:$0x3FB8] =	sst s2  }
0x8f: {  	_ = 	snop  }
0x90: {  	s18 =	sld [smem:$0x3FC6]  }
0x91: {  	s4 =	sld [smem:$0x3FC5];
	(tm) =	ssettm $0x1  }
0x92: {  	s19 =	sld [smem:$0x3FFB];
	_ =	sdelay $0x3  }
0x93: {  	_ =	strace s19  }
0x94: {  	s2 =	sld [smem:$0x3FFC];
	_ =	sdelay $0x3  }
0x95: {  	_ =	strace s2  }
0x96: {  	s2 =	sld [smem:$0x3FFD];
	_ =	sdelay $0x3  }
0x97: {  	_ =	strace s2  }
0x98: {  	_ =	strace $0x8FFFFFFF  }
0x99: {  	s20 =	sld [smem:$0x3FDB];
	_ =	sdelay $0x1  }
0x9a: {  	s5 =	simm.s32 $_scs_section_size  }
0x9b: {  	s6 =	simm.s32 $_size__tile_overlayer_lowered;
	s7 =	simm.s32 $_tile_overlayer_lowered  }
0x9c: {  	s8 =	simm.s32 $0x1BFF;
	s21 =	sshll.u32 s7, $0x1;
	s5 =	sadd.s32 s5, s20  }
0x9d: {  	s22 =	simm.s32 $0x0;
	s6 =	sshll.u32 s6, $0x1;
	s7 =	sadd.s32 s21, s5  }
0x9e: {  	[timem:s22], [sflag:s8] =	dma.local [hbm:s7], s6  }
0x9f: {  	_ =	swait.ge [sflag:s8], s6  }
0xa0: {  	s6 =	ssub.s32 $0x0, s6;
	[sflag:s8] =	ssyncset.done $0x0  }
0xa1: {  	[sflag:s8] =	ssyncadd.s32 s6;
	_ =	sdelay $0x1  }
0xa2: {  	s23 =	simm.s32 $0x1B8B  }
0xa3: {  	_ =	swait.ge [sflag:s23], $0x1  }
0xa4: {  	[sflag:s23] =	ssyncset.done $0x0  }
0xa5: {  	[sflag:s23] =	ssyncadd.s32 $0xFFFFFFFF  }
0xa6: {  	s6 =	sld [smem:$0x0]  }
0xa7: {  	s7 =	sand.u32 $0xFFFFFFFE, s1  }
0xa8: {  	p0 =	sne.s32 s1, s7  }
0xa9: {  	s7 =	sshll.u32 @p0 s7, $0xE  }
0xaa: {  	s7 =	sadd.s32 @p0 $0x11B8D, s7;
	s8 =	sshll.u32 @p0 s6, $0x11  }
0xab: {  	s7 =	sor.u32 @p0 s8, s7  }
0xac: {  	[sflag:s7] =	ssyncadd.remote.s32 @p0 $0x1;
	_ =	sdelay $0x1  }
0xad: {  	s7 =	simm.s32 @p0 $0x1B8D  }
0xae: {  	_ =	swait.eq @p0 [sflag:s7], $0x1  }
0xaf: {  	[sflag:s7] =	ssyncadd.s32 @p0 $0xFFFFFFFF  }
0xb0: {  	s8 =	sshll.u32 @!p0 s1, $0xE  }
0xb1: {  	s8 =	sor.u32 @!p0 $0x4000, s8;
	s7 =	simm.s32 @!p0 $0x1B8D  }
0xb2: {  	s6 =	sshll.u32 @!p0 s6, $0x11;
	s8 =	sadd.s32 @!p0 $0x11B8D, s8;
	_ =	swait.eq @!p0 [sflag:s7], $0x1  }
0xb3: {  	s6 =	sor.u32 @!p0 s6, s8;
	[sflag:s7] =	ssyncadd.s32 @!p0 $0xFFFFFFFF  }
0xb4: {  	s25 =	simm.s32 $0x1B8E;
	s24 =	sld [smem:$0x3FFE];
	[sflag:s6] =	ssyncadd.remote.s32 @!p0 $0x1  }
0xb5: {  	s26 =	simm.s32 $execute0_lowered;
	[smem:$0x3FD2] =	sst s25  }
0xb6: {  	s7 =	sshll.u32 s26, $0x1;
	_ =	strace $0x8000004C;
	[dreg:$0x1] =	wrdreg $0xFFFFFFFF  }
0xb7: {  	s28 =	simm.s32 $_size_execute0_lowered;
	s5 =	sadd.s32 s5, s7;
	[dreg:$0x0] =	wrdreg $0x0  }
0xb8: {  	s7 =	sshll.u32 s28, $0x1;
	[dreg:$0x2] =	wrdreg s5  }
0xb9: {  	[dreg:$0x3] =	wrdreg s7  }
0xba: {  	[dreg:$0x4] =	wrdreg $0xC0  }
0xbb: {  	_ =	task [dreg:s22], $0x5FFFF  }
0xbc: {  	[dreg:$0x1] =	wrdreg $0xFFFFFFFF  }
0xbd: {  	[dreg:$0x0] =	wrdreg $0x60  }
0xbe: {  	[dreg:$0x2] =	wrdreg s24  }
0xbf: {  	[dreg:$0x3] =	wrdreg s18  }
0xc0: {  	[dreg:$0x4] =	wrdreg s4  }
0xc1: {  	[dreg:$0x5] =	wrdreg $0xB  }
0xc2: {  	_ =	task.clear_ibuf [dreg:s22], $0x6FFFF;
	_ =	strace $0x9000004C  }
0xc3: {  	s29 =	simm.s32 $0xB;
	_ =	strace $0x8000004E  }
0xc4: {  	_ =	swait.ge [sflag:s29], $0x1  }
0xc5: {  	[sflag:s29] =	ssyncadd.s32 $0xFFFFFFFF  }
0xc6: {  	_ =	strace $0x9000004E  }
0xc7: {  	_ =	sfence  }
0xc8: {  	s30 =	sld [smem:$0x0];
	_ =	sdelay $0x2  }
0xc9: {  	s31 =	sshll.u32 s1, $0xD;
	s1 =	sshrl.u32 s1, $0x2  }
0xca: {  	s4 =	sand.u32 $0x4000, s31;
	s1 =	sadd.s32 s1, s30  }
0xcb: {  	s0 =	sor.u32 s4, s0;
	s1 =	sshll.u32 s1, $0x11  }
0xcc: {  	s0 =	sor.u32 s1, s0  }
0xcd: {  	s0 =	sadd.s32 $0x8F2B, s0  }
0xce: {  	[sflag:s0] =	ssyncadd.remote.s32 $0x1  }
0xcf: {  	_ =	sfence.sel $0xFFFF  }
0xd0: {  	[dreg:$0x0] =	wrdreg $0xFFFFFFFF;
	(pc) =	sbr.abs _section_cstart, $3  }
0xd1: {  	[dreg:$0x1] =	wrdreg $0xFFFFFFFF  }
0xd2: {  	_ =	task.clear_ibuf [dreg:s22], $0x2FFFF;
	_ =	strace $0x9FFFFFFF  }
0xd3: {  	(tm) =	ssettm $0x7FFFFFFF  }
tec
execute0_lowered:
.L_overlay_start_1:
0x0: {  	(tag) =	ssettag $0x1  }
0x1: {  	s0 =	rddreg [dreg:$0x0]  }
0x2: {  	s2 =	rddreg [dreg:$0x1]  }
0x3: {  	s1 =	srdreg.scid;
	s11 =	stileid.u32;
	s4 =	simm.s32 $0x0  }
0x4: {  	s14 =	simm.s32 $0xC;
	s15 =	simm.s32 $0x40;
	s16 =	simm.s32 $0x1000  }
0x5: {  	s28 =	simm.s32 $0x4;
	s29 =	simm.s32 $0x5;
	s30 =	simm.s32 $0x6  }
0x6: {  	s31 =	simm.s32 $0x7;
	s1 =	sand.u32 $0x1, s1;
	s3 =	sshll.u32 s11, $0x1  }
0x7: {  	[smem:$0x7FF] =	sst s4;
	s8 =	sadd.s32 $0x1A4E00, s0;
	s9 =	smul.u32 $0x64000, s11  }
0x8: {  	s18 =	smul.u32 $0xC800, s11;
	p0 =	sgt.u32 s11, $0x1;
	s3 =	sor.u32 s1, s3  }
0x9: {  	_ =	strace $0x8000004D;
	s7 =	ssub.s32 $0x2, s1;
	s10 =	smul.u32 $0x32000, s1  }
0xa: {  	s1 =	smul.u32 $0x6400, s1;
	s5 =	sshll.u32 s3, $0x9;
	s6 =	sshll.u32 s3, $0x4  }
0xb: {  	s3 =	sshll.u32 s3, $0xA;
	s17 =	sshrl.u32 s7, $0x1;
	s19 =	sadd.s32 s18, s8  }
0xc: {  	s18 =	simm.s32 $0x3000;
	s5 =	sadd.s32 s5, s0;
	s6 =	sadd.s32 s6, s0  }
0xd: {  	s0 =	sadd.s32 s3, s0;
	s3 =	ssub.s32 s7, s17;
	s9 =	sadd.s32 s10, s9  }
0xe: {  	s17 =	simm.s32 $0xB;
	s5 =	sadd.s32 $0x1A0E00, s5;
	s6 =	sadd.s32 $0x4C00, s6  }
0xf: {  	s0 =	sadd.s32 $0x4E00, s0;
	s20 =	sadd.s32 $0x8000, s9;
	[dreg:$0x4] =	wrdreg s5  }
0x10: {  	s3 =	smax.u32 s3, $0x1;
	s22 =	sadd.s32 $0x6000, s9;
	[dreg:$0x5] =	wrdreg s6  }
0x11: {  	s23 =	sadd.s32 $0x4000, s9;
	s24 =	sadd.s32 $0x2000, s9;
	[dreg:$0x6] =	wrdreg s0  }
0x12: {  	[dreg:$0x7] =	wrdreg s3;
	s0 =	sadd.s32 s1, s19;
	s21 =	sshrl.u32 s20, $0x3  }
0x13: {  	s1 =	sshrl.u32 s23, $0x3;
	s26 =	sshrl.u32 s24, $0x3;
	s20 =	simm.s32 $0x5000  }
0x14: {  	s24 =	simm.s32 $0x9000;
	s3 =	simm.s32 $0xA;
	s19 =	simm.s32 $0x0  }
.Ltmp0:
0x15: {  	[dreg:$0x8] =	wrdreg s0;
	s0 =	sadd.s32 s21, s8;
	(pc) =	sbr.rel .LBB2_1-.Ltmp0, $4  }
0x16: {  	s25 =	sadd.s32 s1, s8;
	s21 =	sadd.s32 s26, s8;
	s26 =	simm.s32 $0x3  }
0x17: {  	s1 =	simm.s32 $0x9;
	[dreg:$0x9] =	wrdreg s0;
	s0 =	sshrl.u32 s22, $0x3  }
0x18: {  	[dreg:$0xb] =	wrdreg s25;
	s22 =	simm.s32 $0x7000;
	s0 =	sadd.s32 s0, s8  }
0x19: {  	s25 =	simm.s32 $0x2;
	[dreg:$0xa] =	wrdreg s0;
	s0 =	simm.s32 $0x8  }
.LBB2_4:
0x1a: {  	_ =	swait.ge [sflag:s31], $0x2000  }
0x1b: {  	[sflag:s31] =	ssyncset.done $0x0  }
0x1c: {  	[sflag:s31] =	ssyncadd.s32 $0xFFFFE000  }
0x1d: {  	_ =	swait.ge [sflag:s0], $0x2000  }
0x1e: {  	[sflag:s0] =	ssyncset.done $0x0  }
0x1f: {  	[sflag:s0] =	ssyncadd.s32 $0xFFFFE000  }
0x20: {  	_ =	swait.ge [sflag:s1], $0x2000  }
0x21: {  	[sflag:s1] =	ssyncset.done $0x0  }
0x22: {  	[sflag:s1] =	ssyncadd.s32 $0xFFFFE000  }
0x23: {  	_ =	swait.ge [sflag:s3], $0x2000  }
0x24: {  	[sflag:s3] =	ssyncset.done $0x0  }
0x25: {  	[sflag:s3] =	ssyncadd.s32 $0xFFFFE000  }
0x26: {  	_ =	swait.ge [sflag:s17], $0x2000  }
0x27: {  	s19 =	sadd.s32 $0x1, s19;
	s5 =	rddreg [dreg:$0x7]  }
0x28: {  	p1 =	sne.s32 s19, s5  }
.Ltmp1:
0x29: {  	_ = 	snop;
	(pc) =	sbr.rel @!p1 .LBB2_5-.Ltmp1, $3  }
0x2a: {  	_ =	sdelay $0x1  }
0x2b: {  	[sflag:s17] =	ssyncset.done $0x0  }
0x2c: {  	[sflag:s17] =	ssyncadd.s32 $0xFFFFE000  }
.LBB2_1:
0x2d: {  	s5 =	rddreg [dreg:$0x4]  }
0x2e: {  	[tilespmem:s4], [sflag:$0xC] =	stream.linear.gather [hbm4b:s5+s4], $0xC80, $0x38;
	[tilespmem:$0xD080] =	vst v63  }
0x2f: {  	_ =	swait.ge [sflag:s14], $0xC80  }
0x30: {  	s8 =	simm.s32 @!p0 $0x0;
	s9 =	simm.s32 @!p0 $0xB000;
	[sflag:s14] =	ssyncset.done $0x0  }
0x31: {  	s10 =	simm.s32 @!p0 $0xC;
	s5 =	rddreg [dreg:$0x5];
	[sflag:s14] =	ssyncadd.s32 $0xFFFFF380  }
0x32: {  	[tilespmem:s9], [sflag:$0xC] =	stream.linear.gather @!p0 [hbm4b:s5+s8], $0x80, $0x38;
	[tilespmem:$0xD080] =	vst v63  }
0x33: {  	_ =	swait.ge @!p0 [sflag:s10], $0x80  }
0x34: {  	[sflag:s10] =	ssyncset.done @!p0 $0x0  }
0x35: {  	[sflag:s10] =	ssyncadd.s32 @!p0 $0xFFFFFF80  }
0x36: {  	s11 =	simm.s32 @!p0 $0x40;
	s12 =	simm.s32 @!p0 $0xB080;
	s5 =	rddreg [dreg:$0x2]  }
0x37: {  	[tilespmem:s12], [sflag:$0x1] =	stream.indirect.gather @!p0 [hbm4b:s5+s11], $0x80, s9, s11, $0xb8;
	[tilespmem:$0xD080] =	vst v63  }
0x38: {  	s9 =	simm.s32 @!p0 $0x1  }
0x39: {  	_ =	swait.ge @!p0 [sflag:s9], $0x2000  }
0x3a: {  	[sflag:s9] =	ssyncset.done @!p0 $0x0  }
0x3b: {  	s5 =	rddreg [dreg:$0x6];
	[sflag:s9] =	ssyncadd.s32 @!p0 $0xFFFFE000  }
0x3c: {  	[hbm4b:s5+s8] =	stream.linear.scatter @!p0 [tilespmem:s12], [sflag:$0xC], $0x2000, $0x38;
	[tilespmem:$0xD080] =	vst v63  }
0x3d: {  	_ =	swait.ge @!p0 [sflag:s10], $0x2000  }
0x3e: {  	[sflag:s10] =	ssyncset.done @!p0 $0x0  }
0x3f: {  	[sflag:s10] =	ssyncadd.s32 @!p0 $0xFFFFE000  }
0x40: {  	[tilespmem:s16], [sflag:$0x2] =	stream.indirect.gather [hbm4b:s2+s15], $0x80, s4, s15, $0xb8;
	[tilespmem:$0xD080] =	vst v63  }
0x41: {  	s11 =	simm.s32 $0x80;
	s9 =	rddreg [dreg:$0x8]  }
0x42: {  	[tilespmem:s18], [sflag:$0x3] =	stream.indirect.gather [hbm4b:s2+s15], $0x80, s11, s15, $0xb8;
	[tilespmem:$0xD080] =	vst v63  }
0x43: {  	s12 =	simm.s32 $0x100;
	s10 =	rddreg [dreg:$0x9]  }
0x44: {  	[tilespmem:s20], [sflag:$0x4] =	stream.indirect.gather [hbm4b:s2+s15], $0x80, s12, s15, $0xb8;
	[tilespmem:$0xD080] =	vst v63  }
0x45: {  	s13 =	simm.s32 $0x180;
	s23 =	simm.s32 $0x200;
	s11 =	rddreg [dreg:$0xa]  }
0x46: {  	[tilespmem:s22], [sflag:$0x5] =	stream.indirect.gather [hbm4b:s2+s15], $0x80, s13, s15, $0xb8;
	[tilespmem:$0xD080] =	vst v63  }
0x47: {  	s8 =	simm.s32 $0x0;
	s12 =	rddreg [dreg:$0xb];
	s13 =	smov.u32 s21  }
0x48: {  	[tilespmem:s24], [sflag:$0x6] =	stream.indirect.gather [hbm4b:s2+s15], $0x80, s23, s15, $0xb8;
	[tilespmem:$0xD080] =	vst v63  }
.LBB2_2:
0x49: {  	_ =	swait.ge [sflag:s25], $0x2000  }
0x4a: {  	p1 =	seq.s32 s8, $0x0;
	[sflag:s25] =	ssyncset.done $0x0  }
0x4b: {  	s7 =	simm.s32 @!p1 $0xA;
	[sflag:s25] =	ssyncadd.s32 $0xFFFFE000  }
0x4c: {  	[hbm4b:s9+s4] =	stream.linear.scatter [tilespmem:s16], [sflag:$0x7], $0x2000, $0x38;
	[tilespmem:$0xD080] =	vst v63  }
0x4d: {  	_ =	swait.ge @!p1 [sflag:s7], $0x2000  }
0x4e: {  	[sflag:s7] =	ssyncset.done @!p1 $0x0  }
0x4f: {  	[sflag:s7] =	ssyncadd.s32 @!p1 $0xFFFFE000;
	s7 =	sshra.s32 @!p1 s8, $0x2  }
0x50: {  	s5 =	simm.s32 @!p1 $0x40;
	s23 =	simm.s32 @!p1 $0x7000;
	s6 =	sadd.s32 @!p1 $0x180, s7  }
0x51: {  	[tilespmem:s23], [sflag:$0x5] =	stream.indirect.gather @!p1 [hbm4b:s2+s5], $0x80, s6, s5, $0xb8;
	[tilespmem:$0xD080] =	vst v63  }
0x52: {  	_ =	swait.ge [sflag:s26], $0x2000  }
0x53: {  	[sflag:s26] =	ssyncset.done $0x0  }
0x54: {  	s6 =	simm.s32 @!p1 $0xB;
	[sflag:s26] =	ssyncadd.s32 $0xFFFFE000  }
0x55: {  	[hbm4b:s13+s4] =	stream.linear.scatter [tilespmem:s18], [sflag:$0x8], $0x2000, $0x38;
	[tilespmem:$0xD080] =	vst v63  }
0x56: {  	_ =	swait.ge @!p1 [sflag:s6], $0x2000  }
0x57: {  	[sflag:s6] =	ssyncset.done @!p1 $0x0  }
0x58: {  	[sflag:s6] =	ssyncadd.s32 @!p1 $0xFFFFE000;
	s6 =	sadd.s32 @!p1 $0x200, s7;
	s7 =	simm.s32 @!p1 $0x9000  }
0x59: {  	[tilespmem:s7], [sflag:$0x6] =	stream.indirect.gather @!p1 [hbm4b:s2+s5], $0x80, s6, s5, $0xb8;
	[tilespmem:$0xD080] =	vst v63  }
0x5a: {  	_ =	swait.ge [sflag:s28], $0x2000  }
0x5b: {  	p1 =	seq.s32 s8, $0x2800;
	[sflag:s28] =	ssyncset.done $0x0  }
0x5c: {  	s5 =	simm.s32 @!p1 $0x7;
	[sflag:s28] =	ssyncadd.s32 $0xFFFFE000  }
0x5d: {  	[hbm4b:s12+s4] =	stream.linear.scatter [tilespmem:s20], [sflag:$0x9], $0x2000, $0x38;
	[tilespmem:$0xD080] =	vst v63  }
0x5e: {  	_ =	swait.ge @!p1 [sflag:s5], $0x2000  }
0x5f: {  	[sflag:s5] =	ssyncset.done @!p1 $0x0  }
0x60: {  	[sflag:s5] =	ssyncadd.s32 @!p1 $0xFFFFE000;
	s5 =	sshra.s32 @!p1 s8, $0x2  }
0x61: {  	s7 =	simm.s32 @!p1 $0x40;
	s23 =	simm.s32 @!p1 $0x1000;
	s6 =	sadd.s32 @!p1 $0x280, s5  }
0x62: {  	[tilespmem:s23], [sflag:$0x2] =	stream.indirect.gather @!p1 [hbm4b:s2+s7], $0x80, s6, s7, $0xb8;
	[tilespmem:$0xD080] =	vst v63  }
0x63: {  	_ =	swait.ge [sflag:s29], $0x2000  }
0x64: {  	[sflag:s29] =	ssyncset.done $0x0  }
0x65: {  	s6 =	simm.s32 @!p1 $0x8;
	[sflag:s29] =	ssyncadd.s32 $0xFFFFE000  }
0x66: {  	[hbm4b:s11+s4] =	stream.linear.scatter [tilespmem:s22], [sflag:$0xA], $0x2000, $0x38;
	[tilespmem:$0xD080] =	vst v63  }
0x67: {  	_ =	swait.ge @!p1 [sflag:s6], $0x2000  }
0x68: {  	[sflag:s6] =	ssyncset.done @!p1 $0x0  }
0x69: {  	s5 =	sadd.s32 @!p1 $0x300, s5;
	[sflag:s6] =	ssyncadd.s32 @!p1 $0xFFFFE000;
	s6 =	simm.s32 @!p1 $0x3000  }
0x6a: {  	[tilespmem:s6], [sflag:$0x3] =	stream.indirect.gather @!p1 [hbm4b:s2+s7], $0x80, s5, s7, $0xb8;
	[tilespmem:$0xD080] =	vst v63  }
.Ltmp2:
0x6b: {  	_ = 	snop;
	(pc) =	sbr.rel @p1 .LBB2_4-.Ltmp2, $4  }
0x6c: {  	_ =	swait.ge [sflag:s30], $0x2000  }
0x6d: {  	[sflag:s30] =	ssyncset.done $0x0  }
0x6e: {  	[sflag:s30] =	ssyncadd.s32 $0xFFFFE000  }
0x6f: {  	[hbm4b:s10+s4] =	stream.linear.scatter [tilespmem:s24], [sflag:$0xB], $0x2000, $0x38;
	[tilespmem:$0xD080] =	vst v63  }
.Ltmp3:
0x70: {  	_ =	swait.ge [sflag:s1], $0x2000;
	s5 =	sshra.s32 s8, $0x2;
	(pc) =	sbr.rel .LBB2_2-.Ltmp3, $4  }
0x71: {  	s8 =	sadd.s32 $0xA00, s8;
	s9 =	sadd.s32 $0x1400, s9;
	s10 =	sadd.s32 $0x1400, s10  }
0x72: {  	s11 =	sadd.s32 $0x1400, s11;
	s12 =	sadd.s32 $0x1400, s12;
	[sflag:s1] =	ssyncset.done $0x0  }
0x73: {  	s13 =	sadd.s32 $0x1400, s13;
	s5 =	sadd.s32 $0x380, s5;
	[sflag:s1] =	ssyncadd.s32 $0xFFFFE000  }
0x74: {  	[tilespmem:s20], [sflag:$0x4] =	stream.indirect.gather [hbm4b:s2+s15], $0x80, s5, s15, $0xb8;
	[tilespmem:$0xD080] =	vst v63  }
.LBB2_5:
0x75: {  	_ =	sfence.sel $0x180000  }
0x76: {  	[bflag:$0x0] =	sbarrier.arrive $0xFFFF  }
0x77: {  	_ =	strace $0x9000004D  }
0x78: {  	s0 =	stileid.u32;
	[bflag:$0x2] =	sbarrier.arrive $0xFFFF  }
0x79: {  	p0 =	sne.s32 s0, $0x0;
	s0 =	rddreg [dreg:$0x3]  }
0x7a: {  	s0 =	sadd.s32 @!p0 $0x100000, s0  }
0x7b: {  	[sflag:s0] =	ssyncadd.tile.s32 @!p0 $0x1;
	_ =	shalt  }
.Lfunc_end2:
_tile_overlayer_lowered:
.L_overlay_start_2:
0x7c: {  	(tag) =	ssettag $0x2  }
0x7d: {  	s0 =	rddreg [dreg:$0x0];
	s2 =	stileid.u32  }
0x7e: {  	s1 =	rddreg [dreg:$0x1];
	p0 =	sne.s32 s2, $0x0  }
0x7f: {  	s3 =	rddreg [dreg:$0x2];
	[bflag:$0x3] =	sbarrier.arrive $0xFFFF;
	s2 =	simm.s32 @!p0 $0x1C0C  }
0x80: {  	[timem:s3], [sflag:s2] =	dma.local @!p0 [hbm:s0], s1  }
0x81: {  	s0 =	simm.s32 @!p0 $0xC  }
0x82: {  	_ =	swait.ge @!p0 [sflag:s0], s1  }
0x83: {  	s1 =	ssub.s32 @!p0 $0x0, s1;
	[sflag:s0] =	ssyncset.done @!p0 $0x0  }
0x84: {  	[sflag:s0] =	ssyncadd.s32 @!p0 s1  }
0x85: {  	[bflag:$0x3] =	sbarrier.arrive $0xFFFF  }
0x86: {  	_ =	shalt  }

// kernel: kernel.19.cloned.1.call-start
scs
__scs_entry_jumppad:
0x0: {  	(pc) =	sbr.rel $0x88, $3  }
0x1: {  	(tag) =	ssettag $0x0;
	lr =	simm.s32 $0x1  }
0x2: {  	[smem:$0x3F91] =	sst lr;
	_ =	strace $0xD0000000  }
0x3: {  	_ = 	snop  }
0x4: {  	_ = 	snop  }
0x5: {  	_ = 	snop  }
0x6: {  	_ = 	snop  }
0x7: {  	_ = 	snop  }
__scs_overlays_trampoline_lowered:
0x8: {  	[smem:$0x3FA0] =	sst s0  }
0x9: {  	[smem:$0x3FA1] =	sst s1  }
0xa: {  	[smem:$0x3FA2] =	sst s2  }
0xb: {  	[smem:$0x3FA3] =	sst s3  }
0xc: {  	[smem:$0x3FA4] =	sst s4  }
0xd: {  	[smem:$0x3FA5] =	sst s5  }
0xe: {  	[smem:$0x3FA6] =	sst s6  }
0xf: {  	[smem:$0x3FA7] =	sst s7  }
0x10: {  	[smem:$0x3FA8] =	sst s8  }
0x11: {  	[smem:$0x3FA9] =	sst s9;
	s0 =	simm.s32 @!p0 $0x0  }
0x12: {  	s1 =	sld [smem:$0x3F8F];
	s0 =	simm.s32 @p0 $0x1  }
0x13: {  	[smem:$0x3FAA] =	sst s0;
	s0 =	simm.s32 @!p1 $0x0  }
0x14: {  	s2 =	sld [smem:$0x3F8E];
	s0 =	simm.s32 @p1 $0x1  }
0x15: {  	[smem:$0x3FAB] =	sst s0;
	s0 =	simm.s32 @!p2 $0x0  }
0x16: {  	s3 =	sld [smem:$0x3FDB];
	s0 =	simm.s32 @p2 $0x1  }
0x17: {  	s4 =	simm.s32 $0x1BF5;
	[smem:$0x3FAD] =	sst s0  }
0x18: {  	s0 =	sld [smem:$0x3F90];
	_ =	swait.ge [sflag:s4], $0x0  }
0x19: {  	s7 =	sld [smem:$0x3F91]  }
0x1a: {  	s8 =	sadd.s32 $0xFFFFE003, lr  }
0x1b: {  	s9 =	sadd.s32 $0xFFFFFEF7, lr;
	s5 =	simm.s32 $0xFFFFFFFF;
	p2 =	slt.u32 s8, $0xFFFFF086  }
0x1c: {  	p1 =	slt.u32 s9, $0xF7A;
	s5 =	simm.s32 @!p2 $0x0  }
0x1d: {  	s5 =	simm.s32 @p1 $0x1;
	p0 =	seq.s32 s7, s2  }
0x1e: {  	s7 =	smul.u32 @!p0 $0xF7A, s2;
	p2 =	seq.s32 @!p0 s5, $0x0  }
0x1f: {  	s9 =	smul.u32 $0xF7A, s1;
	s8 =	simm.s32 @!p0 $0x1BF5;
	p2 =	por !p2, p0  }
0x20: {  	[sflag:s8] =	ssyncset.s32 @!p0 $0xFFFFF086;
	s6 =	sadd.s32 @!p0 s3, s7;
	s7 =	simm.s32 @!p0 $0x108  }
0x21: {  	s3 =	sadd.s32 s3, s9;
	s6 =	sadd.s32 @!p0 $0x88, s6;
	s7 =	simm.s32 @p2 $0x1082  }
0x22: {  	[simem:s7], [sflag:s8] =	dma.local @!p0 [hbm:s6], $0xF7A  }
0x23: {  	s9 =	sor.u32 $0xD0000000, s2;
	s6 =	simm.s32 $0x108;
	_ =	swait.ge @!p0 [sflag:s8], $0x0  }
0x24: {  	s3 =	sadd.s32 $0x88, s3;
	s6 =	simm.s32 @!p1 $0x1082;
	[sflag:s4] =	ssyncset.s32 $0xFFFFF086  }
0x25: {  	[simem:s6], [sflag:s4] =	dma.local [hbm:s3], $0xF7A  }
0x26: {  	[smem:$0x3F91] =	sst s1;
	(tag) =	ssettag s2;
	_ =	strace s9  }
0x27: {  	s1 =	sld [smem:$0x3FA1]  }
0x28: {  	s2 =	sld [smem:$0x3FA2]  }
0x29: {  	s4 =	sld [smem:$0x3FA4]  }
0x2a: {  	p0 =	seq.s32 s5, $0x0;
	s5 =	sld [smem:$0x3FA5]  }
0x2b: {  	s6 =	sld [smem:$0x3FA6]  }
0x2c: {  	s7 =	sld [smem:$0x3FA7]  }
0x2d: {  	s3 =	simm.s32 $0x108;
	s8 =	sld [smem:$0x3FA8]  }
0x2e: {  	s3 =	simm.s32 @!p0 $0x1082;
	s9 =	sld [smem:$0x3FA9]  }
0x2f: {  	lr =	sadd.s32 s0, s3;
	s0 =	sld [smem:$0x3FA0]  }
0x30: {  	s3 =	sld [smem:$0x3FA3]  }
0x31: {  	[smem:$0x3FAC] =	sst s10  }
0x32: {  	s10 =	sld [smem:$0x3FAA];
	_ =	sdelay $0x3  }
0x33: {  	p0 =	seq.s32 s10, $0x1;
	s10 =	sld [smem:$0x3FAC];
	_ =	sdelay $0x3  }
0x34: {  	[smem:$0x3FAC] =	sst s10  }
0x35: {  	s10 =	sld [smem:$0x3FAB];
	_ =	sdelay $0x3  }
0x36: {  	p1 =	seq.s32 s10, $0x1;
	s10 =	sld [smem:$0x3FAC];
	_ =	sdelay $0x3  }
0x37: {  	[smem:$0x3FAC] =	sst s10  }
0x38: {  	s10 =	sld [smem:$0x3FAD]  }
0x39: {  	_ = 	snop;
	(pc) =	sbr.ind lr, $3  }
0x3a: {  	_ = 	snop  }
0x3b: {  	_ = 	snop  }
0x3c: {  	p2 =	seq.s32 s10, $0x1;
	s10 =	sld [smem:$0x3FAC]  }
0x3d: {  	_ =	shalt  }
0x3e: {  	_ =	shalt  }
0x3f: {  	_ =	shalt  }
0x40: {  	_ =	shalt  }
0x41: {  	_ =	shalt  }
0x42: {  	_ =	shalt  }
0x43: {  	_ =	shalt  }
0x44: {  	_ =	shalt  }
0x45: {  	_ =	shalt  }
0x46: {  	_ =	shalt  }
0x47: {  	_ =	shalt  }
0x48: {  	_ =	shalt  }
0x49: {  	_ =	shalt  }
0x4a: {  	_ =	shalt  }
0x4b: {  	_ =	shalt  }
0x4c: {  	_ =	shalt  }
0x4d: {  	_ =	shalt  }
0x4e: {  	_ =	shalt  }
0x4f: {  	_ =	shalt  }
0x50: {  	_ =	shalt  }
0x51: {  	_ =	shalt  }
0x52: {  	_ =	shalt  }
0x53: {  	_ =	shalt  }
0x54: {  	_ =	shalt  }
0x55: {  	_ =	shalt  }
0x56: {  	_ =	shalt  }
0x57: {  	_ =	shalt  }
0x58: {  	_ =	shalt  }
0x59: {  	_ =	shalt  }
0x5a: {  	_ =	shalt  }
0x5b: {  	_ =	shalt  }
0x5c: {  	_ =	shalt  }
0x5d: {  	_ =	shalt  }
0x5e: {  	_ =	shalt  }
0x5f: {  	_ =	shalt  }
0x60: {  	_ =	shalt  }
0x61: {  	_ =	shalt  }
0x62: {  	_ =	shalt  }
0x63: {  	_ =	shalt  }
0x64: {  	_ =	shalt  }
0x65: {  	_ =	shalt  }
0x66: {  	_ =	shalt  }
0x67: {  	_ =	shalt  }
0x68: {  	_ =	shalt  }
0x69: {  	_ =	shalt  }
0x6a: {  	_ =	shalt  }
0x6b: {  	_ =	shalt  }
0x6c: {  	_ =	shalt  }
0x6d: {  	_ =	shalt  }
0x6e: {  	_ =	shalt  }
0x6f: {  	_ =	shalt  }
0x70: {  	_ =	shalt  }
0x71: {  	_ =	shalt  }
0x72: {  	_ =	shalt  }
0x73: {  	_ =	shalt  }
0x74: {  	_ =	shalt  }
0x75: {  	_ =	shalt  }
0x76: {  	_ =	shalt  }
0x77: {  	_ =	shalt  }
0x78: {  	_ =	shalt  }
0x79: {  	_ =	shalt  }
0x7a: {  	_ =	shalt  }
0x7b: {  	_ =	shalt  }
0x7c: {  	_ =	shalt  }
0x7d: {  	_ =	shalt  }
0x7e: {  	_ =	shalt  }
0x7f: {  	_ =	shalt  }
0x80: {  	_ =	shalt  }
0x81: {  	_ =	shalt  }
0x82: {  	_ =	shalt  }
0x83: {  	_ =	shalt  }
0x84: {  	_ =	shalt  }
0x85: {  	_ =	shalt  }
0x86: {  	_ =	shalt  }
0x87: {  	_ =	shalt  }
.Lfunc_end0:
.L_simem_size_0:
called_computation.3_lowered:
.L_overlay_start_0:
0x88: {  	s2 =	sld [smem:$0x3FD9]  }
0x89: {  	s3 =	sld [smem:$0x3FFE];
	_ =	sdelay $0x1  }
0x8a: {  	s1 =	srdreg.scid  }
0x8b: {  	s0 =	sand.u32 $0x1, s1  }
0x8c: {  	s17 =	sshll.u32 s0, $0xA;
	s2 =	sadd.s32 s3, s2  }
0x8d: {  	s2 =	sadd.s32 s2, s17  }
0x8e: {  	[smem:$0x3FB8] =	sst s2  }
0x8f: {  	_ = 	snop  }
0x90: {  	s18 =	sld [smem:$0x3FC6]  }
0x91: {  	s4 =	sld [smem:$0x3FC5]  }
0x92: {  	s5 =	sld [smem:$0x3FD0];
	(tm) =	ssettm $0x1  }
0x93: {  	s19 =	sld [smem:$0x3FFB];
	_ =	sdelay $0x3  }
0x94: {  	_ =	strace s19  }
0x95: {  	s2 =	sld [smem:$0x3FFC];
	_ =	sdelay $0x3  }
0x96: {  	_ =	strace s2  }
0x97: {  	s2 =	sld [smem:$0x3FFD];
	_ =	sdelay $0x3  }
0x98: {  	_ =	strace s2  }
0x99: {  	_ =	strace $0x8FFFFFFF  }
0x9a: {  	s20 =	sld [smem:$0x3FDB];
	_ =	sdelay $0x1  }
0x9b: {  	s6 =	simm.s32 $_scs_section_size  }
0x9c: {  	s7 =	simm.s32 $_size__tile_overlayer_lowered;
	s8 =	simm.s32 $_tile_overlayer_lowered  }
0x9d: {  	s9 =	simm.s32 $0x1BFF;
	s21 =	sshll.u32 s8, $0x1;
	s6 =	sadd.s32 s6, s20  }
0x9e: {  	s22 =	simm.s32 $0x0;
	s7 =	sshll.u32 s7, $0x1;
	s8 =	sadd.s32 s21, s6  }
0x9f: {  	[timem:s22], [sflag:s9] =	dma.local [hbm:s8], s7  }
0xa0: {  	_ =	swait.ge [sflag:s9], s7  }
0xa1: {  	s7 =	ssub.s32 $0x0, s7;
	[sflag:s9] =	ssyncset.done $0x0  }
0xa2: {  	[sflag:s9] =	ssyncadd.s32 s7;
	_ =	sdelay $0x1  }
0xa3: {  	s23 =	simm.s32 $0x1B8B  }
0xa4: {  	_ =	swait.ge [sflag:s23], $0x1  }
0xa5: {  	[sflag:s23] =	ssyncset.done $0x0  }
0xa6: {  	[sflag:s23] =	ssyncadd.s32 $0xFFFFFFFF  }
0xa7: {  	s7 =	sld [smem:$0x0]  }
0xa8: {  	s8 =	sand.u32 $0xFFFFFFFE, s1  }
0xa9: {  	p0 =	sne.s32 s1, s8  }
0xaa: {  	s8 =	sshll.u32 @p0 s8, $0xE  }
0xab: {  	s8 =	sadd.s32 @p0 $0x11B8D, s8;
	s9 =	sshll.u32 @p0 s7, $0x11  }
0xac: {  	s8 =	sor.u32 @p0 s9, s8  }
0xad: {  	[sflag:s8] =	ssyncadd.remote.s32 @p0 $0x1;
	_ =	sdelay $0x1  }
0xae: {  	s8 =	simm.s32 @p0 $0x1B8D  }
0xaf: {  	_ =	swait.eq @p0 [sflag:s8], $0x1  }
0xb0: {  	[sflag:s8] =	ssyncadd.s32 @p0 $0xFFFFFFFF  }
0xb1: {  	s9 =	sshll.u32 @!p0 s1, $0xE  }
0xb2: {  	s9 =	sor.u32 @!p0 $0x4000, s9;
	s8 =	simm.s32 @!p0 $0x1B8D  }
0xb3: {  	s7 =	sshll.u32 @!p0 s7, $0x11;
	s9 =	sadd.s32 @!p0 $0x11B8D, s9;
	_ =	swait.eq @!p0 [sflag:s8], $0x1  }
0xb4: {  	s7 =	sor.u32 @!p0 s7, s9;
	[sflag:s8] =	ssyncadd.s32 @!p0 $0xFFFFFFFF  }
0xb5: {  	s25 =	simm.s32 $0x1B8E;
	s24 =	sld [smem:$0x3FFE];
	[sflag:s7] =	ssyncadd.remote.s32 @!p0 $0x1  }
0xb6: {  	s26 =	simm.s32 $execute0_lowered;
	[smem:$0x3FD2] =	sst s25  }
0xb7: {  	s8 =	sshll.u32 s26, $0x1;
	_ =	strace $0x8000004F;
	[dreg:$0x1] =	wrdreg $0xFFFFFFFF  }
0xb8: {  	s28 =	simm.s32 $_size_execute0_lowered;
	s6 =	sadd.s32 s6, s8;
	[dreg:$0x0] =	wrdreg $0x0  }
0xb9: {  	s8 =	sshll.u32 s28, $0x1;
	[dreg:$0x2] =	wrdreg s6  }
0xba: {  	[dreg:$0x3] =	wrdreg s8  }
0xbb: {  	[dreg:$0x4] =	wrdreg $0xC0  }
0xbc: {  	_ =	task [dreg:s22], $0x5FFFF  }
0xbd: {  	[dreg:$0x1] =	wrdreg $0xFFFFFFFF  }
0xbe: {  	[dreg:$0x0] =	wrdreg $0x60  }
0xbf: {  	[dreg:$0x2] =	wrdreg s5  }
0xc0: {  	[dreg:$0x3] =	wrdreg s24  }
0xc1: {  	[dreg:$0x4] =	wrdreg s18  }
0xc2: {  	[dreg:$0x5] =	wrdreg s4  }
0xc3: {  	[dreg:$0x6] =	wrdreg $0xC  }
0xc4: {  	_ =	task.clear_ibuf [dreg:s22], $0x7FFFF;
	_ =	strace $0x9000004F  }
0xc5: {  	s29 =	simm.s32 $0xC;
	_ =	strace $0x80000051  }
0xc6: {  	_ =	swait.ge [sflag:s29], $0x1  }
0xc7: {  	[sflag:s29] =	ssyncadd.s32 $0xFFFFFFFF  }
0xc8: {  	_ =	strace $0x90000051  }
0xc9: {  	_ =	sfence  }
0xca: {  	s30 =	sld [smem:$0x0];
	_ =	sdelay $0x2  }
0xcb: {  	s31 =	sshll.u32 s1, $0xD;
	s1 =	sshrl.u32 s1, $0x2  }
0xcc: {  	s4 =	sand.u32 $0x4000, s31;
	s1 =	sadd.s32 s1, s30  }
0xcd: {  	s0 =	sor.u32 s4, s0;
	s1 =	sshll.u32 s1, $0x11  }
0xce: {  	s0 =	sor.u32 s1, s0  }
0xcf: {  	s0 =	sadd.s32 $0x8F2B, s0  }
0xd0: {  	[sflag:s0] =	ssyncadd.remote.s32 $0x1  }
0xd1: {  	_ =	sfence.sel $0xFFFF  }
0xd2: {  	[dreg:$0x0] =	wrdreg $0xFFFFFFFF;
	(pc) =	sbr.abs _section_cstart, $3  }
0xd3: {  	[dreg:$0x1] =	wrdreg $0xFFFFFFFF  }
0xd4: {  	_ =	task.clear_ibuf [dreg:s22], $0x2FFFF;
	_ =	strace $0x9FFFFFFF  }
0xd5: {  	(tm) =	ssettm $0x7FFFFFFF  }
tec
execute0_lowered:
.L_overlay_start_1:
0x0: {  	(tag) =	ssettag $0x1  }
0x1: {  	s0 =	rddreg [dreg:$0x0]  }
0x2: {  	s1 =	rddreg [dreg:$0x1]  }
0x3: {  	s2 =	rddreg [dreg:$0x2]  }
0x4: {  	s3 =	srdreg.scid;
	s12 =	stileid.u32  }
0x5: {  	s4 =	simm.s32 $0x0;
	s14 =	simm.s32 $0xC;
	s28 =	simm.s32 $0x4  }
0x6: {  	s29 =	simm.s32 $0x5;
	s30 =	simm.s32 $0x6;
	s31 =	simm.s32 $0x7  }
0x7: {  	s3 =	sand.u32 $0x1, s3;
	s5 =	sshll.u32 s12, $0x1;
	s9 =	smul.u32 $0x64000, s12  }
0x8: {  	[smem:$0x7FF] =	sst s4;
	s8 =	sadd.s32 $0x26DE00, s1;
	s16 =	smul.u32 $0xC800, s12  }
0x9: {  	p0 =	sgt.u32 s12, $0x1;
	s5 =	sor.u32 s3, s5;
	s11 =	smul.u32 $0x32000, s3  }
0xa: {  	_ =	strace $0x80000050;
	s15 =	ssub.s32 $0x2, s3;
	s3 =	smul.u32 $0x6400, s3  }
0xb: {  	s6 =	sshll.u32 s5, $0x4;
	s7 =	sshll.u32 s5, $0xA;
	s10 =	sshrl.u32 s15, $0x1  }
0xc: {  	s5 =	sshll.u32 s5, $0x9;
	s6 =	sadd.s32 s6, s1;
	s1 =	sadd.s32 s7, s1  }
0xd: {  	s7 =	ssub.s32 s15, s10;
	s0 =	sadd.s32 s0, s5;
	s18 =	sadd.s32 s11, s9  }
0xe: {  	s15 =	simm.s32 $0x40;
	[dreg:$0x5] =	wrdreg s0;
	s17 =	sadd.s32 $0xA600, s6  }
0xf: {  	s1 =	sadd.s32 $0x26CE00, s1;
	s0 =	sadd.s32 s16, s8;
	s19 =	sadd.s32 $0x8000, s18  }
0x10: {  	s20 =	smax.u32 s7, $0x1;
	s22 =	sadd.s32 $0x6000, s18;
	[dreg:$0x6] =	wrdreg s17  }
0x11: {  	s23 =	sadd.s32 $0x4000, s18;
	s24 =	sadd.s32 $0x2000, s18;
	[dreg:$0x7] =	wrdreg s1  }
0x12: {  	s16 =	simm.s32 $0x1000;
	s18 =	simm.s32 $0x3000;
	[dreg:$0x8] =	wrdreg s20  }
0x13: {  	s0 =	sadd.s32 s3, s0;
	s21 =	sshrl.u32 s19, $0x3;
	s1 =	sshrl.u32 s23, $0x3  }
0x14: {  	s26 =	sshrl.u32 s24, $0x3;
	s20 =	simm.s32 $0x5000;
	s24 =	simm.s32 $0x9000  }
0x15: {  	s3 =	simm.s32 $0xA;
	s17 =	simm.s32 $0xB;
	s19 =	simm.s32 $0x0  }
.Ltmp0:
0x16: {  	[dreg:$0x9] =	wrdreg s0;
	s0 =	sadd.s32 s21, s8;
	(pc) =	sbr.rel .LBB2_1-.Ltmp0, $4  }
0x17: {  	s25 =	sadd.s32 s1, s8;
	s21 =	sadd.s32 s26, s8;
	s26 =	simm.s32 $0x3  }
0x18: {  	s1 =	simm.s32 $0x9;
	[dreg:$0xa] =	wrdreg s0;
	s0 =	sshrl.u32 s22, $0x3  }
0x19: {  	[dreg:$0xc] =	wrdreg s25;
	s22 =	simm.s32 $0x7000;
	s0 =	sadd.s32 s0, s8  }
0x1a: {  	s25 =	simm.s32 $0x2;
	[dreg:$0xb] =	wrdreg s0;
	s0 =	simm.s32 $0x8  }
.LBB2_4:
0x1b: {  	_ =	swait.ge [sflag:s31], $0x2000  }
0x1c: {  	[sflag:s31] =	ssyncset.done $0x0  }
0x1d: {  	[sflag:s31] =	ssyncadd.s32 $0xFFFFE000  }
0x1e: {  	_ =	swait.ge [sflag:s0], $0x2000  }
0x1f: {  	[sflag:s0] =	ssyncset.done $0x0  }
0x20: {  	[sflag:s0] =	ssyncadd.s32 $0xFFFFE000  }
0x21: {  	_ =	swait.ge [sflag:s1], $0x2000  }
0x22: {  	[sflag:s1] =	ssyncset.done $0x0  }
0x23: {  	[sflag:s1] =	ssyncadd.s32 $0xFFFFE000  }
0x24: {  	_ =	swait.ge [sflag:s3], $0x2000  }
0x25: {  	[sflag:s3] =	ssyncset.done $0x0  }
0x26: {  	[sflag:s3] =	ssyncadd.s32 $0xFFFFE000  }
0x27: {  	_ =	swait.ge [sflag:s17], $0x2000  }
0x28: {  	s19 =	sadd.s32 $0x1, s19;
	s5 =	rddreg [dreg:$0x8]  }
0x29: {  	p1 =	sne.s32 s19, s5  }
.Ltmp1:
0x2a: {  	_ = 	snop;
	(pc) =	sbr.rel @!p1 .LBB2_5-.Ltmp1, $3  }
0x2b: {  	_ =	sdelay $0x1  }
0x2c: {  	[sflag:s17] =	ssyncset.done $0x0  }
0x2d: {  	[sflag:s17] =	ssyncadd.s32 $0xFFFFE000  }
.LBB2_1:
0x2e: {  	s5 =	rddreg [dreg:$0x5]  }
0x2f: {  	[tilespmem:s4], [sflag:$0xC] =	stream.linear.gather [hbm4b:s5+s4], $0xC80, $0x38;
	[tilespmem:$0xD080] =	vst v63  }
0x30: {  	_ =	swait.ge [sflag:s14], $0xC80  }
0x31: {  	s8 =	simm.s32 @!p0 $0x0;
	s9 =	simm.s32 @!p0 $0xB000;
	[sflag:s14] =	ssyncset.done $0x0  }
0x32: {  	s10 =	simm.s32 @!p0 $0xC;
	s5 =	rddreg [dreg:$0x6];
	[sflag:s14] =	ssyncadd.s32 $0xFFFFF380  }
0x33: {  	[tilespmem:s9], [sflag:$0xC] =	stream.linear.gather @!p0 [hbm4b:s5+s8], $0x80, $0x38;
	[tilespmem:$0xD080] =	vst v63  }
0x34: {  	_ =	swait.ge @!p0 [sflag:s10], $0x80  }
0x35: {  	[sflag:s10] =	ssyncset.done @!p0 $0x0  }
0x36: {  	[sflag:s10] =	ssyncadd.s32 @!p0 $0xFFFFFF80  }
0x37: {  	s11 =	simm.s32 @!p0 $0x40;
	s12 =	simm.s32 @!p0 $0xB080;
	s5 =	rddreg [dreg:$0x3]  }
0x38: {  	[tilespmem:s12], [sflag:$0x1] =	stream.indirect.gather @!p0 [hbm4b:s5+s11], $0x80, s9, s11, $0xb8;
	[tilespmem:$0xD080] =	vst v63  }
0x39: {  	s9 =	simm.s32 @!p0 $0x1  }
0x3a: {  	_ =	swait.ge @!p0 [sflag:s9], $0x2000  }
0x3b: {  	[sflag:s9] =	ssyncset.done @!p0 $0x0  }
0x3c: {  	s5 =	rddreg [dreg:$0x7];
	[sflag:s9] =	ssyncadd.s32 @!p0 $0xFFFFE000  }
0x3d: {  	[hbm4b:s5+s8] =	stream.linear.scatter @!p0 [tilespmem:s12], [sflag:$0xC], $0x2000, $0x38;
	[tilespmem:$0xD080] =	vst v63  }
0x3e: {  	_ =	swait.ge @!p0 [sflag:s10], $0x2000  }
0x3f: {  	[sflag:s10] =	ssyncset.done @!p0 $0x0  }
0x40: {  	[sflag:s10] =	ssyncadd.s32 @!p0 $0xFFFFE000  }
0x41: {  	[tilespmem:s16], [sflag:$0x2] =	stream.indirect.gather [hbm4b:s2+s15], $0x80, s4, s15, $0xb8;
	[tilespmem:$0xD080] =	vst v63  }
0x42: {  	s11 =	simm.s32 $0x80;
	s9 =	rddreg [dreg:$0x9]  }
0x43: {  	[tilespmem:s18], [sflag:$0x3] =	stream.indirect.gather [hbm4b:s2+s15], $0x80, s11, s15, $0xb8;
	[tilespmem:$0xD080] =	vst v63  }
0x44: {  	s12 =	simm.s32 $0x100;
	s10 =	rddreg [dreg:$0xa]  }
0x45: {  	[tilespmem:s20], [sflag:$0x4] =	stream.indirect.gather [hbm4b:s2+s15], $0x80, s12, s15, $0xb8;
	[tilespmem:$0xD080] =	vst v63  }
0x46: {  	s13 =	simm.s32 $0x180;
	s23 =	simm.s32 $0x200;
	s11 =	rddreg [dreg:$0xb]  }
0x47: {  	[tilespmem:s22], [sflag:$0x5] =	stream.indirect.gather [hbm4b:s2+s15], $0x80, s13, s15, $0xb8;
	[tilespmem:$0xD080] =	vst v63  }
0x48: {  	s8 =	simm.s32 $0x0;
	s12 =	rddreg [dreg:$0xc];
	s13 =	smov.u32 s21  }
0x49: {  	[tilespmem:s24], [sflag:$0x6] =	stream.indirect.gather [hbm4b:s2+s15], $0x80, s23, s15, $0xb8;
	[tilespmem:$0xD080] =	vst v63  }
.LBB2_2:
0x4a: {  	_ =	swait.ge [sflag:s25], $0x2000  }
0x4b: {  	p1 =	seq.s32 s8, $0x0;
	[sflag:s25] =	ssyncset.done $0x0  }
0x4c: {  	s7 =	simm.s32 @!p1 $0xA;
	[sflag:s25] =	ssyncadd.s32 $0xFFFFE000  }
0x4d: {  	[hbm4b:s9+s4] =	stream.linear.scatter [tilespmem:s16], [sflag:$0x7], $0x2000, $0x38;
	[tilespmem:$0xD080] =	vst v63  }
0x4e: {  	_ =	swait.ge @!p1 [sflag:s7], $0x2000  }
0x4f: {  	[sflag:s7] =	ssyncset.done @!p1 $0x0  }
0x50: {  	[sflag:s7] =	ssyncadd.s32 @!p1 $0xFFFFE000;
	s7 =	sshra.s32 @!p1 s8, $0x2  }
0x51: {  	s5 =	simm.s32 @!p1 $0x40;
	s23 =	simm.s32 @!p1 $0x7000;
	s6 =	sadd.s32 @!p1 $0x180, s7  }
0x52: {  	[tilespmem:s23], [sflag:$0x5] =	stream.indirect.gather @!p1 [hbm4b:s2+s5], $0x80, s6, s5, $0xb8;
	[tilespmem:$0xD080] =	vst v63  }
0x53: {  	_ =	swait.ge [sflag:s26], $0x2000  }
0x54: {  	[sflag:s26] =	ssyncset.done $0x0  }
0x55: {  	s6 =	simm.s32 @!p1 $0xB;
	[sflag:s26] =	ssyncadd.s32 $0xFFFFE000  }
0x56: {  	[hbm4b:s13+s4] =	stream.linear.scatter [tilespmem:s18], [sflag:$0x8], $0x2000, $0x38;
	[tilespmem:$0xD080] =	vst v63  }
0x57: {  	_ =	swait.ge @!p1 [sflag:s6], $0x2000  }
0x58: {  	[sflag:s6] =	ssyncset.done @!p1 $0x0  }
0x59: {  	[sflag:s6] =	ssyncadd.s32 @!p1 $0xFFFFE000;
	s6 =	sadd.s32 @!p1 $0x200, s7;
	s7 =	simm.s32 @!p1 $0x9000  }
0x5a: {  	[tilespmem:s7], [sflag:$0x6] =	stream.indirect.gather @!p1 [hbm4b:s2+s5], $0x80, s6, s5, $0xb8;
	[tilespmem:$0xD080] =	vst v63  }
0x5b: {  	_ =	swait.ge [sflag:s28], $0x2000  }
0x5c: {  	p1 =	seq.s32 s8, $0x2800;
	[sflag:s28] =	ssyncset.done $0x0  }
0x5d: {  	s5 =	simm.s32 @!p1 $0x7;
	[sflag:s28] =	ssyncadd.s32 $0xFFFFE000  }
0x5e: {  	[hbm4b:s12+s4] =	stream.linear.scatter [tilespmem:s20], [sflag:$0x9], $0x2000, $0x38;
	[tilespmem:$0xD080] =	vst v63  }
0x5f: {  	_ =	swait.ge @!p1 [sflag:s5], $0x2000  }
0x60: {  	[sflag:s5] =	ssyncset.done @!p1 $0x0  }
0x61: {  	[sflag:s5] =	ssyncadd.s32 @!p1 $0xFFFFE000;
	s5 =	sshra.s32 @!p1 s8, $0x2  }
0x62: {  	s7 =	simm.s32 @!p1 $0x40;
	s23 =	simm.s32 @!p1 $0x1000;
	s6 =	sadd.s32 @!p1 $0x280, s5  }
0x63: {  	[tilespmem:s23], [sflag:$0x2] =	stream.indirect.gather @!p1 [hbm4b:s2+s7], $0x80, s6, s7, $0xb8;
	[tilespmem:$0xD080] =	vst v63  }
0x64: {  	_ =	swait.ge [sflag:s29], $0x2000  }
0x65: {  	[sflag:s29] =	ssyncset.done $0x0  }
0x66: {  	s6 =	simm.s32 @!p1 $0x8;
	[sflag:s29] =	ssyncadd.s32 $0xFFFFE000  }
0x67: {  	[hbm4b:s11+s4] =	stream.linear.scatter [tilespmem:s22], [sflag:$0xA], $0x2000, $0x38;
	[tilespmem:$0xD080] =	vst v63  }
0x68: {  	_ =	swait.ge @!p1 [sflag:s6], $0x2000  }
0x69: {  	[sflag:s6] =	ssyncset.done @!p1 $0x0  }
0x6a: {  	s5 =	sadd.s32 @!p1 $0x300, s5;
	[sflag:s6] =	ssyncadd.s32 @!p1 $0xFFFFE000;
	s6 =	simm.s32 @!p1 $0x3000  }
0x6b: {  	[tilespmem:s6], [sflag:$0x3] =	stream.indirect.gather @!p1 [hbm4b:s2+s7], $0x80, s5, s7, $0xb8;
	[tilespmem:$0xD080] =	vst v63  }
.Ltmp2:
0x6c: {  	_ = 	snop;
	(pc) =	sbr.rel @p1 .LBB2_4-.Ltmp2, $4  }
0x6d: {  	_ =	swait.ge [sflag:s30], $0x2000  }
0x6e: {  	[sflag:s30] =	ssyncset.done $0x0  }
0x6f: {  	[sflag:s30] =	ssyncadd.s32 $0xFFFFE000  }
0x70: {  	[hbm4b:s10+s4] =	stream.linear.scatter [tilespmem:s24], [sflag:$0xB], $0x2000, $0x38;
	[tilespmem:$0xD080] =	vst v63  }
.Ltmp3:
0x71: {  	_ =	swait.ge [sflag:s1], $0x2000;
	s5 =	sshra.s32 s8, $0x2;
	(pc) =	sbr.rel .LBB2_2-.Ltmp3, $4  }
0x72: {  	s8 =	sadd.s32 $0xA00, s8;
	s9 =	sadd.s32 $0x1400, s9;
	s10 =	sadd.s32 $0x1400, s10  }
0x73: {  	s11 =	sadd.s32 $0x1400, s11;
	s12 =	sadd.s32 $0x1400, s12;
	[sflag:s1] =	ssyncset.done $0x0  }
0x74: {  	s13 =	sadd.s32 $0x1400, s13;
	s5 =	sadd.s32 $0x380, s5;
	[sflag:s1] =	ssyncadd.s32 $0xFFFFE000  }
0x75: {  	[tilespmem:s20], [sflag:$0x4] =	stream.indirect.gather [hbm4b:s2+s15], $0x80, s5, s15, $0xb8;
	[tilespmem:$0xD080] =	vst v63  }
.LBB2_5:
0x76: {  	_ =	sfence.sel $0x180000  }
0x77: {  	[bflag:$0x0] =	sbarrier.arrive $0xFFFF  }
0x78: {  	_ =	strace $0x90000050  }
0x79: {  	s0 =	stileid.u32;
	[bflag:$0x2] =	sbarrier.arrive $0xFFFF  }
0x7a: {  	p0 =	sne.s32 s0, $0x0;
	s0 =	rddreg [dreg:$0x4]  }
0x7b: {  	s0 =	sadd.s32 @!p0 $0x100000, s0  }
0x7c: {  	[sflag:s0] =	ssyncadd.tile.s32 @!p0 $0x1;
	_ =	shalt  }
.Lfunc_end2:
_tile_overlayer_lowered:
.L_overlay_start_2:
0x7d: {  	(tag) =	ssettag $0x2  }
0x7e: {  	s0 =	rddreg [dreg:$0x0];
	s2 =	stileid.u32  }
0x7f: {  	s1 =	rddreg [dreg:$0x1];
	p0 =	sne.s32 s2, $0x0  }
0x80: {  	s3 =	rddreg [dreg:$0x2];
	[bflag:$0x3] =	sbarrier.arrive $0xFFFF;
	s2 =	simm.s32 @!p0 $0x1C0C  }
0x81: {  	[timem:s3], [sflag:s2] =	dma.local @!p0 [hbm:s0], s1  }
0x82: {  	s0 =	simm.s32 @!p0 $0xC  }
0x83: {  	_ =	swait.ge @!p0 [sflag:s0], s1  }
0x84: {  	s1 =	ssub.s32 @!p0 $0x0, s1;
	[sflag:s0] =	ssyncset.done @!p0 $0x0  }
0x85: {  	[sflag:s0] =	ssyncadd.s32 @!p0 s1  }
0x86: {  	[bflag:$0x3] =	sbarrier.arrive $0xFFFF  }
0x87: {  	_ =	shalt  }

</sc_bundles>
